<compile_context>
chip_gen: v7x
topology: tpu7x:2x2x1
jax: 0.10.2.dev20260603
libtpu: 0.0.44.dev20260713+nightly
codegen_flags: <defaults>
</compile_context>

<pallas_src>
import dataclasses

import jax
import jax.numpy as jnp
from jax import lax
from jax.experimental import pallas as pl
from jax.experimental.pallas import tpu as pltpu
from jax.experimental.pallas import tpu_sc as plsc

_L = 16
_ALPHA = 0.1
_GAMMA = 0.9
_NC = 2
_NS = 16
_B = 128


def _make_edge_pass(n, e_pad, mode):
    first = mode != 'r1'
    counts = mode == 'counts'
    per_tile = e_pad // _NS
    nblk = per_tile // _B
    n_pad = ((n + _NS * 8 - 1) // (_NS * 8)) * (_NS * 8)
    rows_per_tile = n_pad // _NS
    zrows = 8
    nz = rows_per_tile // 8

    mesh = plsc.VectorSubcoreMesh(core_axis_name="c", subcore_axis_name="s")

    out_type = jax.ShapeDtypeStruct((_NC, n_pad, _L), jnp.float32)

    scratch = [
        pltpu.VMEM_SHARED((n_pad, _L), jnp.float32),
        pltpu.VMEM((_B,), jnp.int32),
        pltpu.VMEM((_B,), jnp.int32),
        pltpu.VMEM((_B,), jnp.float32),
        pltpu.VMEM((_B,), jnp.float32),
        pltpu.VMEM((_B, _L), jnp.float32),
        pltpu.VMEM((3, _L), jnp.float32),
        pltpu.VMEM((_B,), jnp.int32),
    ]
    if not first:
        scratch += [
            pltpu.VMEM((_B, 128), jnp.float32),
            pltpu.VMEM((_B, 128), jnp.float32),
        ]

    def body(*refs):
        if first:
            (i_hbm, j_hbm, a0_hbm, a1_hbm, w_hbm, a_out,
             acc, ivec, jvec, a0b, a1b, vbuf, wbuf, idxb) = refs
        else:
            (i_hbm, j_hbm, a0_hbm, a1_hbm, w_hbm, g_hbm, a_out,
             acc, ivec, jvec, a0b, a1b, vbuf, wbuf, idxb,
             prow, qrow) = refs

        c = lax.axis_index("c")
        s = lax.axis_index("s")
        row0 = s * rows_per_tile
        iot16 = lax.iota(jnp.int32, _L)
        zero16 = jnp.zeros((_L,), jnp.float32)
        nzb = (rows_per_tile + _B - 1) // _B

        @pl.loop(0, _B)
        def _(r):
            vbuf[r] = zero16

        def fill_idx(k):
            @pl.loop(0, _B // _L)
            def _(g2):
                v = row0 + k * _B + g2 * _L + iot16
                idxb[pl.ds(g2 * _L, _L)] = jnp.minimum(v, n_pad - 1)

        @pl.loop(0, nzb)
        def _(k):
            fill_idx(k)
            pltpu.sync_copy(vbuf, acc.at[idxb])

        pltpu.sync_copy(w_hbm.at[c], wbuf)
        plsc.subcore_barrier()

        w0 = wbuf[0]
        w1 = wbuf[1]
        bv = wbuf[2]
        iot = lax.iota(jnp.int32, _L)
        oh0 = (iot == 0).astype(jnp.float32)
        oh1 = (iot == 1).astype(jnp.float32)
        base = s * per_tile
        cn = c * n

        bcast_dnums = lax.GatherDimensionNumbers(
            offset_dims=(), collapsed_slice_dims=(0,), start_index_map=(0,))

        def bcast(vec, kk):
            idx = jnp.full((_L, 1), kk, jnp.int32)
            return lax.gather(vec, idx, bcast_dnums, (1,),
                              mode=lax.GatherScatterMode.PROMISE_IN_BOUNDS)

        @pl.loop(0, nblk)
        def _(blk):
            off = base + blk * _B
            pltpu.sync_copy(i_hbm.at[c, pl.ds(off, _B)], ivec)
            pltpu.sync_copy(j_hbm.at[c, pl.ds(off, _B)], jvec)
            pltpu.sync_copy(a0_hbm.at[pl.ds(off, _B)], a0b)
            pltpu.sync_copy(a1_hbm.at[pl.ds(off, _B)], a1b)
            if not first:
                pltpu.sync_copy(g_hbm.at[ivec], prow)
                pltpu.sync_copy(g_hbm.at[jvec], qrow)

            @pl.loop(0, _B // _L)
            def _(g):
                sl = pl.ds(g * _L, _L)
                i16 = ivec[sl]
                j16 = jvec[sl]
                a016 = a0b[sl]
                a116 = a1b[sl]
                m16 = jnp.where(i16 != j16, jnp.float32(1.0), jnp.float32(0.0))

                @pl.loop(0, _L)
                def _(kk):
                    ee = g * _L + kk
                    mv = bcast(m16, kk)
                    if counts:
                        a0v = bcast(a016, kk)
                        vbuf[ee] = mv * oh0 - a0v * (1.0 - mv) * oh1
                    else:
                        a0v = bcast(a016, kk)
                        a1v = bcast(a116, kk)
                        u = a0v * w0 + a1v * w1 + bv
                        if not first:
                            ci = c * 32
                            u = (u + prow[ee, pl.ds(ci, _L)]
                                 + qrow[ee, pl.ds(ci + _L, _L)])
                        vbuf[ee] = jnp.maximum(u, 0.0) * mv

            pltpu.sync_copy(vbuf, acc.at[ivec], add=True)

        plsc.subcore_barrier()

        tail = rows_per_tile - (nzb - 1) * _B

        @pl.loop(0, nzb - 1)
        def _(k):
            fill_idx(k)
            pltpu.sync_copy(acc.at[idxb], vbuf)
            pltpu.sync_copy(vbuf, a_out.at[c, pl.ds(row0 + k * _B, _B)])

        fill_idx(nzb - 1)
        pltpu.sync_copy(acc.at[idxb], vbuf)
        pltpu.sync_copy(
            vbuf.at[pl.ds(0, tail)],
            a_out.at[c, pl.ds(row0 + (nzb - 1) * _B, tail)])

    cp = pltpu.CompilerParams()
    if "needs_layout_passes" in pltpu.CompilerParams.__dataclass_fields__:
        cp = dataclasses.replace(cp, needs_layout_passes=False)
    return pl.kernel(body, out_type=out_type, mesh=mesh, scratch_types=scratch,
                     compiler_params=cp)


def _make_node_pass(n, last, bn=2000):
    grid = (n // bn,)

    def rowspec(d):
        return pl.BlockSpec((bn, d), lambda i: (i, 0))

    def wspec(shape):
        return pl.BlockSpec(shape, lambda i: (0, 0))

    in_specs = [
        rowspec(_L),
        rowspec(_L),
        rowspec(_L),
        rowspec(1),
        rowspec(1),
        rowspec(1),
        rowspec(3),
        rowspec(2),
        wspec((_L, _L)),
        wspec((1, _L)),
        wspec((_L, _L)),
        wspec((1, _L)),
        wspec((_L, _L)),
        wspec((1, _L)),
        wspec((1, _L)),
        wspec((_L, _L)),
        wspec((1, _L)),
        wspec((_L, 3 * _L)),
        wspec((_L, 3 * _L)),
        wspec((_L, 3 * _L)),
        wspec((_L, 3 * _L)),
        wspec((3, 3 * _L)),
        wspec((1, 3 * _L)),
        wspec((1, 3 * _L)),
        wspec((_L, _L)),
        wspec((1, _L)),
        wspec((_L, 2)),
        wspec((1, 2)),
    ]
    if not last:
        in_specs += [wspec((_L, _L))] * 4

    if last:
        out_specs = [rowspec(2), pl.BlockSpec((1, 1), lambda i: (0, 0))]
        out_shape = [jax.ShapeDtypeStruct((n, 2), jnp.float32),
                     jax.ShapeDtypeStruct((1, 1), jnp.float32)]
    else:
        out_specs = [rowspec(_L), rowspec(128),
                     pl.BlockSpec((1, 1), lambda i: (0, 0))]
        out_shape = [jax.ShapeDtypeStruct((n, _L), jnp.float32),
                     jax.ShapeDtypeStruct((n, 128), jnp.float32),
                     jax.ShapeDtypeStruct((1, 1), jnp.float32)]

    def body(*refs):
        (h_ref, rto_ref, rfr_ref, ct_ref, cf_ref, lf_ref, x_ref, y_ref,
         wt2t, bt2, wf2t, bf2, wl1ht, wl1l, bl1, wl2t, bl2,
         wih_ht, wih_tt, wih_ft, wih_lt, wih_xt, bih, bhh,
         wd1t, bd1, wd2t, bd2) = refs[:28]
        rest = refs[28:]
        if last:
            f_ref, loss_ref = rest
        else:
            wt1at, wt1bt, wf1at, wf1bt, hn_ref, g_ref, loss_ref = rest

        def dot(a, b):
            return jnp.dot(a, b, preferred_element_type=jnp.float32,
                           precision=lax.Precision.HIGHEST)

        h = h_ref[...]
        ct = ct_ref[...]
        cf = cf_ref[...]
        ctm = jnp.maximum(ct, 1.0)
        cfm = jnp.maximum(cf, 1.0)
        mess_to = dot(rto_ref[...] / ctm, wt2t[...]) + bt2[...] * (ct / ctm)
        mess_fr = dot(rfr_ref[...] / cfm, wf2t[...]) + bf2[...] * (cf / cfm)
        loop_h = dot(h, wl1ht[...]) + lf_ref[...] * wl1l[...] + bl1[...]
        loop_out = dot(jnp.maximum(loop_h, 0.0), wl2t[...]) + bl2[...]
        gi = (dot(h, wih_ht[...]) + dot(mess_to, wih_tt[...])
              + dot(mess_fr, wih_ft[...]) + dot(loop_out, wih_lt[...])
              + dot(x_ref[...], wih_xt[...]) + bih[...])
        ghv = bhh[...]
        r = jax.nn.sigmoid(gi[:, :_L] + ghv[:, :_L])
        z = jax.nn.sigmoid(gi[:, _L:2 * _L] + ghv[:, _L:2 * _L])
        nn_ = jnp.tanh(gi[:, 2 * _L:] + r * ghv[:, 2 * _L:])
        hn = h + _ALPHA * (1.0 - z) * nn_
        f = dot(jnp.maximum(dot(hn, wd1t[...]) + bd1[...], 0.0), wd2t[...]) + bd2[...]

        @pl.when(pl.program_id(0) == 0)
        def _():
            loss_ref[...] = jnp.zeros_like(loss_ref)

        loss_ref[...] += jnp.sum((f - y_ref[...]) ** 2).reshape(1, 1)

        if last:
            f_ref[...] = f
        else:
            hn_ref[...] = hn
            g_ref[...] = jnp.concatenate(
                [dot(hn, wt1at[...]), dot(hn, wt1bt[...]),
                 dot(hn, wf1at[...]), dot(hn, wf1bt[...]),
                 jnp.zeros((hn.shape[0], 64), jnp.float32)], axis=1)

    return pl.pallas_call(body, grid=grid, in_specs=in_specs,
                          out_specs=out_specs, out_shape=out_shape)


def kernel(x, edge_index, edge_attr, y, Wt1, bt1, Wt2, bt2, Wf1, bf1, Wf2, bf2,
           Wl1, bl1, Wl2, bl2, Wih, bih, Whh, bhh, Wd1, bd1, Wd2, bd2):
    n = x.shape[0]
    e = edge_index.shape[1]
    chunk = _NS * _B
    e_pad = ((e + chunk - 1) // chunk) * chunk
    pad = e_pad - e

    src = edge_index[0]
    dst = edge_index[1]
    iarr = jnp.stack([jnp.pad(dst, (0, pad)), jnp.pad(src, (0, pad))])
    jarr = jnp.stack([jnp.pad(src, (0, pad)), jnp.pad(dst, (0, pad))])
    a0_p = jnp.pad(edge_attr[:, 0], (0, pad))
    a1_p = jnp.pad(edge_attr[:, 1], (0, pad))
    w_sc = jnp.stack([
        jnp.stack([Wt1[:, 2 * _L], Wt1[:, 2 * _L + 1], bt1]),
        jnp.stack([Wf1[:, 2 * _L], Wf1[:, 2 * _L + 1], bf1]),
    ])

    a0_out = _make_edge_pass(n, e_pad, 'r0')(iarr, jarr, a0_p, a1_p, w_sc)
    c_out = _make_edge_pass(n, e_pad, 'counts')(iarr, jarr, a0_p, a1_p, w_sc)
    rto, rfr = a0_out[0, :n], a0_out[1, :n]
    ct = c_out[0, :n, 0:1]
    cf = c_out[1, :n, 0:1]
    lf = c_out[1, :n, 1:2]

    row = lambda v: v.reshape(1, -1)
    wcommon = (
        Wt2.T, row(bt2), Wf2.T, row(bf2),
        (Wl1[:, :_L] + Wl1[:, _L:2 * _L]).T, row(Wl1[:, 2 * _L]), row(bl1),
        Wl2.T, row(bl2),
        Wih[:, :_L].T, Wih[:, _L:2 * _L].T, Wih[:, 2 * _L:3 * _L].T,
        Wih[:, 3 * _L:4 * _L].T, Wih[:, 4 * _L:].T, row(bih), row(bhh),
        Wd1.T, row(bd1), Wd2.T, row(bd2),
    )
    wtables = (Wt1[:, :_L].T, Wt1[:, _L:2 * _L].T,
               Wf1[:, :_L].T, Wf1[:, _L:2 * _L].T)

    hz = jnp.zeros((n, _L), jnp.float32)
    hn, g_tab, ls0 = _make_node_pass(n, False)(
        hz, rto, rfr, ct, cf, lf, x, y, *wcommon, *wtables)

    a1_out = _make_edge_pass(n, e_pad, 'r1')(
        iarr, jarr, a0_p, a1_p, w_sc, g_tab)

    f, ls1 = _make_node_pass(n, True)(
        hn, a1_out[0, :n], a1_out[1, :n], ct, cf, lf, x, y, *wcommon)

    denom = jnp.float32(n * 2)
    l0 = ls0[0, 0] / denom
    l1 = ls1[0, 0] / denom
    total = l0 * jnp.float32(_GAMMA) + l1
    return (f, total, jnp.stack([l0, l1]))

# --- scband reference (transcript-rebuilt; emitter-appended) ---
"""Pipeline reference for scband-my-own-dssnet-53824530153651 (READ-ONLY COPY).

The authoritative reference and input builder live on the scoring server;
editing this copy changes nothing except your own understanding.
"""

import jax, jax.numpy as jnp
import numpy as np

L = 16
N = 50000
E = 800000
K = 2
GAMMA = 0.9
ALPHA = 0.1


def _mlp(t, W1, b1, W2, b2):
    h = jnp.maximum(t @ W1.T + b1, 0.0)
    return h @ W2.T + b2


def setup_inputs(seed: int = 0):
    key = jax.random.key(seed)
    ks = jax.random.split(key, 32)

    def w(i, shape, s=0.05):
        return jax.random.normal(ks[i], shape, dtype=jnp.float32) * s

    inp = {}
    inp["x"] = jax.random.normal(ks[0], (N, 3), dtype=jnp.float32)
    inp["edge_index"] = jax.random.randint(ks[1], (2, E), 0, N)
    inp["edge_attr"] = jax.random.uniform(ks[2], (E, 2), dtype=jnp.float32)
    inp["y"] = jax.random.normal(ks[3], (N, 2), dtype=jnp.float32)
    # phi_to MLP: Linear(2L+2 -> L), ReLU, Linear(L -> L)
    inp["Wt1"] = w(4, (L, 2 * L + 2)); inp["bt1"] = w(5, (L,))
    inp["Wt2"] = w(6, (L, L)); inp["bt2"] = w(7, (L,))
    # phi_from MLP: Linear(2L+2 -> L), ReLU, Linear(L -> L)
    inp["Wf1"] = w(8, (L, 2 * L + 2)); inp["bf1"] = w(9, (L,))
    inp["Wf2"] = w(10, (L, L)); inp["bf2"] = w(11, (L,))
    # phi_loop MLP: Linear(2L+1 -> L), ReLU, Linear(L -> L)
    inp["Wl1"] = w(12, (L, 2 * L + 1)); inp["bl1"] = w(13, (L,))
    inp["Wl2"] = w(14, (L, L)); inp["bl2"] = w(15, (L,))
    # GRU: input 4L+3, hidden L
    inp["Wih"] = w(16, (3 * L, 4 * L + 3)); inp["bih"] = w(17, (3 * L,))
    inp["Whh"] = w(18, (3 * L, L)); inp["bhh"] = w(19, (3 * L,))
    # decoder: Linear(L -> L), ReLU, Linear(L -> 2)
    inp["Wd1"] = w(20, (L, L)); inp["bd1"] = w(21, (L,))
    inp["Wd2"] = w(22, (2, L)); inp["bd2"] = w(23, (2,))
    return inp


def reference(x, edge_index, edge_attr, y, Wt1, bt1, Wt2, bt2, Wf1, bf1, Wf2, bf2,
              Wl1, bl1, Wl2, bl2, Wih, bih, Whh, bhh, Wd1, bd1, Wd2, bd2):
    # dropout_adj omitted (deterministic eval); remove_self_loops handled via mask.
    src = edge_index[0]
    dst = edge_index[1]
    n = x.shape[0]
    mask = (src != dst).astype(jnp.float32)
    self_m = 1.0 - mask
    # Loop: add_self_loops(weight=edge_attr[:,0], fill=1); adj.diagonal() sums duplicates
    diag = 1.0 + jax.ops.segment_sum(edge_attr[:, 0] * self_m, src, num_segments=n)
    loop_feat = (1.0 - diag)[:, None]

    H = jnp.zeros((n, L), dtype=jnp.float32)
    F = _mlp(H, Wd1, bd1, Wd2, bd2)
    total = jnp.float32(0.0)
    losses = []
    for u in range(K):
        h_s = H[src]
        h_d = H[dst]
        # phi_to: flow source_to_target -> i = dst, j = src, mean-aggregate at dst
        m_to = _mlp(jnp.concatenate([h_d, h_s, edge_attr], axis=1), Wt1, bt1, Wt2, bt2)
        s_to = jax.ops.segment_sum(m_to * mask[:, None], dst, num_segments=n)
        c_to = jax.ops.segment_sum(mask, dst, num_segments=n)
        mess_to = s_to / jnp.maximum(c_to, 1.0)[:, None]
        # phi_from: flow target_to_source -> i = src, j = dst, mean-aggregate at src
        m_fr = _mlp(jnp.concatenate([h_s, h_d, edge_attr], axis=1), Wf1, bf1, Wf2, bf2)
        s_fr = jax.ops.segment_sum(m_fr * mask[:, None], src, num_segments=n)
        c_fr = jax.ops.segment_sum(mask, src, num_segments=n)
        mess_from = s_fr / jnp.maximum(c_fr, 1.0)[:, None]
        # loop
        loop_out = _mlp(jnp.concatenate([H, H, loop_feat], axis=1), Wl1, bl1, Wl2, bl2)
        # GRU single step, h0 = 0
        concat = jnp.concatenate([H, mess_to, mess_from, loop_out, x], axis=1)
        gi = concat @ Wih.T + bih
        gh = bhh  # h0 = 0 -> h0 @ Whh.T + bhh = bhh
        r = jax.nn.sigmoid(gi[:, :L] + gh[:L])
        z = jax.nn.sigmoid(gi[:, L:2 * L] + gh[L:2 * L])
        nn_ = jnp.tanh(gi[:, 2 * L:] + r * gh[2 * L:])
        new_h = (1.0 - z) * nn_
        H = new_h * ALPHA + H
        F = _mlp(H, Wd1, bd1, Wd2, bd2)
        lu = jnp.mean((F - y) ** 2)
        total = total + lu * (GAMMA ** (K - u - 1))
        losses.append(lu)
    return (F, total, jnp.stack(losses))

if __name__ == "__main__":
    import jax
    _d = setup_inputs()
    print(jax.jit(kernel)(*tuple(_d.values())))

</pallas_src>

<mosaic_0001>
#map = affine_map<(d0, d1) -> (0, 0)>
#map1 = affine_map<(d0, d1) -> (0)>
#map2 = affine_map<(d0, d1) -> (0, 0, 0)>
module attributes {stable_mosaic.version = 14 : i64} {
  func.func @body(%arg0: i32, %arg1: i32, %arg2: memref<2x800768xi32, #tpu.memory_space<hbm>>, %arg3: memref<2x800768xi32, #tpu.memory_space<hbm>>, %arg4: memref<800768xf32, #tpu.memory_space<hbm>>, %arg5: memref<800768xf32, #tpu.memory_space<hbm>>, %arg6: memref<2x3x16xf32, #tpu.memory_space<hbm>>, %arg7: memref<2x50048x16xf32, #tpu.memory_space<hbm>>, %arg8: memref<50048x16xf32, #tpu.memory_space<vmem_shared>>, %arg9: memref<128xi32, #tpu.memory_space<vmem>>, %arg10: memref<128xi32, #tpu.memory_space<vmem>>, %arg11: memref<128xf32, #tpu.memory_space<vmem>>, %arg12: memref<128xf32, #tpu.memory_space<vmem>>, %arg13: memref<128x16xf32, #tpu.memory_space<vmem>>, %arg14: memref<3x16xf32, #tpu.memory_space<vmem>>, %arg15: memref<128xi32, #tpu.memory_space<vmem>>) attributes {dimension_semantics = [#tpu.dimension_semantics<core_parallel>, #tpu.dimension_semantics<subcore_parallel>], iteration_bounds = array<i64: 2, 16>, scalar_prefetch = 0 : i64, scratch_operands = 8 : i64, tpu.core_type = #tpu.core_type<sc_vector_subcore>, window_params = [{transform_indices = #map}, {transform_indices = #map}, {transform_indices = #map1}, {transform_indices = #map1}, {transform_indices = #map2}, {transform_indices = #map2}]} {
    %mul3A = arith.constant 3128 : i32
    %mul3A_0 = arith.muli %arg1, %mul3A : i32
    %iota3A = tpu.iota {dimensions = array<i32: 0>} : vector<16xi32>
    %broadcast_in_dim3A = arith.constant 0.000000e+00 : f32
    %broadcast_in_dim3A_1 = vector.broadcast %broadcast_in_dim3A : f32 to vector<16xf32>
    %scan3A = arith.constant 0 : i32
    %scan3A_2 = arith.constant 128 : i32
    %scan3A_3 = arith.addi %scan3A, %scan3A_2 : i32
    %scan3A_4 = arith.constant 1 : i32
    scf.for %scan3A_52 = %scan3A to %scan3A_3 step %scan3A_4  : i32 {
      %mul3A_53 = arith.constant 1 : i32
      %mul3A_54 = arith.muli %scan3A_52, %mul3A_53 : i32
      %add3A_55 = arith.constant 0 : i32
      %add3A_56 = arith.addi %add3A_55, %mul3A_54 : i32
      %swap3A = arith.index_cast %add3A_56 : i32 to index
      %swap3A_57 = arith.constant 0 : index
      %swap3A_58 = tpu.vector_load %arg13[%swap3A, %swap3A_57] {strides = array<i32>} : memref<128x16xf32, #tpu.memory_space<vmem>>, vector<16xf32>,
      tpu.vector_store %arg13[%swap3A, %swap3A_57], %broadcast_in_dim3A_1 {strides = array<i32>} : memref<128x16xf32, #tpu.memory_space<vmem>>, vector<16xf32>,
    }
    %scan3A_5 = arith.constant 128 : i32
    %scan3A_6 = arith.constant 0 : i32
    %scan3A_7 = arith.constant 25 : i32
    %scan3A_8 = arith.addi %scan3A_6, %scan3A_7 : i32
    %scan3A_9 = arith.constant 1 : i32
    scf.for %scan3A_52 = %scan3A_6 to %scan3A_8 step %scan3A_9  : i32 {
      %mul3A_53 = arith.constant 1 : i32
      %mul3A_54 = arith.muli %scan3A_52, %mul3A_53 : i32
      %add3A_55 = arith.constant 0 : i32
      %add3A_56 = arith.addi %add3A_55, %mul3A_54 : i32
      %scan3A_57 = arith.constant 0 : i32
      %scan3A_58 = arith.constant 8 : i32
      %scan3A_59 = arith.addi %scan3A_57, %scan3A_58 : i32
      %scan3A_60 = arith.constant 1 : i32
      scf.for %scan3A_62 = %scan3A_57 to %scan3A_59 step %scan3A_60  : i32 {
        %mul3A_63 = arith.constant 1 : i32
        %mul3A_64 = arith.muli %scan3A_62, %mul3A_63 : i32
        %add3A_65 = arith.constant 0 : i32
        %add3A_66 = arith.addi %add3A_65, %mul3A_64 : i32
        %mul3A_67 = arith.constant 128 : i32
        %mul3A_68 = arith.muli %add3A_56, %mul3A_67 : i32
        %add3A_69 = arith.addi %mul3A_0, %mul3A_68 : i32
        %mul3A_70 = arith.constant 16 : i32
        %mul3A_71 = arith.muli %add3A_66, %mul3A_70 : i32
        %add3A_72 = arith.addi %add3A_69, %mul3A_71 : i32
        %add3A_73 = vector.broadcast %add3A_72 : i32 to vector<16xi32>
        %add3A_74 = arith.addi %add3A_73, %iota3A : vector<16xi32>
        %min3A = arith.constant 50047 : i32
        %min3A_75 = vector.broadcast %min3A : i32 to vector<16xi32>
        %min3A_76 = arith.minsi %add3A_74, %min3A_75 : vector<16xi32>
        %mul3A_77 = arith.constant 16 : i32
        %mul3A_78 = arith.muli %add3A_66, %mul3A_77 : i32
        %swap3A = arith.index_cast %mul3A_78 : i32 to index
        %swap3A_79 = tpu.vector_load %arg15[%swap3A] {strides = array<i32>} : memref<128xi32, #tpu.memory_space<vmem>>, vector<16xi32>,
        tpu.vector_store %arg15[%swap3A], %min3A_76 {strides = array<i32>} : memref<128xi32, #tpu.memory_space<vmem>>, vector<16xi32>,
      }
      %scan3A_61 = arith.constant 8 : i32
      "tpu.region"() ({
        %run_scoped3A = tpu.sem_alloc : memref<!tpu.dma_semaphore, #tpu.memory_space<semaphore_mem>>
        %dma_start3A = arith.constant 0 : i32
        %dma_start3A_62 = arith.constant 0 : i32
        %dma_start3A_63 = tpu.memref_slice %arg8[%dma_start3A, %dma_start3A_62] : memref<50048x16xf32, #tpu.memory_space<vmem_shared>> -> memref<50048x16xf32, #tpu.memory_space<vmem_shared>>
        tpu.enqueue_indirect_dma source(%arg13 : memref<128x16xf32, #tpu.memory_space<vmem>>) target(%dma_start3A_63 : memref<50048x16xf32, #tpu.memory_space<vmem_shared>>) offsets(%arg15 : memref<128xi32, #tpu.memory_space<vmem>>) semaphore(%run_scoped3A : memref<!tpu.dma_semaphore, #tpu.memory_space<semaphore_mem>>)
        %dma_wait3A = arith.constant 0 : i32
        %dma_wait3A_64 = arith.constant 0 : i32
        %dma_wait3A_65 = tpu.memref_slice %arg8[%dma_wait3A, %dma_wait3A_64] : memref<50048x16xf32, #tpu.memory_space<vmem_shared>> -> memref<50048x16xf32, #tpu.memory_space<vmem_shared>>
        tpu.wait_indirect_dma semaphore(%run_scoped3A : memref<!tpu.dma_semaphore, #tpu.memory_space<semaphore_mem>>) src(%arg13 : memref<128x16xf32, #tpu.memory_space<vmem>>) dst(%dma_wait3A_65 : memref<50048x16xf32, #tpu.memory_space<vmem_shared>>)
        tpu.yield
      }) : () -> ()
    }
    %scan3A_10 = arith.constant 25 : i32
    "tpu.region"() ({
      %run_scoped3A = tpu.sem_alloc : memref<!tpu.dma_semaphore, #tpu.memory_space<semaphore_mem>>
      %dma_start3A = arith.constant 0 : i32
      %dma_start3A_52 = arith.constant 0 : i32
      %dma_start3A_53 = tpu.memref_slice %arg6[%arg0, %dma_start3A, %dma_start3A_52] : memref<2x3x16xf32, #tpu.memory_space<hbm>> -> memref<1x3x16xf32, #tpu.memory_space<hbm>>
      %dma_start3A_54 = tpu.memref_squeeze %dma_start3A_53 : memref<1x3x16xf32, #tpu.memory_space<hbm>> -> memref<3x16xf32, #tpu.memory_space<hbm>>
      %dma_start3A_55 = arith.constant 0 : i32
      %dma_start3A_56 = arith.constant 0 : i32
      %dma_start3A_57 = tpu.memref_slice %arg6[%arg0, %dma_start3A_55, %dma_start3A_56] : memref<2x3x16xf32, #tpu.memory_space<hbm>> -> memref<1x3x16xf32, #tpu.memory_space<hbm>>
      %dma_start3A_58 = tpu.memref_squeeze %dma_start3A_57 : memref<1x3x16xf32, #tpu.memory_space<hbm>> -> memref<3x16xf32, #tpu.memory_space<hbm>>
      tpu.enqueue_dma source(%dma_start3A_58 : memref<3x16xf32, #tpu.memory_space<hbm>>) target(%arg14 : memref<3x16xf32, #tpu.memory_space<vmem>>) target_semaphore(%run_scoped3A : memref<!tpu.dma_semaphore, #tpu.memory_space<semaphore_mem>>)
      %dma_wait3A = arith.constant 0 : i32
      %dma_wait3A_59 = arith.constant 0 : i32
      %dma_wait3A_60 = tpu.memref_slice %arg6[%arg0, %dma_wait3A, %dma_wait3A_59] : memref<2x3x16xf32, #tpu.memory_space<hbm>> -> memref<1x3x16xf32, #tpu.memory_space<hbm>>
      %dma_wait3A_61 = tpu.memref_squeeze %dma_wait3A_60 : memref<1x3x16xf32, #tpu.memory_space<hbm>> -> memref<3x16xf32, #tpu.memory_space<hbm>>
      %dma_wait3A_62 = arith.constant 0 : i32
      %dma_wait3A_63 = arith.constant 0 : i32
      %dma_wait3A_64 = tpu.memref_slice %arg6[%arg0, %dma_wait3A_62, %dma_wait3A_63] : memref<2x3x16xf32, #tpu.memory_space<hbm>> -> memref<1x3x16xf32, #tpu.memory_space<hbm>>
      %dma_wait3A_65 = tpu.memref_squeeze %dma_wait3A_64 : memref<1x3x16xf32, #tpu.memory_space<hbm>> -> memref<3x16xf32, #tpu.memory_space<hbm>>
      tpu.wait_dma2 semaphore(%run_scoped3A : memref<!tpu.dma_semaphore, #tpu.memory_space<semaphore_mem>>) src(%dma_wait3A_65 : memref<3x16xf32, #tpu.memory_space<hbm>>) dst(%arg14 : memref<3x16xf32, #tpu.memory_space<vmem>>)
      tpu.yield
    }) : () -> ()
    %barrier3A = arith.constant 0 : index
    tpu.barrier barrier_id(%barrier3A)
    %get3A = arith.constant 0 : i32
    %get3A_11 = arith.index_cast %get3A : i32 to index
    %get3A_12 = arith.constant 0 : index
    %get3A_13 = tpu.vector_load %arg14[%get3A_11, %get3A_12] {strides = array<i32>} : memref<3x16xf32, #tpu.memory_space<vmem>>, vector<16xf32>,
    %get3A_14 = arith.constant 1 : i32
    %get3A_15 = arith.index_cast %get3A_14 : i32 to index
    %get3A_16 = arith.constant 0 : index
    %get3A_17 = tpu.vector_load %arg14[%get3A_15, %get3A_16] {strides = array<i32>} : memref<3x16xf32, #tpu.memory_space<vmem>>, vector<16xf32>,
    %get3A_18 = arith.constant 2 : i32
    %get3A_19 = arith.index_cast %get3A_18 : i32 to index
    %get3A_20 = arith.constant 0 : index
    %get3A_21 = tpu.vector_load %arg14[%get3A_19, %get3A_20] {strides = array<i32>} : memref<3x16xf32, #tpu.memory_space<vmem>>, vector<16xf32>,
    %iota3A_22 = tpu.iota {dimensions = array<i32: 0>} : vector<16xi32>
    %eq3A = arith.constant 0 : i32
    %eq3A_23 = vector.broadcast %eq3A : i32 to vector<16xi32>
    %eq3A_24 = arith.cmpi eq, %iota3A_22, %eq3A_23 : vector<16xi32>
    %convert_element_type3A = arith.extui %eq3A_24 : vector<16xi1> to vector<16xi32>
    %convert_element_type3A_25 = arith.sitofp %convert_element_type3A : vector<16xi32> to vector<16xf32>
    %eq3A_26 = arith.constant 1 : i32
    %eq3A_27 = vector.broadcast %eq3A_26 : i32 to vector<16xi32>
    %eq3A_28 = arith.cmpi eq, %iota3A_22, %eq3A_27 : vector<16xi32>
    %convert_element_type3A_29 = arith.extui %eq3A_28 : vector<16xi1> to vector<16xi32>
    %convert_element_type3A_30 = arith.sitofp %convert_element_type3A_29 : vector<16xi32> to vector<16xf32>
    %mul3A_31 = arith.constant 50048 : i32
    %mul3A_32 = arith.muli %arg1, %mul3A_31 : i32
    %mul3A_33 = arith.constant 50000 : i32
    %mul3A_34 = arith.muli %arg0, %mul3A_33 : i32
    %scan3A_35 = arith.constant 0 : i32
    %scan3A_36 = arith.constant 391 : i32
    %scan3A_37 = arith.addi %scan3A_35, %scan3A_36 : i32
    %scan3A_38 = arith.constant 1 : i32
    scf.for %scan3A_52 = %scan3A_35 to %scan3A_37 step %scan3A_38  : i32 {
      %mul3A_53 = arith.constant 1 : i32
      %mul3A_54 = arith.muli %scan3A_52, %mul3A_53 : i32
      %add3A_55 = arith.constant 0 : i32
      %add3A_56 = arith.addi %add3A_55, %mul3A_54 : i32
      %mul3A_57 = arith.constant 128 : i32
      %mul3A_58 = arith.muli %add3A_56, %mul3A_57 : i32
      %add3A_59 = arith.addi %mul3A_32, %mul3A_58 : i32
      "tpu.region"() ({
        %run_scoped3A = tpu.sem_alloc : memref<!tpu.dma_semaphore, #tpu.memory_space<semaphore_mem>>
        %dma_start3A = tpu.memref_slice %arg2[%arg0, %add3A_59] : memref<2x800768xi32, #tpu.memory_space<hbm>> -> memref<1x128xi32, #tpu.memory_space<hbm>>
        %dma_start3A_65 = tpu.memref_squeeze %dma_start3A : memref<1x128xi32, #tpu.memory_space<hbm>> -> memref<128xi32, #tpu.memory_space<hbm>>
        %dma_start3A_66 = tpu.memref_slice %arg2[%arg0, %add3A_59] : memref<2x800768xi32, #tpu.memory_space<hbm>> -> memref<1x128xi32, #tpu.memory_space<hbm>>
        %dma_start3A_67 = tpu.memref_squeeze %dma_start3A_66 : memref<1x128xi32, #tpu.memory_space<hbm>> -> memref<128xi32, #tpu.memory_space<hbm>>
        tpu.enqueue_dma source(%dma_start3A_67 : memref<128xi32, #tpu.memory_space<hbm>>) target(%arg9 : memref<128xi32, #tpu.memory_space<vmem>>) target_semaphore(%run_scoped3A : memref<!tpu.dma_semaphore, #tpu.memory_space<semaphore_mem>>)
        %dma_wait3A = tpu.memref_slice %arg2[%arg0, %add3A_59] : memref<2x800768xi32, #tpu.memory_space<hbm>> -> memref<1x128xi32, #tpu.memory_space<hbm>>
        %dma_wait3A_68 = tpu.memref_squeeze %dma_wait3A : memref<1x128xi32, #tpu.memory_space<hbm>> -> memref<128xi32, #tpu.memory_space<hbm>>
        %dma_wait3A_69 = tpu.memref_slice %arg2[%arg0, %add3A_59] : memref<2x800768xi32, #tpu.memory_space<hbm>> -> memref<1x128xi32, #tpu.memory_space<hbm>>
        %dma_wait3A_70 = tpu.memref_squeeze %dma_wait3A_69 : memref<1x128xi32, #tpu.memory_space<hbm>> -> memref<128xi32, #tpu.memory_space<hbm>>
        tpu.wait_dma2 semaphore(%run_scoped3A : memref<!tpu.dma_semaphore, #tpu.memory_space<semaphore_mem>>) src(%dma_wait3A_70 : memref<128xi32, #tpu.memory_space<hbm>>) dst(%arg9 : memref<128xi32, #tpu.memory_space<vmem>>)
        tpu.yield
      }) : () -> ()
      "tpu.region"() ({
        %run_scoped3A = tpu.sem_alloc : memref<!tpu.dma_semaphore, #tpu.memory_space<semaphore_mem>>
        %dma_start3A = tpu.memref_slice %arg3[%arg0, %add3A_59] : memref<2x800768xi32, #tpu.memory_space<hbm>> -> memref<1x128xi32, #tpu.memory_space<hbm>>
        %dma_start3A_65 = tpu.memref_squeeze %dma_start3A : memref<1x128xi32, #tpu.memory_space<hbm>> -> memref<128xi32, #tpu.memory_space<hbm>>
        %dma_start3A_66 = tpu.memref_slice %arg3[%arg0, %add3A_59] : memref<2x800768xi32, #tpu.memory_space<hbm>> -> memref<1x128xi32, #tpu.memory_space<hbm>>
        %dma_start3A_67 = tpu.memref_squeeze %dma_start3A_66 : memref<1x128xi32, #tpu.memory_space<hbm>> -> memref<128xi32, #tpu.memory_space<hbm>>
        tpu.enqueue_dma source(%dma_start3A_67 : memref<128xi32, #tpu.memory_space<hbm>>) target(%arg10 : memref<128xi32, #tpu.memory_space<vmem>>) target_semaphore(%run_scoped3A : memref<!tpu.dma_semaphore, #tpu.memory_space<semaphore_mem>>)
        %dma_wait3A = tpu.memref_slice %arg3[%arg0, %add3A_59] : memref<2x800768xi32, #tpu.memory_space<hbm>> -> memref<1x128xi32, #tpu.memory_space<hbm>>
        %dma_wait3A_68 = tpu.memref_squeeze %dma_wait3A : memref<1x128xi32, #tpu.memory_space<hbm>> -> memref<128xi32, #tpu.memory_space<hbm>>
        %dma_wait3A_69 = tpu.memref_slice %arg3[%arg0, %add3A_59] : memref<2x800768xi32, #tpu.memory_space<hbm>> -> memref<1x128xi32, #tpu.memory_space<hbm>>
        %dma_wait3A_70 = tpu.memref_squeeze %dma_wait3A_69 : memref<1x128xi32, #tpu.memory_space<hbm>> -> memref<128xi32, #tpu.memory_space<hbm>>
        tpu.wait_dma2 semaphore(%run_scoped3A : memref<!tpu.dma_semaphore, #tpu.memory_space<semaphore_mem>>) src(%dma_wait3A_70 : memref<128xi32, #tpu.memory_space<hbm>>) dst(%arg10 : memref<128xi32, #tpu.memory_space<vmem>>)
        tpu.yield
      }) : () -> ()
      "tpu.region"() ({
        %run_scoped3A = tpu.sem_alloc : memref<!tpu.dma_semaphore, #tpu.memory_space<semaphore_mem>>
        %dma_start3A = tpu.memref_slice %arg4[%add3A_59] : memref<800768xf32, #tpu.memory_space<hbm>> -> memref<128xf32, #tpu.memory_space<hbm>>
        %dma_start3A_65 = tpu.memref_slice %arg4[%add3A_59] : memref<800768xf32, #tpu.memory_space<hbm>> -> memref<128xf32, #tpu.memory_space<hbm>>
        tpu.enqueue_dma source(%dma_start3A_65 : memref<128xf32, #tpu.memory_space<hbm>>) target(%arg11 : memref<128xf32, #tpu.memory_space<vmem>>) target_semaphore(%run_scoped3A : memref<!tpu.dma_semaphore, #tpu.memory_space<semaphore_mem>>)
        %dma_wait3A = tpu.memref_slice %arg4[%add3A_59] : memref<800768xf32, #tpu.memory_space<hbm>> -> memref<128xf32, #tpu.memory_space<hbm>>
        %dma_wait3A_66 = tpu.memref_slice %arg4[%add3A_59] : memref<800768xf32, #tpu.memory_space<hbm>> -> memref<128xf32, #tpu.memory_space<hbm>>
        tpu.wait_dma2 semaphore(%run_scoped3A : memref<!tpu.dma_semaphore, #tpu.memory_space<semaphore_mem>>) src(%dma_wait3A_66 : memref<128xf32, #tpu.memory_space<hbm>>) dst(%arg11 : memref<128xf32, #tpu.memory_space<vmem>>)
        tpu.yield
      }) : () -> ()
      "tpu.region"() ({
        %run_scoped3A = tpu.sem_alloc : memref<!tpu.dma_semaphore, #tpu.memory_space<semaphore_mem>>
        %dma_start3A = tpu.memref_slice %arg5[%add3A_59] : memref<800768xf32, #tpu.memory_space<hbm>> -> memref<128xf32, #tpu.memory_space<hbm>>
        %dma_start3A_65 = tpu.memref_slice %arg5[%add3A_59] : memref<800768xf32, #tpu.memory_space<hbm>> -> memref<128xf32, #tpu.memory_space<hbm>>
        tpu.enqueue_dma source(%dma_start3A_65 : memref<128xf32, #tpu.memory_space<hbm>>) target(%arg12 : memref<128xf32, #tpu.memory_space<vmem>>) target_semaphore(%run_scoped3A : memref<!tpu.dma_semaphore, #tpu.memory_space<semaphore_mem>>)
        %dma_wait3A = tpu.memref_slice %arg5[%add3A_59] : memref<800768xf32, #tpu.memory_space<hbm>> -> memref<128xf32, #tpu.memory_space<hbm>>
        %dma_wait3A_66 = tpu.memref_slice %arg5[%add3A_59] : memref<800768xf32, #tpu.memory_space<hbm>> -> memref<128xf32, #tpu.memory_space<hbm>>
        tpu.wait_dma2 semaphore(%run_scoped3A : memref<!tpu.dma_semaphore, #tpu.memory_space<semaphore_mem>>) src(%dma_wait3A_66 : memref<128xf32, #tpu.memory_space<hbm>>) dst(%arg12 : memref<128xf32, #tpu.memory_space<vmem>>)
        tpu.yield
      }) : () -> ()
      %scan3A_60 = arith.constant 0 : i32
      %scan3A_61 = arith.constant 8 : i32
      %scan3A_62 = arith.addi %scan3A_60, %scan3A_61 : i32
      %scan3A_63 = arith.constant 1 : i32
      scf.for %scan3A_65 = %scan3A_60 to %scan3A_62 step %scan3A_63  : i32 {
        %mul3A_66 = arith.constant 1 : i32
        %mul3A_67 = arith.muli %scan3A_65, %mul3A_66 : i32
        %add3A_68 = arith.constant 0 : i32
        %add3A_69 = arith.addi %add3A_68, %mul3A_67 : i32
        %mul3A_70 = arith.constant 16 : i32
        %mul3A_71 = arith.muli %add3A_69, %mul3A_70 : i32
        %get3A_72 = arith.index_cast %mul3A_71 : i32 to index
        %get3A_73 = tpu.vector_load %arg9[%get3A_72] {strides = array<i32>} : memref<128xi32, #tpu.memory_space<vmem>>, vector<16xi32>,
        %get3A_74 = arith.index_cast %mul3A_71 : i32 to index
        %get3A_75 = tpu.vector_load %arg10[%get3A_74] {strides = array<i32>} : memref<128xi32, #tpu.memory_space<vmem>>, vector<16xi32>,
        %get3A_76 = arith.index_cast %mul3A_71 : i32 to index
        %get3A_77 = tpu.vector_load %arg11[%get3A_76] {strides = array<i32>} : memref<128xf32, #tpu.memory_space<vmem>>, vector<16xf32>,
        %get3A_78 = arith.index_cast %mul3A_71 : i32 to index
        %get3A_79 = tpu.vector_load %arg12[%get3A_78] {strides = array<i32>} : memref<128xf32, #tpu.memory_space<vmem>>, vector<16xf32>,
        %ne3A = arith.cmpi ne, %get3A_73, %get3A_75 : vector<16xi32>
        %jit3A = arith.constant 1.000000e+00 : f32
        %jit3A_80 = arith.constant 0.000000e+00 : f32
        %broadcast_in_dim3A_81 = vector.broadcast %jit3A : f32 to vector<16xf32>
        %broadcast_in_dim3A_82 = vector.broadcast %jit3A_80 : f32 to vector<16xf32>
        %select_n3A = arith.select %ne3A, %broadcast_in_dim3A_81, %broadcast_in_dim3A_82 : vector<16xi1>, vector<16xf32>
        %scan3A_83 = arith.constant 0 : i32
        %scan3A_84 = arith.constant 16 : i32
        %scan3A_85 = arith.addi %scan3A_83, %scan3A_84 : i32
        %scan3A_86 = arith.constant 1 : i32
        scf.for %scan3A_88 = %scan3A_83 to %scan3A_85 step %scan3A_86  : i32 {
          %mul3A_89 = arith.constant 1 : i32
          %mul3A_90 = arith.muli %scan3A_88, %mul3A_89 : i32
          %add3A_91 = arith.constant 0 : i32
          %add3A_92 = arith.addi %add3A_91, %mul3A_90 : i32
          %mul3A_93 = arith.constant 16 : i32
          %mul3A_94 = arith.muli %add3A_69, %mul3A_93 : i32
          %add3A_95 = arith.addi %mul3A_94, %add3A_92 : i32
          %broadcast_in_dim3A_96 = vector.broadcast %add3A_92 : i32 to vector<16x1xi32>
          %gather3A = vector.shape_cast %broadcast_in_dim3A_96 : vector<16x1xi32> to vector<16xi32>
          %gather3A_97 = tpu.dynamic_gather %select_n3A[%gather3A] in [0] : vector<16xf32>, vector<16xi32> -> vector<16xf32>
          %broadcast_in_dim3A_98 = vector.broadcast %add3A_92 : i32 to vector<16x1xi32>
          %gather3A_99 = vector.shape_cast %broadcast_in_dim3A_98 : vector<16x1xi32> to vector<16xi32>
          %gather3A_100 = tpu.dynamic_gather %get3A_77[%gather3A_99] in [0] : vector<16xf32>, vector<16xi32> -> vector<16xf32>
          %mul3A_101 = arith.mulf %gather3A_97, %convert_element_type3A_25 : vector<16xf32>
          %sub3A = arith.constant 1.000000e+00 : f32
          %sub3A_102 = vector.broadcast %sub3A : f32 to vector<16xf32>
          %sub3A_103 = arith.subf %sub3A_102, %gather3A_97 : vector<16xf32>
          %mul3A_104 = arith.mulf %gather3A_100, %sub3A_103 : vector<16xf32>
          %mul3A_105 = arith.mulf %mul3A_104, %convert_element_type3A_30 : vector<16xf32>
          %sub3A_106 = arith.subf %mul3A_101, %mul3A_105 : vector<16xf32>
          %swap3A = arith.index_cast %add3A_95 : i32 to index
          %swap3A_107 = arith.constant 0 : index
          %swap3A_108 = tpu.vector_load %arg13[%swap3A, %swap3A_107] {strides = array<i32>} : memref<128x16xf32, #tpu.memory_space<vmem>>, vector<16xf32>,
          tpu.vector_store %arg13[%swap3A, %swap3A_107], %sub3A_106 {strides = array<i32>} : memref<128x16xf32, #tpu.memory_space<vmem>>, vector<16xf32>,
        }
        %scan3A_87 = arith.constant 16 : i32
      }
      %scan3A_64 = arith.constant 8 : i32
      "tpu.region"() ({
        %run_scoped3A = tpu.sem_alloc : memref<!tpu.dma_semaphore, #tpu.memory_space<semaphore_mem>>
        %dma_start3A = arith.constant 0 : i32
        %dma_start3A_65 = arith.constant 0 : i32
        %dma_start3A_66 = tpu.memref_slice %arg8[%dma_start3A, %dma_start3A_65] : memref<50048x16xf32, #tpu.memory_space<vmem_shared>> -> memref<50048x16xf32, #tpu.memory_space<vmem_shared>>
        tpu.enqueue_indirect_dma source(%arg13 : memref<128x16xf32, #tpu.memory_space<vmem>>) target(%dma_start3A_66 : memref<50048x16xf32, #tpu.memory_space<vmem_shared>>) offsets(%arg9 : memref<128xi32, #tpu.memory_space<vmem>>) semaphore(%run_scoped3A : memref<!tpu.dma_semaphore, #tpu.memory_space<semaphore_mem>>) {add = true}
        %dma_wait3A = arith.constant 0 : i32
        %dma_wait3A_67 = arith.constant 0 : i32
        %dma_wait3A_68 = tpu.memref_slice %arg8[%dma_wait3A, %dma_wait3A_67] : memref<50048x16xf32, #tpu.memory_space<vmem_shared>> -> memref<50048x16xf32, #tpu.memory_space<vmem_shared>>
        tpu.wait_indirect_dma semaphore(%run_scoped3A : memref<!tpu.dma_semaphore, #tpu.memory_space<semaphore_mem>>) src(%arg13 : memref<128x16xf32, #tpu.memory_space<vmem>>) dst(%dma_wait3A_68 : memref<50048x16xf32, #tpu.memory_space<vmem_shared>>)
        tpu.yield
      }) : () -> ()
    }
    %scan3A_39 = arith.constant 391 : i32
    %barrier3A_40 = arith.constant 0 : index
    tpu.barrier barrier_id(%barrier3A_40)
    %scan3A_41 = arith.constant 0 : i32
    %scan3A_42 = arith.constant 24 : i32
    %scan3A_43 = arith.addi %scan3A_41, %scan3A_42 : i32
    %scan3A_44 = arith.constant 1 : i32
    scf.for %scan3A_52 = %scan3A_41 to %scan3A_43 step %scan3A_44  : i32 {
      %mul3A_53 = arith.constant 1 : i32
      %mul3A_54 = arith.muli %scan3A_52, %mul3A_53 : i32
      %add3A_55 = arith.constant 0 : i32
      %add3A_56 = arith.addi %add3A_55, %mul3A_54 : i32
      %scan3A_57 = arith.constant 0 : i32
      %scan3A_58 = arith.constant 8 : i32
      %scan3A_59 = arith.addi %scan3A_57, %scan3A_58 : i32
      %scan3A_60 = arith.constant 1 : i32
      scf.for %scan3A_65 = %scan3A_57 to %scan3A_59 step %scan3A_60  : i32 {
        %mul3A_66 = arith.constant 1 : i32
        %mul3A_67 = arith.muli %scan3A_65, %mul3A_66 : i32
        %add3A_68 = arith.constant 0 : i32
        %add3A_69 = arith.addi %add3A_68, %mul3A_67 : i32
        %mul3A_70 = arith.constant 128 : i32
        %mul3A_71 = arith.muli %add3A_56, %mul3A_70 : i32
        %add3A_72 = arith.addi %mul3A_0, %mul3A_71 : i32
        %mul3A_73 = arith.constant 16 : i32
        %mul3A_74 = arith.muli %add3A_69, %mul3A_73 : i32
        %add3A_75 = arith.addi %add3A_72, %mul3A_74 : i32
        %add3A_76 = vector.broadcast %add3A_75 : i32 to vector<16xi32>
        %add3A_77 = arith.addi %add3A_76, %iota3A : vector<16xi32>
        %min3A = arith.constant 50047 : i32
        %min3A_78 = vector.broadcast %min3A : i32 to vector<16xi32>
        %min3A_79 = arith.minsi %add3A_77, %min3A_78 : vector<16xi32>
        %mul3A_80 = arith.constant 16 : i32
        %mul3A_81 = arith.muli %add3A_69, %mul3A_80 : i32
        %swap3A = arith.index_cast %mul3A_81 : i32 to index
        %swap3A_82 = tpu.vector_load %arg15[%swap3A] {strides = array<i32>} : memref<128xi32, #tpu.memory_space<vmem>>, vector<16xi32>,
        tpu.vector_store %arg15[%swap3A], %min3A_79 {strides = array<i32>} : memref<128xi32, #tpu.memory_space<vmem>>, vector<16xi32>,
      }
      %scan3A_61 = arith.constant 8 : i32
      "tpu.region"() ({
        %run_scoped3A = tpu.sem_alloc : memref<!tpu.dma_semaphore, #tpu.memory_space<semaphore_mem>>
        %dma_start3A = arith.constant 0 : i32
        %dma_start3A_65 = arith.constant 0 : i32
        %dma_start3A_66 = tpu.memref_slice %arg8[%dma_start3A, %dma_start3A_65] : memref<50048x16xf32, #tpu.memory_space<vmem_shared>> -> memref<50048x16xf32, #tpu.memory_space<vmem_shared>>
        tpu.enqueue_indirect_dma source(%dma_start3A_66 : memref<50048x16xf32, #tpu.memory_space<vmem_shared>>) target(%arg13 : memref<128x16xf32, #tpu.memory_space<vmem>>) offsets(%arg15 : memref<128xi32, #tpu.memory_space<vmem>>) semaphore(%run_scoped3A : memref<!tpu.dma_semaphore, #tpu.memory_space<semaphore_mem>>)
        %dma_wait3A = arith.constant 0 : i32
        %dma_wait3A_67 = arith.constant 0 : i32
        %dma_wait3A_68 = tpu.memref_slice %arg8[%dma_wait3A, %dma_wait3A_67] : memref<50048x16xf32, #tpu.memory_space<vmem_shared>> -> memref<50048x16xf32, #tpu.memory_space<vmem_shared>>
        tpu.wait_indirect_dma semaphore(%run_scoped3A : memref<!tpu.dma_semaphore, #tpu.memory_space<semaphore_mem>>) src(%dma_wait3A_68 : memref<50048x16xf32, #tpu.memory_space<vmem_shared>>) dst(%arg13 : memref<128x16xf32, #tpu.memory_space<vmem>>)
        tpu.yield
      }) : () -> ()
      %mul3A_62 = arith.constant 128 : i32
      %mul3A_63 = arith.muli %add3A_56, %mul3A_62 : i32
      %add3A_64 = arith.addi %mul3A_0, %mul3A_63 : i32
      "tpu.region"() ({
        %run_scoped3A = tpu.sem_alloc : memref<!tpu.dma_semaphore, #tpu.memory_space<semaphore_mem>>
        %dma_start3A = arith.constant 0 : i32
        %dma_start3A_65 = tpu.memref_slice %arg7[%arg0, %add3A_64, %dma_start3A] : memref<2x50048x16xf32, #tpu.memory_space<hbm>> -> memref<1x128x16xf32, #tpu.memory_space<hbm>>
        %dma_start3A_66 = tpu.memref_squeeze %dma_start3A_65 : memref<1x128x16xf32, #tpu.memory_space<hbm>> -> memref<128x16xf32, #tpu.memory_space<hbm>>
        %dma_start3A_67 = arith.constant 0 : i32
        %dma_start3A_68 = tpu.memref_slice %arg7[%arg0, %add3A_64, %dma_start3A_67] : memref<2x50048x16xf32, #tpu.memory_space<hbm>> -> memref<1x128x16xf32, #tpu.memory_space<hbm>>
        %dma_start3A_69 = tpu.memref_squeeze %dma_start3A_68 : memref<1x128x16xf32, #tpu.memory_space<hbm>> -> memref<128x16xf32, #tpu.memory_space<hbm>>
        tpu.enqueue_dma source(%arg13 : memref<128x16xf32, #tpu.memory_space<vmem>>) target(%dma_start3A_69 : memref<128x16xf32, #tpu.memory_space<hbm>>) target_semaphore(%run_scoped3A : memref<!tpu.dma_semaphore, #tpu.memory_space<semaphore_mem>>)
        %dma_wait3A = arith.constant 0 : i32
        %dma_wait3A_70 = tpu.memref_slice %arg7[%arg0, %add3A_64, %dma_wait3A] : memref<2x50048x16xf32, #tpu.memory_space<hbm>> -> memref<1x128x16xf32, #tpu.memory_space<hbm>>
        %dma_wait3A_71 = tpu.memref_squeeze %dma_wait3A_70 : memref<1x128x16xf32, #tpu.memory_space<hbm>> -> memref<128x16xf32, #tpu.memory_space<hbm>>
        %dma_wait3A_72 = arith.constant 0 : i32
        %dma_wait3A_73 = tpu.memref_slice %arg7[%arg0, %add3A_64, %dma_wait3A_72] : memref<2x50048x16xf32, #tpu.memory_space<hbm>> -> memref<1x128x16xf32, #tpu.memory_space<hbm>>
        %dma_wait3A_74 = tpu.memref_squeeze %dma_wait3A_73 : memref<1x128x16xf32, #tpu.memory_space<hbm>> -> memref<128x16xf32, #tpu.memory_space<hbm>>
        tpu.wait_dma2 semaphore(%run_scoped3A : memref<!tpu.dma_semaphore, #tpu.memory_space<semaphore_mem>>) src(%arg13 : memref<128x16xf32, #tpu.memory_space<vmem>>) dst(%dma_wait3A_74 : memref<128x16xf32, #tpu.memory_space<hbm>>)
        tpu.yield
      }) : () -> ()
    }
    %scan3A_45 = arith.constant 24 : i32
    %scan3A_46 = arith.constant 0 : i32
    %scan3A_47 = arith.constant 8 : i32
    %scan3A_48 = arith.addi %scan3A_46, %scan3A_47 : i32
    %scan3A_49 = arith.constant 1 : i32
    scf.for %scan3A_52 = %scan3A_46 to %scan3A_48 step %scan3A_49  : i32 {
      %mul3A_53 = arith.constant 1 : i32
      %mul3A_54 = arith.muli %scan3A_52, %mul3A_53 : i32
      %add3A_55 = arith.constant 0 : i32
      %add3A_56 = arith.addi %add3A_55, %mul3A_54 : i32
      %add3A_57 = arith.constant 3072 : i32
      %add3A_58 = arith.addi %mul3A_0, %add3A_57 : i32
      %mul3A_59 = arith.constant 16 : i32
      %mul3A_60 = arith.muli %add3A_56, %mul3A_59 : i32
      %add3A_61 = arith.addi %add3A_58, %mul3A_60 : i32
      %add3A_62 = vector.broadcast %add3A_61 : i32 to vector<16xi32>
      %add3A_63 = arith.addi %add3A_62, %iota3A : vector<16xi32>
      %min3A = arith.constant 50047 : i32
      %min3A_64 = vector.broadcast %min3A : i32 to vector<16xi32>
      %min3A_65 = arith.minsi %add3A_63, %min3A_64 : vector<16xi32>
      %mul3A_66 = arith.constant 16 : i32
      %mul3A_67 = arith.muli %add3A_56, %mul3A_66 : i32
      %swap3A = arith.index_cast %mul3A_67 : i32 to index
      %swap3A_68 = tpu.vector_load %arg15[%swap3A] {strides = array<i32>} : memref<128xi32, #tpu.memory_space<vmem>>, vector<16xi32>,
      tpu.vector_store %arg15[%swap3A], %min3A_65 {strides = array<i32>} : memref<128xi32, #tpu.memory_space<vmem>>, vector<16xi32>,
    }
    %scan3A_50 = arith.constant 8 : i32
    "tpu.region"() ({
      %run_scoped3A = tpu.sem_alloc : memref<!tpu.dma_semaphore, #tpu.memory_space<semaphore_mem>>
      %dma_start3A = arith.constant 0 : i32
      %dma_start3A_52 = arith.constant 0 : i32
      %dma_start3A_53 = tpu.memref_slice %arg8[%dma_start3A, %dma_start3A_52] : memref<50048x16xf32, #tpu.memory_space<vmem_shared>> -> memref<50048x16xf32, #tpu.memory_space<vmem_shared>>
      tpu.enqueue_indirect_dma source(%dma_start3A_53 : memref<50048x16xf32, #tpu.memory_space<vmem_shared>>) target(%arg13 : memref<128x16xf32, #tpu.memory_space<vmem>>) offsets(%arg15 : memref<128xi32, #tpu.memory_space<vmem>>) semaphore(%run_scoped3A : memref<!tpu.dma_semaphore, #tpu.memory_space<semaphore_mem>>)
      %dma_wait3A = arith.constant 0 : i32
      %dma_wait3A_54 = arith.constant 0 : i32
      %dma_wait3A_55 = tpu.memref_slice %arg8[%dma_wait3A, %dma_wait3A_54] : memref<50048x16xf32, #tpu.memory_space<vmem_shared>> -> memref<50048x16xf32, #tpu.memory_space<vmem_shared>>
      tpu.wait_indirect_dma semaphore(%run_scoped3A : memref<!tpu.dma_semaphore, #tpu.memory_space<semaphore_mem>>) src(%dma_wait3A_55 : memref<50048x16xf32, #tpu.memory_space<vmem_shared>>) dst(%arg13 : memref<128x16xf32, #tpu.memory_space<vmem>>)
      tpu.yield
    }) : () -> ()
    %add3A = arith.constant 3072 : i32
    %add3A_51 = arith.addi %mul3A_0, %add3A : i32
    "tpu.region"() ({
      %run_scoped3A = tpu.sem_alloc : memref<!tpu.dma_semaphore, #tpu.memory_space<semaphore_mem>>
      %dma_start3A = arith.constant 0 : i32
      %dma_start3A_52 = arith.constant 0 : i32
      %dma_start3A_53 = tpu.memref_slice %arg13[%dma_start3A, %dma_start3A_52] : memref<128x16xf32, #tpu.memory_space<vmem>> -> memref<56x16xf32, #tpu.memory_space<vmem>>
      %dma_start3A_54 = arith.constant 0 : i32
      %dma_start3A_55 = tpu.memref_slice %arg7[%arg0, %add3A_51, %dma_start3A_54] : memref<2x50048x16xf32, #tpu.memory_space<hbm>> -> memref<1x56x16xf32, #tpu.memory_space<hbm>>
      %dma_start3A_56 = tpu.memref_squeeze %dma_start3A_55 : memref<1x56x16xf32, #tpu.memory_space<hbm>> -> memref<56x16xf32, #tpu.memory_space<hbm>>
      %dma_start3A_57 = arith.constant 0 : i32
      %dma_start3A_58 = tpu.memref_slice %arg7[%arg0, %add3A_51, %dma_start3A_57] : memref<2x50048x16xf32, #tpu.memory_space<hbm>> -> memref<1x56x16xf32, #tpu.memory_space<hbm>>
      %dma_start3A_59 = tpu.memref_squeeze %dma_start3A_58 : memref<1x56x16xf32, #tpu.memory_space<hbm>> -> memref<56x16xf32, #tpu.memory_space<hbm>>
      %dma_start3A_60 = arith.constant 0 : i32
      %dma_start3A_61 = arith.constant 0 : i32
      %dma_start3A_62 = tpu.memref_slice %arg13[%dma_start3A_60, %dma_start3A_61] : memref<128x16xf32, #tpu.memory_space<vmem>> -> memref<56x16xf32, #tpu.memory_space<vmem>>
      tpu.enqueue_dma source(%dma_start3A_62 : memref<56x16xf32, #tpu.memory_space<vmem>>) target(%dma_start3A_59 : memref<56x16xf32, #tpu.memory_space<hbm>>) target_semaphore(%run_scoped3A : memref<!tpu.dma_semaphore, #tpu.memory_space<semaphore_mem>>)
      %dma_wait3A = arith.constant 0 : i32
      %dma_wait3A_63 = arith.constant 0 : i32
      %dma_wait3A_64 = tpu.memref_slice %arg13[%dma_wait3A, %dma_wait3A_63] : memref<128x16xf32, #tpu.memory_space<vmem>> -> memref<56x16xf32, #tpu.memory_space<vmem>>
      %dma_wait3A_65 = arith.constant 0 : i32
      %dma_wait3A_66 = tpu.memref_slice %arg7[%arg0, %add3A_51, %dma_wait3A_65] : memref<2x50048x16xf32, #tpu.memory_space<hbm>> -> memref<1x56x16xf32, #tpu.memory_space<hbm>>
      %dma_wait3A_67 = tpu.memref_squeeze %dma_wait3A_66 : memref<1x56x16xf32, #tpu.memory_space<hbm>> -> memref<56x16xf32, #tpu.memory_space<hbm>>
      %dma_wait3A_68 = arith.constant 0 : i32
      %dma_wait3A_69 = tpu.memref_slice %arg7[%arg0, %add3A_51, %dma_wait3A_68] : memref<2x50048x16xf32, #tpu.memory_space<hbm>> -> memref<1x56x16xf32, #tpu.memory_space<hbm>>
      %dma_wait3A_70 = tpu.memref_squeeze %dma_wait3A_69 : memref<1x56x16xf32, #tpu.memory_space<hbm>> -> memref<56x16xf32, #tpu.memory_space<hbm>>
      %dma_wait3A_71 = arith.constant 0 : i32
      %dma_wait3A_72 = arith.constant 0 : i32
      %dma_wait3A_73 = tpu.memref_slice %arg13[%dma_wait3A_71, %dma_wait3A_72] : memref<128x16xf32, #tpu.memory_space<vmem>> -> memref<56x16xf32, #tpu.memory_space<vmem>>
      tpu.wait_dma2 semaphore(%run_scoped3A : memref<!tpu.dma_semaphore, #tpu.memory_space<semaphore_mem>>) src(%dma_wait3A_73 : memref<56x16xf32, #tpu.memory_space<vmem>>) dst(%dma_wait3A_70 : memref<56x16xf32, #tpu.memory_space<hbm>>)
      tpu.yield
    }) : () -> ()
    return
  }
}

#map = affine_map<(d0, d1) -> (0, 0)>
#map1 = affine_map<(d0, d1) -> (0)>
#map2 = affine_map<(d0, d1) -> (0, 0, 0)>
module attributes {stable_mosaic.version = 14 : i64} {
  func.func @body(%arg0: i32, %arg1: i32, %arg2: memref<2x800768xi32, #tpu.memory_space<hbm>>, %arg3: memref<2x800768xi32, #tpu.memory_space<hbm>>, %arg4: memref<800768xf32, #tpu.memory_space<hbm>>, %arg5: memref<800768xf32, #tpu.memory_space<hbm>>, %arg6: memref<2x3x16xf32, #tpu.memory_space<hbm>>, %arg7: memref<2x50048x16xf32, #tpu.memory_space<hbm>>, %arg8: memref<50048x16xf32, #tpu.memory_space<vmem_shared>>, %arg9: memref<128xi32, #tpu.memory_space<vmem>>, %arg10: memref<128xi32, #tpu.memory_space<vmem>>, %arg11: memref<128xf32, #tpu.memory_space<vmem>>, %arg12: memref<128xf32, #tpu.memory_space<vmem>>, %arg13: memref<128x16xf32, #tpu.memory_space<vmem>>, %arg14: memref<3x16xf32, #tpu.memory_space<vmem>>, %arg15: memref<128xi32, #tpu.memory_space<vmem>>) attributes {dimension_semantics = [#tpu.dimension_semantics<core_parallel>, #tpu.dimension_semantics<subcore_parallel>], iteration_bounds = array<i64: 2, 16>, scalar_prefetch = 0 : i64, scratch_operands = 8 : i64, tpu.core_type = #tpu.core_type<sc_vector_subcore>, window_params = [{transform_indices = #map}, {transform_indices = #map}, {transform_indices = #map1}, {transform_indices = #map1}, {transform_indices = #map2}, {transform_indices = #map2}]} {
    %mul3A = arith.constant 3128 : i32
    %mul3A_0 = arith.muli %arg1, %mul3A : i32
    %iota3A = tpu.iota {dimensions = array<i32: 0>} : vector<16xi32>
    %broadcast_in_dim3A = arith.constant 0.000000e+00 : f32
    %broadcast_in_dim3A_1 = vector.broadcast %broadcast_in_dim3A : f32 to vector<16xf32>
    %scan3A = arith.constant 0 : i32
    %scan3A_2 = arith.constant 128 : i32
    %scan3A_3 = arith.addi %scan3A, %scan3A_2 : i32
    %scan3A_4 = arith.constant 1 : i32
    scf.for %scan3A_52 = %scan3A to %scan3A_3 step %scan3A_4  : i32 {
      %mul3A_53 = arith.constant 1 : i32
      %mul3A_54 = arith.muli %scan3A_52, %mul3A_53 : i32
      %add3A_55 = arith.constant 0 : i32
      %add3A_56 = arith.addi %add3A_55, %mul3A_54 : i32
      %swap3A = arith.index_cast %add3A_56 : i32 to index
      %swap3A_57 = arith.constant 0 : index
      %swap3A_58 = tpu.vector_load %arg13[%swap3A, %swap3A_57] {strides = array<i32>} : memref<128x16xf32, #tpu.memory_space<vmem>>, vector<16xf32>,
      tpu.vector_store %arg13[%swap3A, %swap3A_57], %broadcast_in_dim3A_1 {strides = array<i32>} : memref<128x16xf32, #tpu.memory_space<vmem>>, vector<16xf32>,
    }
    %scan3A_5 = arith.constant 128 : i32
    %scan3A_6 = arith.constant 0 : i32
    %scan3A_7 = arith.constant 25 : i32
    %scan3A_8 = arith.addi %scan3A_6, %scan3A_7 : i32
    %scan3A_9 = arith.constant 1 : i32
    scf.for %scan3A_52 = %scan3A_6 to %scan3A_8 step %scan3A_9  : i32 {
      %mul3A_53 = arith.constant 1 : i32
      %mul3A_54 = arith.muli %scan3A_52, %mul3A_53 : i32
      %add3A_55 = arith.constant 0 : i32
      %add3A_56 = arith.addi %add3A_55, %mul3A_54 : i32
      %scan3A_57 = arith.constant 0 : i32
      %scan3A_58 = arith.constant 8 : i32
      %scan3A_59 = arith.addi %scan3A_57, %scan3A_58 : i32
      %scan3A_60 = arith.constant 1 : i32
      scf.for %scan3A_62 = %scan3A_57 to %scan3A_59 step %scan3A_60  : i32 {
        %mul3A_63 = arith.constant 1 : i32
        %mul3A_64 = arith.muli %scan3A_62, %mul3A_63 : i32
        %add3A_65 = arith.constant 0 : i32
        %add3A_66 = arith.addi %add3A_65, %mul3A_64 : i32
        %mul3A_67 = arith.constant 128 : i32
        %mul3A_68 = arith.muli %add3A_56, %mul3A_67 : i32
        %add3A_69 = arith.addi %mul3A_0, %mul3A_68 : i32
        %mul3A_70 = arith.constant 16 : i32
        %mul3A_71 = arith.muli %add3A_66, %mul3A_70 : i32
        %add3A_72 = arith.addi %add3A_69, %mul3A_71 : i32
        %add3A_73 = vector.broadcast %add3A_72 : i32 to vector<16xi32>
        %add3A_74 = arith.addi %add3A_73, %iota3A : vector<16xi32>
        %min3A = arith.constant 50047 : i32
        %min3A_75 = vector.broadcast %min3A : i32 to vector<16xi32>
        %min3A_76 = arith.minsi %add3A_74, %min3A_75 : vector<16xi32>
        %mul3A_77 = arith.constant 16 : i32
        %mul3A_78 = arith.muli %add3A_66, %mul3A_77 : i32
        %swap3A = arith.index_cast %mul3A_78 : i32 to index
        %swap3A_79 = tpu.vector_load %arg15[%swap3A] {strides = array<i32>} : memref<128xi32, #tpu.memory_space<vmem>>, vector<16xi32>,
        tpu.vector_store %arg15[%swap3A], %min3A_76 {strides = array<i32>} : memref<128xi32, #tpu.memory_space<vmem>>, vector<16xi32>,
      }
      %scan3A_61 = arith.constant 8 : i32
      "tpu.region"() ({
        %run_scoped3A = tpu.sem_alloc : memref<!tpu.dma_semaphore, #tpu.memory_space<semaphore_mem>>
        %dma_start3A = arith.constant 0 : i32
        %dma_start3A_62 = arith.constant 0 : i32
        %dma_start3A_63 = tpu.memref_slice %arg8[%dma_start3A, %dma_start3A_62] : memref<50048x16xf32, #tpu.memory_space<vmem_shared>> -> memref<50048x16xf32, #tpu.memory_space<vmem_shared>>
        tpu.enqueue_indirect_dma source(%arg13 : memref<128x16xf32, #tpu.memory_space<vmem>>) target(%dma_start3A_63 : memref<50048x16xf32, #tpu.memory_space<vmem_shared>>) offsets(%arg15 : memref<128xi32, #tpu.memory_space<vmem>>) semaphore(%run_scoped3A : memref<!tpu.dma_semaphore, #tpu.memory_space<semaphore_mem>>)
        %dma_wait3A = arith.constant 0 : i32
        %dma_wait3A_64 = arith.constant 0 : i32
        %dma_wait3A_65 = tpu.memref_slice %arg8[%dma_wait3A, %dma_wait3A_64] : memref<50048x16xf32, #tpu.memory_space<vmem_shared>> -> memref<50048x16xf32, #tpu.memory_space<vmem_shared>>
        tpu.wait_indirect_dma semaphore(%run_scoped3A : memref<!tpu.dma_semaphore, #tpu.memory_space<semaphore_mem>>) src(%arg13 : memref<128x16xf32, #tpu.memory_space<vmem>>) dst(%dma_wait3A_65 : memref<50048x16xf32, #tpu.memory_space<vmem_shared>>)
        tpu.yield
      }) : () -> ()
    }
    %scan3A_10 = arith.constant 25 : i32
    "tpu.region"() ({
      %run_scoped3A = tpu.sem_alloc : memref<!tpu.dma_semaphore, #tpu.memory_space<semaphore_mem>>
      %dma_start3A = arith.constant 0 : i32
      %dma_start3A_52 = arith.constant 0 : i32
      %dma_start3A_53 = tpu.memref_slice %arg6[%arg0, %dma_start3A, %dma_start3A_52] : memref<2x3x16xf32, #tpu.memory_space<hbm>> -> memref<1x3x16xf32, #tpu.memory_space<hbm>>
      %dma_start3A_54 = tpu.memref_squeeze %dma_start3A_53 : memref<1x3x16xf32, #tpu.memory_space<hbm>> -> memref<3x16xf32, #tpu.memory_space<hbm>>
      %dma_start3A_55 = arith.constant 0 : i32
      %dma_start3A_56 = arith.constant 0 : i32
      %dma_start3A_57 = tpu.memref_slice %arg6[%arg0, %dma_start3A_55, %dma_start3A_56] : memref<2x3x16xf32, #tpu.memory_space<hbm>> -> memref<1x3x16xf32, #tpu.memory_space<hbm>>
      %dma_start3A_58 = tpu.memref_squeeze %dma_start3A_57 : memref<1x3x16xf32, #tpu.memory_space<hbm>> -> memref<3x16xf32, #tpu.memory_space<hbm>>
      tpu.enqueue_dma source(%dma_start3A_58 : memref<3x16xf32, #tpu.memory_space<hbm>>) target(%arg14 : memref<3x16xf32, #tpu.memory_space<vmem>>) target_semaphore(%run_scoped3A : memref<!tpu.dma_semaphore, #tpu.memory_space<semaphore_mem>>)
      %dma_wait3A = arith.constant 0 : i32
      %dma_wait3A_59 = arith.constant 0 : i32
      %dma_wait3A_60 = tpu.memref_slice %arg6[%arg0, %dma_wait3A, %dma_wait3A_59] : memref<2x3x16xf32, #tpu.memory_space<hbm>> -> memref<1x3x16xf32, #tpu.memory_space<hbm>>
      %dma_wait3A_61 = tpu.memref_squeeze %dma_wait3A_60 : memref<1x3x16xf32, #tpu.memory_space<hbm>> -> memref<3x16xf32, #tpu.memory_space<hbm>>
      %dma_wait3A_62 = arith.constant 0 : i32
      %dma_wait3A_63 = arith.constant 0 : i32
      %dma_wait3A_64 = tpu.memref_slice %arg6[%arg0, %dma_wait3A_62, %dma_wait3A_63] : memref<2x3x16xf32, #tpu.memory_space<hbm>> -> memref<1x3x16xf32, #tpu.memory_space<hbm>>
      %dma_wait3A_65 = tpu.memref_squeeze %dma_wait3A_64 : memref<1x3x16xf32, #tpu.memory_space<hbm>> -> memref<3x16xf32, #tpu.memory_space<hbm>>
      tpu.wait_dma2 semaphore(%run_scoped3A : memref<!tpu.dma_semaphore, #tpu.memory_space<semaphore_mem>>) src(%dma_wait3A_65 : memref<3x16xf32, #tpu.memory_space<hbm>>) dst(%arg14 : memref<3x16xf32, #tpu.memory_space<vmem>>)
      tpu.yield
    }) : () -> ()
    %barrier3A = arith.constant 0 : index
    tpu.barrier barrier_id(%barrier3A)
    %get3A = arith.constant 0 : i32
    %get3A_11 = arith.index_cast %get3A : i32 to index
    %get3A_12 = arith.constant 0 : index
    %get3A_13 = tpu.vector_load %arg14[%get3A_11, %get3A_12] {strides = array<i32>} : memref<3x16xf32, #tpu.memory_space<vmem>>, vector<16xf32>,
    %get3A_14 = arith.constant 1 : i32
    %get3A_15 = arith.index_cast %get3A_14 : i32 to index
    %get3A_16 = arith.constant 0 : index
    %get3A_17 = tpu.vector_load %arg14[%get3A_15, %get3A_16] {strides = array<i32>} : memref<3x16xf32, #tpu.memory_space<vmem>>, vector<16xf32>,
    %get3A_18 = arith.constant 2 : i32
    %get3A_19 = arith.index_cast %get3A_18 : i32 to index
    %get3A_20 = arith.constant 0 : index
    %get3A_21 = tpu.vector_load %arg14[%get3A_19, %get3A_20] {strides = array<i32>} : memref<3x16xf32, #tpu.memory_space<vmem>>, vector<16xf32>,
    %iota3A_22 = tpu.iota {dimensions = array<i32: 0>} : vector<16xi32>
    %eq3A = arith.constant 0 : i32
    %eq3A_23 = vector.broadcast %eq3A : i32 to vector<16xi32>
    %eq3A_24 = arith.cmpi eq, %iota3A_22, %eq3A_23 : vector<16xi32>
    %convert_element_type3A = arith.extui %eq3A_24 : vector<16xi1> to vector<16xi32>
    %convert_element_type3A_25 = arith.sitofp %convert_element_type3A : vector<16xi32> to vector<16xf32>
    %eq3A_26 = arith.constant 1 : i32
    %eq3A_27 = vector.broadcast %eq3A_26 : i32 to vector<16xi32>
    %eq3A_28 = arith.cmpi eq, %iota3A_22, %eq3A_27 : vector<16xi32>
    %convert_element_type3A_29 = arith.extui %eq3A_28 : vector<16xi1> to vector<16xi32>
    %convert_element_type3A_30 = arith.sitofp %convert_element_type3A_29 : vector<16xi32> to vector<16xf32>
    %mul3A_31 = arith.constant 50048 : i32
    %mul3A_32 = arith.muli %arg1, %mul3A_31 : i32
    %mul3A_33 = arith.constant 50000 : i32
    %mul3A_34 = arith.muli %arg0, %mul3A_33 : i32
    %scan3A_35 = arith.constant 0 : i32
    %scan3A_36 = arith.constant 391 : i32
    %scan3A_37 = arith.addi %scan3A_35, %scan3A_36 : i32
    %scan3A_38 = arith.constant 1 : i32
    scf.for %scan3A_52 = %scan3A_35 to %scan3A_37 step %scan3A_38  : i32 {
      %mul3A_53 = arith.constant 1 : i32
      %mul3A_54 = arith.muli %scan3A_52, %mul3A_53 : i32
      %add3A_55 = arith.constant 0 : i32
      %add3A_56 = arith.addi %add3A_55, %mul3A_54 : i32
      %mul3A_57 = arith.constant 128 : i32
      %mul3A_58 = arith.muli %add3A_56, %mul3A_57 : i32
      %add3A_59 = arith.addi %mul3A_32, %mul3A_58 : i32
      "tpu.region"() ({
        %run_scoped3A = tpu.sem_alloc : memref<!tpu.dma_semaphore, #tpu.memory_space<semaphore_mem>>
        %dma_start3A = tpu.memref_slice %arg2[%arg0, %add3A_59] : memref<2x800768xi32, #tpu.memory_space<hbm>> -> memref<1x128xi32, #tpu.memory_space<hbm>>
        %dma_start3A_65 = tpu.memref_squeeze %dma_start3A : memref<1x128xi32, #tpu.memory_space<hbm>> -> memref<128xi32, #tpu.memory_space<hbm>>
        %dma_start3A_66 = tpu.memref_slice %arg2[%arg0, %add3A_59] : memref<2x800768xi32, #tpu.memory_space<hbm>> -> memref<1x128xi32, #tpu.memory_space<hbm>>
        %dma_start3A_67 = tpu.memref_squeeze %dma_start3A_66 : memref<1x128xi32, #tpu.memory_space<hbm>> -> memref<128xi32, #tpu.memory_space<hbm>>
        tpu.enqueue_dma source(%dma_start3A_67 : memref<128xi32, #tpu.memory_space<hbm>>) target(%arg9 : memref<128xi32, #tpu.memory_space<vmem>>) target_semaphore(%run_scoped3A : memref<!tpu.dma_semaphore, #tpu.memory_space<semaphore_mem>>)
        %dma_wait3A = tpu.memref_slice %arg2[%arg0, %add3A_59] : memref<2x800768xi32, #tpu.memory_space<hbm>> -> memref<1x128xi32, #tpu.memory_space<hbm>>
        %dma_wait3A_68 = tpu.memref_squeeze %dma_wait3A : memref<1x128xi32, #tpu.memory_space<hbm>> -> memref<128xi32, #tpu.memory_space<hbm>>
        %dma_wait3A_69 = tpu.memref_slice %arg2[%arg0, %add3A_59] : memref<2x800768xi32, #tpu.memory_space<hbm>> -> memref<1x128xi32, #tpu.memory_space<hbm>>
        %dma_wait3A_70 = tpu.memref_squeeze %dma_wait3A_69 : memref<1x128xi32, #tpu.memory_space<hbm>> -> memref<128xi32, #tpu.memory_space<hbm>>
        tpu.wait_dma2 semaphore(%run_scoped3A : memref<!tpu.dma_semaphore, #tpu.memory_space<semaphore_mem>>) src(%dma_wait3A_70 : memref<128xi32, #tpu.memory_space<hbm>>) dst(%arg9 : memref<128xi32, #tpu.memory_space<vmem>>)
        tpu.yield
      }) : () -> ()
      "tpu.region"() ({
        %run_scoped3A = tpu.sem_alloc : memref<!tpu.dma_semaphore, #tpu.memory_space<semaphore_mem>>
        %dma_start3A = tpu.memref_slice %arg3[%arg0, %add3A_59] : memref<2x800768xi32, #tpu.memory_space<hbm>> -> memref<1x128xi32, #tpu.memory_space<hbm>>
        %dma_start3A_65 = tpu.memref_squeeze %dma_start3A : memref<1x128xi32, #tpu.memory_space<hbm>> -> memref<128xi32, #tpu.memory_space<hbm>>
        %dma_start3A_66 = tpu.memref_slice %arg3[%arg0, %add3A_59] : memref<2x800768xi32, #tpu.memory_space<hbm>> -> memref<1x128xi32, #tpu.memory_space<hbm>>
        %dma_start3A_67 = tpu.memref_squeeze %dma_start3A_66 : memref<1x128xi32, #tpu.memory_space<hbm>> -> memref<128xi32, #tpu.memory_space<hbm>>
        tpu.enqueue_dma source(%dma_start3A_67 : memref<128xi32, #tpu.memory_space<hbm>>) target(%arg10 : memref<128xi32, #tpu.memory_space<vmem>>) target_semaphore(%run_scoped3A : memref<!tpu.dma_semaphore, #tpu.memory_space<semaphore_mem>>)
        %dma_wait3A = tpu.memref_slice %arg3[%arg0, %add3A_59] : memref<2x800768xi32, #tpu.memory_space<hbm>> -> memref<1x128xi32, #tpu.memory_space<hbm>>
        %dma_wait3A_68 = tpu.memref_squeeze %dma_wait3A : memref<1x128xi32, #tpu.memory_space<hbm>> -> memref<128xi32, #tpu.memory_space<hbm>>
        %dma_wait3A_69 = tpu.memref_slice %arg3[%arg0, %add3A_59] : memref<2x800768xi32, #tpu.memory_space<hbm>> -> memref<1x128xi32, #tpu.memory_space<hbm>>
        %dma_wait3A_70 = tpu.memref_squeeze %dma_wait3A_69 : memref<1x128xi32, #tpu.memory_space<hbm>> -> memref<128xi32, #tpu.memory_space<hbm>>
        tpu.wait_dma2 semaphore(%run_scoped3A : memref<!tpu.dma_semaphore, #tpu.memory_space<semaphore_mem>>) src(%dma_wait3A_70 : memref<128xi32, #tpu.memory_space<hbm>>) dst(%arg10 : memref<128xi32, #tpu.memory_space<vmem>>)
        tpu.yield
      }) : () -> ()
      "tpu.region"() ({
        %run_scoped3A = tpu.sem_alloc : memref<!tpu.dma_semaphore, #tpu.memory_space<semaphore_mem>>
        %dma_start3A = tpu.memref_slice %arg4[%add3A_59] : memref<800768xf32, #tpu.memory_space<hbm>> -> memref<128xf32, #tpu.memory_space<hbm>>
        %dma_start3A_65 = tpu.memref_slice %arg4[%add3A_59] : memref<800768xf32, #tpu.memory_space<hbm>> -> memref<128xf32, #tpu.memory_space<hbm>>
        tpu.enqueue_dma source(%dma_start3A_65 : memref<128xf32, #tpu.memory_space<hbm>>) target(%arg11 : memref<128xf32, #tpu.memory_space<vmem>>) target_semaphore(%run_scoped3A : memref<!tpu.dma_semaphore, #tpu.memory_space<semaphore_mem>>)
        %dma_wait3A = tpu.memref_slice %arg4[%add3A_59] : memref<800768xf32, #tpu.memory_space<hbm>> -> memref<128xf32, #tpu.memory_space<hbm>>
        %dma_wait3A_66 = tpu.memref_slice %arg4[%add3A_59] : memref<800768xf32, #tpu.memory_space<hbm>> -> memref<128xf32, #tpu.memory_space<hbm>>
        tpu.wait_dma2 semaphore(%run_scoped3A : memref<!tpu.dma_semaphore, #tpu.memory_space<semaphore_mem>>) src(%dma_wait3A_66 : memref<128xf32, #tpu.memory_space<hbm>>) dst(%arg11 : memref<128xf32, #tpu.memory_space<vmem>>)
        tpu.yield
      }) : () -> ()
      "tpu.region"() ({
        %run_scoped3A = tpu.sem_alloc : memref<!tpu.dma_semaphore, #tpu.memory_space<semaphore_mem>>
        %dma_start3A = tpu.memref_slice %arg5[%add3A_59] : memref<800768xf32, #tpu.memory_space<hbm>> -> memref<128xf32, #tpu.memory_space<hbm>>
        %dma_start3A_65 = tpu.memref_slice %arg5[%add3A_59] : memref<800768xf32, #tpu.memory_space<hbm>> -> memref<128xf32, #tpu.memory_space<hbm>>
        tpu.enqueue_dma source(%dma_start3A_65 : memref<128xf32, #tpu.memory_space<hbm>>) target(%arg12 : memref<128xf32, #tpu.memory_space<vmem>>) target_semaphore(%run_scoped3A : memref<!tpu.dma_semaphore, #tpu.memory_space<semaphore_mem>>)
        %dma_wait3A = tpu.memref_slice %arg5[%add3A_59] : memref<800768xf32, #tpu.memory_space<hbm>> -> memref<128xf32, #tpu.memory_space<hbm>>
        %dma_wait3A_66 = tpu.memref_slice %arg5[%add3A_59] : memref<800768xf32, #tpu.memory_space<hbm>> -> memref<128xf32, #tpu.memory_space<hbm>>
        tpu.wait_dma2 semaphore(%run_scoped3A : memref<!tpu.dma_semaphore, #tpu.memory_space<semaphore_mem>>) src(%dma_wait3A_66 : memref<128xf32, #tpu.memory_space<hbm>>) dst(%arg12 : memref<128xf32, #tpu.memory_space<vmem>>)
        tpu.yield
      }) : () -> ()
      %scan3A_60 = arith.constant 0 : i32
      %scan3A_61 = arith.constant 8 : i32
      %scan3A_62 = arith.addi %scan3A_60, %scan3A_61 : i32
      %scan3A_63 = arith.constant 1 : i32
      scf.for %scan3A_65 = %scan3A_60 to %scan3A_62 step %scan3A_63  : i32 {
        %mul3A_66 = arith.constant 1 : i32
        %mul3A_67 = arith.muli %scan3A_65, %mul3A_66 : i32
        %add3A_68 = arith.constant 0 : i32
        %add3A_69 = arith.addi %add3A_68, %mul3A_67 : i32
        %mul3A_70 = arith.constant 16 : i32
        %mul3A_71 = arith.muli %add3A_69, %mul3A_70 : i32
        %get3A_72 = arith.index_cast %mul3A_71 : i32 to index
        %get3A_73 = tpu.vector_load %arg9[%get3A_72] {strides = array<i32>} : memref<128xi32, #tpu.memory_space<vmem>>, vector<16xi32>,
        %get3A_74 = arith.index_cast %mul3A_71 : i32 to index
        %get3A_75 = tpu.vector_load %arg10[%get3A_74] {strides = array<i32>} : memref<128xi32, #tpu.memory_space<vmem>>, vector<16xi32>,
        %get3A_76 = arith.index_cast %mul3A_71 : i32 to index
        %get3A_77 = tpu.vector_load %arg11[%get3A_76] {strides = array<i32>} : memref<128xf32, #tpu.memory_space<vmem>>, vector<16xf32>,
        %get3A_78 = arith.index_cast %mul3A_71 : i32 to index
        %get3A_79 = tpu.vector_load %arg12[%get3A_78] {strides = array<i32>} : memref<128xf32, #tpu.memory_space<vmem>>, vector<16xf32>,
        %ne3A = arith.cmpi ne, %get3A_73, %get3A_75 : vector<16xi32>
        %jit3A = arith.constant 1.000000e+00 : f32
        %jit3A_80 = arith.constant 0.000000e+00 : f32
        %broadcast_in_dim3A_81 = vector.broadcast %jit3A : f32 to vector<16xf32>
        %broadcast_in_dim3A_82 = vector.broadcast %jit3A_80 : f32 to vector<16xf32>
        %select_n3A = arith.select %ne3A, %broadcast_in_dim3A_81, %broadcast_in_dim3A_82 : vector<16xi1>, vector<16xf32>
        %scan3A_83 = arith.constant 0 : i32
        %scan3A_84 = arith.constant 16 : i32
        %scan3A_85 = arith.addi %scan3A_83, %scan3A_84 : i32
        %scan3A_86 = arith.constant 1 : i32
        scf.for %scan3A_88 = %scan3A_83 to %scan3A_85 step %scan3A_86  : i32 {
          %mul3A_89 = arith.constant 1 : i32
          %mul3A_90 = arith.muli %scan3A_88, %mul3A_89 : i32
          %add3A_91 = arith.constant 0 : i32
          %add3A_92 = arith.addi %add3A_91, %mul3A_90 : i32
          %mul3A_93 = arith.constant 16 : i32
          %mul3A_94 = arith.muli %add3A_69, %mul3A_93 : i32
          %add3A_95 = arith.addi %mul3A_94, %add3A_92 : i32
          %broadcast_in_dim3A_96 = vector.broadcast %add3A_92 : i32 to vector<16x1xi32>
          %gather3A = vector.shape_cast %broadcast_in_dim3A_96 : vector<16x1xi32> to vector<16xi32>
          %gather3A_97 = tpu.dynamic_gather %select_n3A[%gather3A] in [0] : vector<16xf32>, vector<16xi32> -> vector<16xf32>
          %broadcast_in_dim3A_98 = vector.broadcast %add3A_92 : i32 to vector<16x1xi32>
          %gather3A_99 = vector.shape_cast %broadcast_in_dim3A_98 : vector<16x1xi32> to vector<16xi32>
          %gather3A_100 = tpu.dynamic_gather %get3A_77[%gather3A_99] in [0] : vector<16xf32>, vector<16xi32> -> vector<16xf32>
          %broadcast_in_dim3A_101 = vector.broadcast %add3A_92 : i32 to vector<16x1xi32>
          %gather3A_102 = vector.shape_cast %broadcast_in_dim3A_101 : vector<16x1xi32> to vector<16xi32>
          %gather3A_103 = tpu.dynamic_gather %get3A_79[%gather3A_102] in [0] : vector<16xf32>, vector<16xi32> -> vector<16xf32>
          %mul3A_104 = arith.mulf %gather3A_100, %get3A_13 : vector<16xf32>
          %mul3A_105 = arith.mulf %gather3A_103, %get3A_17 : vector<16xf32>
          %add3A_106 = arith.addf %mul3A_104, %mul3A_105 : vector<16xf32>
          %add3A_107 = arith.addf %add3A_106, %get3A_21 : vector<16xf32>
          %max3A = arith.constant 0.000000e+00 : f32
          %max3A_108 = vector.broadcast %max3A : f32 to vector<16xf32>
          %max3A_109 = arith.maximumf %add3A_107, %max3A_108 : vector<16xf32>
          %mul3A_110 = arith.mulf %max3A_109, %gather3A_97 : vector<16xf32>
          %swap3A = arith.index_cast %add3A_95 : i32 to index
          %swap3A_111 = arith.constant 0 : index
          %swap3A_112 = tpu.vector_load %arg13[%swap3A, %swap3A_111] {strides = array<i32>} : memref<128x16xf32, #tpu.memory_space<vmem>>, vector<16xf32>,
          tpu.vector_store %arg13[%swap3A, %swap3A_111], %mul3A_110 {strides = array<i32>} : memref<128x16xf32, #tpu.memory_space<vmem>>, vector<16xf32>,
        }
        %scan3A_87 = arith.constant 16 : i32
      }
      %scan3A_64 = arith.constant 8 : i32
      "tpu.region"() ({
        %run_scoped3A = tpu.sem_alloc : memref<!tpu.dma_semaphore, #tpu.memory_space<semaphore_mem>>
        %dma_start3A = arith.constant 0 : i32
        %dma_start3A_65 = arith.constant 0 : i32
        %dma_start3A_66 = tpu.memref_slice %arg8[%dma_start3A, %dma_start3A_65] : memref<50048x16xf32, #tpu.memory_space<vmem_shared>> -> memref<50048x16xf32, #tpu.memory_space<vmem_shared>>
        tpu.enqueue_indirect_dma source(%arg13 : memref<128x16xf32, #tpu.memory_space<vmem>>) target(%dma_start3A_66 : memref<50048x16xf32, #tpu.memory_space<vmem_shared>>) offsets(%arg9 : memref<128xi32, #tpu.memory_space<vmem>>) semaphore(%run_scoped3A : memref<!tpu.dma_semaphore, #tpu.memory_space<semaphore_mem>>) {add = true}
        %dma_wait3A = arith.constant 0 : i32
        %dma_wait3A_67 = arith.constant 0 : i32
        %dma_wait3A_68 = tpu.memref_slice %arg8[%dma_wait3A, %dma_wait3A_67] : memref<50048x16xf32, #tpu.memory_space<vmem_shared>> -> memref<50048x16xf32, #tpu.memory_space<vmem_shared>>
        tpu.wait_indirect_dma semaphore(%run_scoped3A : memref<!tpu.dma_semaphore, #tpu.memory_space<semaphore_mem>>) src(%arg13 : memref<128x16xf32, #tpu.memory_space<vmem>>) dst(%dma_wait3A_68 : memref<50048x16xf32, #tpu.memory_space<vmem_shared>>)
        tpu.yield
      }) : () -> ()
    }
    %scan3A_39 = arith.constant 391 : i32
    %barrier3A_40 = arith.constant 0 : index
    tpu.barrier barrier_id(%barrier3A_40)
    %scan3A_41 = arith.constant 0 : i32
    %scan3A_42 = arith.constant 24 : i32
    %scan3A_43 = arith.addi %scan3A_41, %scan3A_42 : i32
    %scan3A_44 = arith.constant 1 : i32
    scf.for %scan3A_52 = %scan3A_41 to %scan3A_43 step %scan3A_44  : i32 {
      %mul3A_53 = arith.constant 1 : i32
      %mul3A_54 = arith.muli %scan3A_52, %mul3A_53 : i32
      %add3A_55 = arith.constant 0 : i32
      %add3A_56 = arith.addi %add3A_55, %mul3A_54 : i32
      %scan3A_57 = arith.constant 0 : i32
      %scan3A_58 = arith.constant 8 : i32
      %scan3A_59 = arith.addi %scan3A_57, %scan3A_58 : i32
      %scan3A_60 = arith.constant 1 : i32
      scf.for %scan3A_65 = %scan3A_57 to %scan3A_59 step %scan3A_60  : i32 {
        %mul3A_66 = arith.constant 1 : i32
        %mul3A_67 = arith.muli %scan3A_65, %mul3A_66 : i32
        %add3A_68 = arith.constant 0 : i32
        %add3A_69 = arith.addi %add3A_68, %mul3A_67 : i32
        %mul3A_70 = arith.constant 128 : i32
        %mul3A_71 = arith.muli %add3A_56, %mul3A_70 : i32
        %add3A_72 = arith.addi %mul3A_0, %mul3A_71 : i32
        %mul3A_73 = arith.constant 16 : i32
        %mul3A_74 = arith.muli %add3A_69, %mul3A_73 : i32
        %add3A_75 = arith.addi %add3A_72, %mul3A_74 : i32
        %add3A_76 = vector.broadcast %add3A_75 : i32 to vector<16xi32>
        %add3A_77 = arith.addi %add3A_76, %iota3A : vector<16xi32>
        %min3A = arith.constant 50047 : i32
        %min3A_78 = vector.broadcast %min3A : i32 to vector<16xi32>
        %min3A_79 = arith.minsi %add3A_77, %min3A_78 : vector<16xi32>
        %mul3A_80 = arith.constant 16 : i32
        %mul3A_81 = arith.muli %add3A_69, %mul3A_80 : i32
        %swap3A = arith.index_cast %mul3A_81 : i32 to index
        %swap3A_82 = tpu.vector_load %arg15[%swap3A] {strides = array<i32>} : memref<128xi32, #tpu.memory_space<vmem>>, vector<16xi32>,
        tpu.vector_store %arg15[%swap3A], %min3A_79 {strides = array<i32>} : memref<128xi32, #tpu.memory_space<vmem>>, vector<16xi32>,
      }
      %scan3A_61 = arith.constant 8 : i32
      "tpu.region"() ({
        %run_scoped3A = tpu.sem_alloc : memref<!tpu.dma_semaphore, #tpu.memory_space<semaphore_mem>>
        %dma_start3A = arith.constant 0 : i32
        %dma_start3A_65 = arith.constant 0 : i32
        %dma_start3A_66 = tpu.memref_slice %arg8[%dma_start3A, %dma_start3A_65] : memref<50048x16xf32, #tpu.memory_space<vmem_shared>> -> memref<50048x16xf32, #tpu.memory_space<vmem_shared>>
        tpu.enqueue_indirect_dma source(%dma_start3A_66 : memref<50048x16xf32, #tpu.memory_space<vmem_shared>>) target(%arg13 : memref<128x16xf32, #tpu.memory_space<vmem>>) offsets(%arg15 : memref<128xi32, #tpu.memory_space<vmem>>) semaphore(%run_scoped3A : memref<!tpu.dma_semaphore, #tpu.memory_space<semaphore_mem>>)
        %dma_wait3A = arith.constant 0 : i32
        %dma_wait3A_67 = arith.constant 0 : i32
        %dma_wait3A_68 = tpu.memref_slice %arg8[%dma_wait3A, %dma_wait3A_67] : memref<50048x16xf32, #tpu.memory_space<vmem_shared>> -> memref<50048x16xf32, #tpu.memory_space<vmem_shared>>
        tpu.wait_indirect_dma semaphore(%run_scoped3A : memref<!tpu.dma_semaphore, #tpu.memory_space<semaphore_mem>>) src(%dma_wait3A_68 : memref<50048x16xf32, #tpu.memory_space<vmem_shared>>) dst(%arg13 : memref<128x16xf32, #tpu.memory_space<vmem>>)
        tpu.yield
      }) : () -> ()
      %mul3A_62 = arith.constant 128 : i32
      %mul3A_63 = arith.muli %add3A_56, %mul3A_62 : i32
      %add3A_64 = arith.addi %mul3A_0, %mul3A_63 : i32
      "tpu.region"() ({
        %run_scoped3A = tpu.sem_alloc : memref<!tpu.dma_semaphore, #tpu.memory_space<semaphore_mem>>
        %dma_start3A = arith.constant 0 : i32
        %dma_start3A_65 = tpu.memref_slice %arg7[%arg0, %add3A_64, %dma_start3A] : memref<2x50048x16xf32, #tpu.memory_space<hbm>> -> memref<1x128x16xf32, #tpu.memory_space<hbm>>
        %dma_start3A_66 = tpu.memref_squeeze %dma_start3A_65 : memref<1x128x16xf32, #tpu.memory_space<hbm>> -> memref<128x16xf32, #tpu.memory_space<hbm>>
        %dma_start3A_67 = arith.constant 0 : i32
        %dma_start3A_68 = tpu.memref_slice %arg7[%arg0, %add3A_64, %dma_start3A_67] : memref<2x50048x16xf32, #tpu.memory_space<hbm>> -> memref<1x128x16xf32, #tpu.memory_space<hbm>>
        %dma_start3A_69 = tpu.memref_squeeze %dma_start3A_68 : memref<1x128x16xf32, #tpu.memory_space<hbm>> -> memref<128x16xf32, #tpu.memory_space<hbm>>
        tpu.enqueue_dma source(%arg13 : memref<128x16xf32, #tpu.memory_space<vmem>>) target(%dma_start3A_69 : memref<128x16xf32, #tpu.memory_space<hbm>>) target_semaphore(%run_scoped3A : memref<!tpu.dma_semaphore, #tpu.memory_space<semaphore_mem>>)
        %dma_wait3A = arith.constant 0 : i32
        %dma_wait3A_70 = tpu.memref_slice %arg7[%arg0, %add3A_64, %dma_wait3A] : memref<2x50048x16xf32, #tpu.memory_space<hbm>> -> memref<1x128x16xf32, #tpu.memory_space<hbm>>
        %dma_wait3A_71 = tpu.memref_squeeze %dma_wait3A_70 : memref<1x128x16xf32, #tpu.memory_space<hbm>> -> memref<128x16xf32, #tpu.memory_space<hbm>>
        %dma_wait3A_72 = arith.constant 0 : i32
        %dma_wait3A_73 = tpu.memref_slice %arg7[%arg0, %add3A_64, %dma_wait3A_72] : memref<2x50048x16xf32, #tpu.memory_space<hbm>> -> memref<1x128x16xf32, #tpu.memory_space<hbm>>
        %dma_wait3A_74 = tpu.memref_squeeze %dma_wait3A_73 : memref<1x128x16xf32, #tpu.memory_space<hbm>> -> memref<128x16xf32, #tpu.memory_space<hbm>>
        tpu.wait_dma2 semaphore(%run_scoped3A : memref<!tpu.dma_semaphore, #tpu.memory_space<semaphore_mem>>) src(%arg13 : memref<128x16xf32, #tpu.memory_space<vmem>>) dst(%dma_wait3A_74 : memref<128x16xf32, #tpu.memory_space<hbm>>)
        tpu.yield
      }) : () -> ()
    }
    %scan3A_45 = arith.constant 24 : i32
    %scan3A_46 = arith.constant 0 : i32
    %scan3A_47 = arith.constant 8 : i32
    %scan3A_48 = arith.addi %scan3A_46, %scan3A_47 : i32
    %scan3A_49 = arith.constant 1 : i32
    scf.for %scan3A_52 = %scan3A_46 to %scan3A_48 step %scan3A_49  : i32 {
      %mul3A_53 = arith.constant 1 : i32
      %mul3A_54 = arith.muli %scan3A_52, %mul3A_53 : i32
      %add3A_55 = arith.constant 0 : i32
      %add3A_56 = arith.addi %add3A_55, %mul3A_54 : i32
      %add3A_57 = arith.constant 3072 : i32
      %add3A_58 = arith.addi %mul3A_0, %add3A_57 : i32
      %mul3A_59 = arith.constant 16 : i32
      %mul3A_60 = arith.muli %add3A_56, %mul3A_59 : i32
      %add3A_61 = arith.addi %add3A_58, %mul3A_60 : i32
      %add3A_62 = vector.broadcast %add3A_61 : i32 to vector<16xi32>
      %add3A_63 = arith.addi %add3A_62, %iota3A : vector<16xi32>
      %min3A = arith.constant 50047 : i32
      %min3A_64 = vector.broadcast %min3A : i32 to vector<16xi32>
      %min3A_65 = arith.minsi %add3A_63, %min3A_64 : vector<16xi32>
      %mul3A_66 = arith.constant 16 : i32
      %mul3A_67 = arith.muli %add3A_56, %mul3A_66 : i32
      %swap3A = arith.index_cast %mul3A_67 : i32 to index
      %swap3A_68 = tpu.vector_load %arg15[%swap3A] {strides = array<i32>} : memref<128xi32, #tpu.memory_space<vmem>>, vector<16xi32>,
      tpu.vector_store %arg15[%swap3A], %min3A_65 {strides = array<i32>} : memref<128xi32, #tpu.memory_space<vmem>>, vector<16xi32>,
    }
    %scan3A_50 = arith.constant 8 : i32
    "tpu.region"() ({
      %run_scoped3A = tpu.sem_alloc : memref<!tpu.dma_semaphore, #tpu.memory_space<semaphore_mem>>
      %dma_start3A = arith.constant 0 : i32
      %dma_start3A_52 = arith.constant 0 : i32
      %dma_start3A_53 = tpu.memref_slice %arg8[%dma_start3A, %dma_start3A_52] : memref<50048x16xf32, #tpu.memory_space<vmem_shared>> -> memref<50048x16xf32, #tpu.memory_space<vmem_shared>>
      tpu.enqueue_indirect_dma source(%dma_start3A_53 : memref<50048x16xf32, #tpu.memory_space<vmem_shared>>) target(%arg13 : memref<128x16xf32, #tpu.memory_space<vmem>>) offsets(%arg15 : memref<128xi32, #tpu.memory_space<vmem>>) semaphore(%run_scoped3A : memref<!tpu.dma_semaphore, #tpu.memory_space<semaphore_mem>>)
      %dma_wait3A = arith.constant 0 : i32
      %dma_wait3A_54 = arith.constant 0 : i32
      %dma_wait3A_55 = tpu.memref_slice %arg8[%dma_wait3A, %dma_wait3A_54] : memref<50048x16xf32, #tpu.memory_space<vmem_shared>> -> memref<50048x16xf32, #tpu.memory_space<vmem_shared>>
      tpu.wait_indirect_dma semaphore(%run_scoped3A : memref<!tpu.dma_semaphore, #tpu.memory_space<semaphore_mem>>) src(%dma_wait3A_55 : memref<50048x16xf32, #tpu.memory_space<vmem_shared>>) dst(%arg13 : memref<128x16xf32, #tpu.memory_space<vmem>>)
      tpu.yield
    }) : () -> ()
    %add3A = arith.constant 3072 : i32
    %add3A_51 = arith.addi %mul3A_0, %add3A : i32
    "tpu.region"() ({
      %run_scoped3A = tpu.sem_alloc : memref<!tpu.dma_semaphore, #tpu.memory_space<semaphore_mem>>
      %dma_start3A = arith.constant 0 : i32
      %dma_start3A_52 = arith.constant 0 : i32
      %dma_start3A_53 = tpu.memref_slice %arg13[%dma_start3A, %dma_start3A_52] : memref<128x16xf32, #tpu.memory_space<vmem>> -> memref<56x16xf32, #tpu.memory_space<vmem>>
      %dma_start3A_54 = arith.constant 0 : i32
      %dma_start3A_55 = tpu.memref_slice %arg7[%arg0, %add3A_51, %dma_start3A_54] : memref<2x50048x16xf32, #tpu.memory_space<hbm>> -> memref<1x56x16xf32, #tpu.memory_space<hbm>>
      %dma_start3A_56 = tpu.memref_squeeze %dma_start3A_55 : memref<1x56x16xf32, #tpu.memory_space<hbm>> -> memref<56x16xf32, #tpu.memory_space<hbm>>
      %dma_start3A_57 = arith.constant 0 : i32
      %dma_start3A_58 = tpu.memref_slice %arg7[%arg0, %add3A_51, %dma_start3A_57] : memref<2x50048x16xf32, #tpu.memory_space<hbm>> -> memref<1x56x16xf32, #tpu.memory_space<hbm>>
      %dma_start3A_59 = tpu.memref_squeeze %dma_start3A_58 : memref<1x56x16xf32, #tpu.memory_space<hbm>> -> memref<56x16xf32, #tpu.memory_space<hbm>>
      %dma_start3A_60 = arith.constant 0 : i32
      %dma_start3A_61 = arith.constant 0 : i32
      %dma_start3A_62 = tpu.memref_slice %arg13[%dma_start3A_60, %dma_start3A_61] : memref<128x16xf32, #tpu.memory_space<vmem>> -> memref<56x16xf32, #tpu.memory_space<vmem>>
      tpu.enqueue_dma source(%dma_start3A_62 : memref<56x16xf32, #tpu.memory_space<vmem>>) target(%dma_start3A_59 : memref<56x16xf32, #tpu.memory_space<hbm>>) target_semaphore(%run_scoped3A : memref<!tpu.dma_semaphore, #tpu.memory_space<semaphore_mem>>)
      %dma_wait3A = arith.constant 0 : i32
      %dma_wait3A_63 = arith.constant 0 : i32
      %dma_wait3A_64 = tpu.memref_slice %arg13[%dma_wait3A, %dma_wait3A_63] : memref<128x16xf32, #tpu.memory_space<vmem>> -> memref<56x16xf32, #tpu.memory_space<vmem>>
      %dma_wait3A_65 = arith.constant 0 : i32
      %dma_wait3A_66 = tpu.memref_slice %arg7[%arg0, %add3A_51, %dma_wait3A_65] : memref<2x50048x16xf32, #tpu.memory_space<hbm>> -> memref<1x56x16xf32, #tpu.memory_space<hbm>>
      %dma_wait3A_67 = tpu.memref_squeeze %dma_wait3A_66 : memref<1x56x16xf32, #tpu.memory_space<hbm>> -> memref<56x16xf32, #tpu.memory_space<hbm>>
      %dma_wait3A_68 = arith.constant 0 : i32
      %dma_wait3A_69 = tpu.memref_slice %arg7[%arg0, %add3A_51, %dma_wait3A_68] : memref<2x50048x16xf32, #tpu.memory_space<hbm>> -> memref<1x56x16xf32, #tpu.memory_space<hbm>>
      %dma_wait3A_70 = tpu.memref_squeeze %dma_wait3A_69 : memref<1x56x16xf32, #tpu.memory_space<hbm>> -> memref<56x16xf32, #tpu.memory_space<hbm>>
      %dma_wait3A_71 = arith.constant 0 : i32
      %dma_wait3A_72 = arith.constant 0 : i32
      %dma_wait3A_73 = tpu.memref_slice %arg13[%dma_wait3A_71, %dma_wait3A_72] : memref<128x16xf32, #tpu.memory_space<vmem>> -> memref<56x16xf32, #tpu.memory_space<vmem>>
      tpu.wait_dma2 semaphore(%run_scoped3A : memref<!tpu.dma_semaphore, #tpu.memory_space<semaphore_mem>>) src(%dma_wait3A_73 : memref<56x16xf32, #tpu.memory_space<vmem>>) dst(%dma_wait3A_70 : memref<56x16xf32, #tpu.memory_space<hbm>>)
      tpu.yield
    }) : () -> ()
    return
  }
}

#map = affine_map<(d0, d1) -> (0, 0)>
#map1 = affine_map<(d0, d1) -> (0)>
#map2 = affine_map<(d0, d1) -> (0, 0, 0)>
module attributes {stable_mosaic.version = 14 : i64} {
  func.func @body(%arg0: i32, %arg1: i32, %arg2: memref<2x800768xi32, #tpu.memory_space<hbm>>, %arg3: memref<2x800768xi32, #tpu.memory_space<hbm>>, %arg4: memref<800768xf32, #tpu.memory_space<hbm>>, %arg5: memref<800768xf32, #tpu.memory_space<hbm>>, %arg6: memref<2x3x16xf32, #tpu.memory_space<hbm>>, %arg7: memref<50000x128xf32, #tpu.memory_space<hbm>>, %arg8: memref<2x50048x16xf32, #tpu.memory_space<hbm>>, %arg9: memref<50048x16xf32, #tpu.memory_space<vmem_shared>>, %arg10: memref<128xi32, #tpu.memory_space<vmem>>, %arg11: memref<128xi32, #tpu.memory_space<vmem>>, %arg12: memref<128xf32, #tpu.memory_space<vmem>>, %arg13: memref<128xf32, #tpu.memory_space<vmem>>, %arg14: memref<128x16xf32, #tpu.memory_space<vmem>>, %arg15: memref<3x16xf32, #tpu.memory_space<vmem>>, %arg16: memref<128xi32, #tpu.memory_space<vmem>>, %arg17: memref<128x128xf32, #tpu.memory_space<vmem>>, %arg18: memref<128x128xf32, #tpu.memory_space<vmem>>) attributes {dimension_semantics = [#tpu.dimension_semantics<core_parallel>, #tpu.dimension_semantics<subcore_parallel>], iteration_bounds = array<i64: 2, 16>, scalar_prefetch = 0 : i64, scratch_operands = 10 : i64, tpu.core_type = #tpu.core_type<sc_vector_subcore>, window_params = [{transform_indices = #map}, {transform_indices = #map}, {transform_indices = #map1}, {transform_indices = #map1}, {transform_indices = #map2}, {transform_indices = #map}, {transform_indices = #map2}]} {
    %mul3A = arith.constant 3128 : i32
    %mul3A_0 = arith.muli %arg1, %mul3A : i32
    %iota3A = tpu.iota {dimensions = array<i32: 0>} : vector<16xi32>
    %broadcast_in_dim3A = arith.constant 0.000000e+00 : f32
    %broadcast_in_dim3A_1 = vector.broadcast %broadcast_in_dim3A : f32 to vector<16xf32>
    %scan3A = arith.constant 0 : i32
    %scan3A_2 = arith.constant 128 : i32
    %scan3A_3 = arith.addi %scan3A, %scan3A_2 : i32
    %scan3A_4 = arith.constant 1 : i32
    scf.for %scan3A_52 = %scan3A to %scan3A_3 step %scan3A_4  : i32 {
      %mul3A_53 = arith.constant 1 : i32
      %mul3A_54 = arith.muli %scan3A_52, %mul3A_53 : i32
      %add3A_55 = arith.constant 0 : i32
      %add3A_56 = arith.addi %add3A_55, %mul3A_54 : i32
      %swap3A = arith.index_cast %add3A_56 : i32 to index
      %swap3A_57 = arith.constant 0 : index
      %swap3A_58 = tpu.vector_load %arg14[%swap3A, %swap3A_57] {strides = array<i32>} : memref<128x16xf32, #tpu.memory_space<vmem>>, vector<16xf32>,
      tpu.vector_store %arg14[%swap3A, %swap3A_57], %broadcast_in_dim3A_1 {strides = array<i32>} : memref<128x16xf32, #tpu.memory_space<vmem>>, vector<16xf32>,
    }
    %scan3A_5 = arith.constant 128 : i32
    %scan3A_6 = arith.constant 0 : i32
    %scan3A_7 = arith.constant 25 : i32
    %scan3A_8 = arith.addi %scan3A_6, %scan3A_7 : i32
    %scan3A_9 = arith.constant 1 : i32
    scf.for %scan3A_52 = %scan3A_6 to %scan3A_8 step %scan3A_9  : i32 {
      %mul3A_53 = arith.constant 1 : i32
      %mul3A_54 = arith.muli %scan3A_52, %mul3A_53 : i32
      %add3A_55 = arith.constant 0 : i32
      %add3A_56 = arith.addi %add3A_55, %mul3A_54 : i32
      %scan3A_57 = arith.constant 0 : i32
      %scan3A_58 = arith.constant 8 : i32
      %scan3A_59 = arith.addi %scan3A_57, %scan3A_58 : i32
      %scan3A_60 = arith.constant 1 : i32
      scf.for %scan3A_62 = %scan3A_57 to %scan3A_59 step %scan3A_60  : i32 {
        %mul3A_63 = arith.constant 1 : i32
        %mul3A_64 = arith.muli %scan3A_62, %mul3A_63 : i32
        %add3A_65 = arith.constant 0 : i32
        %add3A_66 = arith.addi %add3A_65, %mul3A_64 : i32
        %mul3A_67 = arith.constant 128 : i32
        %mul3A_68 = arith.muli %add3A_56, %mul3A_67 : i32
        %add3A_69 = arith.addi %mul3A_0, %mul3A_68 : i32
        %mul3A_70 = arith.constant 16 : i32
        %mul3A_71 = arith.muli %add3A_66, %mul3A_70 : i32
        %add3A_72 = arith.addi %add3A_69, %mul3A_71 : i32
        %add3A_73 = vector.broadcast %add3A_72 : i32 to vector<16xi32>
        %add3A_74 = arith.addi %add3A_73, %iota3A : vector<16xi32>
        %min3A = arith.constant 50047 : i32
        %min3A_75 = vector.broadcast %min3A : i32 to vector<16xi32>
        %min3A_76 = arith.minsi %add3A_74, %min3A_75 : vector<16xi32>
        %mul3A_77 = arith.constant 16 : i32
        %mul3A_78 = arith.muli %add3A_66, %mul3A_77 : i32
        %swap3A = arith.index_cast %mul3A_78 : i32 to index
        %swap3A_79 = tpu.vector_load %arg16[%swap3A] {strides = array<i32>} : memref<128xi32, #tpu.memory_space<vmem>>, vector<16xi32>,
        tpu.vector_store %arg16[%swap3A], %min3A_76 {strides = array<i32>} : memref<128xi32, #tpu.memory_space<vmem>>, vector<16xi32>,
      }
      %scan3A_61 = arith.constant 8 : i32
      "tpu.region"() ({
        %run_scoped3A = tpu.sem_alloc : memref<!tpu.dma_semaphore, #tpu.memory_space<semaphore_mem>>
        %dma_start3A = arith.constant 0 : i32
        %dma_start3A_62 = arith.constant 0 : i32
        %dma_start3A_63 = tpu.memref_slice %arg9[%dma_start3A, %dma_start3A_62] : memref<50048x16xf32, #tpu.memory_space<vmem_shared>> -> memref<50048x16xf32, #tpu.memory_space<vmem_shared>>
        tpu.enqueue_indirect_dma source(%arg14 : memref<128x16xf32, #tpu.memory_space<vmem>>) target(%dma_start3A_63 : memref<50048x16xf32, #tpu.memory_space<vmem_shared>>) offsets(%arg16 : memref<128xi32, #tpu.memory_space<vmem>>) semaphore(%run_scoped3A : memref<!tpu.dma_semaphore, #tpu.memory_space<semaphore_mem>>)
        %dma_wait3A = arith.constant 0 : i32
        %dma_wait3A_64 = arith.constant 0 : i32
        %dma_wait3A_65 = tpu.memref_slice %arg9[%dma_wait3A, %dma_wait3A_64] : memref<50048x16xf32, #tpu.memory_space<vmem_shared>> -> memref<50048x16xf32, #tpu.memory_space<vmem_shared>>
        tpu.wait_indirect_dma semaphore(%run_scoped3A : memref<!tpu.dma_semaphore, #tpu.memory_space<semaphore_mem>>) src(%arg14 : memref<128x16xf32, #tpu.memory_space<vmem>>) dst(%dma_wait3A_65 : memref<50048x16xf32, #tpu.memory_space<vmem_shared>>)
        tpu.yield
      }) : () -> ()
    }
    %scan3A_10 = arith.constant 25 : i32
    "tpu.region"() ({
      %run_scoped3A = tpu.sem_alloc : memref<!tpu.dma_semaphore, #tpu.memory_space<semaphore_mem>>
      %dma_start3A = arith.constant 0 : i32
      %dma_start3A_52 = arith.constant 0 : i32
      %dma_start3A_53 = tpu.memref_slice %arg6[%arg0, %dma_start3A, %dma_start3A_52] : memref<2x3x16xf32, #tpu.memory_space<hbm>> -> memref<1x3x16xf32, #tpu.memory_space<hbm>>
      %dma_start3A_54 = tpu.memref_squeeze %dma_start3A_53 : memref<1x3x16xf32, #tpu.memory_space<hbm>> -> memref<3x16xf32, #tpu.memory_space<hbm>>
      %dma_start3A_55 = arith.constant 0 : i32
      %dma_start3A_56 = arith.constant 0 : i32
      %dma_start3A_57 = tpu.memref_slice %arg6[%arg0, %dma_start3A_55, %dma_start3A_56] : memref<2x3x16xf32, #tpu.memory_space<hbm>> -> memref<1x3x16xf32, #tpu.memory_space<hbm>>
      %dma_start3A_58 = tpu.memref_squeeze %dma_start3A_57 : memref<1x3x16xf32, #tpu.memory_space<hbm>> -> memref<3x16xf32, #tpu.memory_space<hbm>>
      tpu.enqueue_dma source(%dma_start3A_58 : memref<3x16xf32, #tpu.memory_space<hbm>>) target(%arg15 : memref<3x16xf32, #tpu.memory_space<vmem>>) target_semaphore(%run_scoped3A : memref<!tpu.dma_semaphore, #tpu.memory_space<semaphore_mem>>)
      %dma_wait3A = arith.constant 0 : i32
      %dma_wait3A_59 = arith.constant 0 : i32
      %dma_wait3A_60 = tpu.memref_slice %arg6[%arg0, %dma_wait3A, %dma_wait3A_59] : memref<2x3x16xf32, #tpu.memory_space<hbm>> -> memref<1x3x16xf32, #tpu.memory_space<hbm>>
      %dma_wait3A_61 = tpu.memref_squeeze %dma_wait3A_60 : memref<1x3x16xf32, #tpu.memory_space<hbm>> -> memref<3x16xf32, #tpu.memory_space<hbm>>
      %dma_wait3A_62 = arith.constant 0 : i32
      %dma_wait3A_63 = arith.constant 0 : i32
      %dma_wait3A_64 = tpu.memref_slice %arg6[%arg0, %dma_wait3A_62, %dma_wait3A_63] : memref<2x3x16xf32, #tpu.memory_space<hbm>> -> memref<1x3x16xf32, #tpu.memory_space<hbm>>
      %dma_wait3A_65 = tpu.memref_squeeze %dma_wait3A_64 : memref<1x3x16xf32, #tpu.memory_space<hbm>> -> memref<3x16xf32, #tpu.memory_space<hbm>>
      tpu.wait_dma2 semaphore(%run_scoped3A : memref<!tpu.dma_semaphore, #tpu.memory_space<semaphore_mem>>) src(%dma_wait3A_65 : memref<3x16xf32, #tpu.memory_space<hbm>>) dst(%arg15 : memref<3x16xf32, #tpu.memory_space<vmem>>)
      tpu.yield
    }) : () -> ()
    %barrier3A = arith.constant 0 : index
    tpu.barrier barrier_id(%barrier3A)
    %get3A = arith.constant 0 : i32
    %get3A_11 = arith.index_cast %get3A : i32 to index
    %get3A_12 = arith.constant 0 : index
    %get3A_13 = tpu.vector_load %arg15[%get3A_11, %get3A_12] {strides = array<i32>} : memref<3x16xf32, #tpu.memory_space<vmem>>, vector<16xf32>,
    %get3A_14 = arith.constant 1 : i32
    %get3A_15 = arith.index_cast %get3A_14 : i32 to index
    %get3A_16 = arith.constant 0 : index
    %get3A_17 = tpu.vector_load %arg15[%get3A_15, %get3A_16] {strides = array<i32>} : memref<3x16xf32, #tpu.memory_space<vmem>>, vector<16xf32>,
    %get3A_18 = arith.constant 2 : i32
    %get3A_19 = arith.index_cast %get3A_18 : i32 to index
    %get3A_20 = arith.constant 0 : index
    %get3A_21 = tpu.vector_load %arg15[%get3A_19, %get3A_20] {strides = array<i32>} : memref<3x16xf32, #tpu.memory_space<vmem>>, vector<16xf32>,
    %iota3A_22 = tpu.iota {dimensions = array<i32: 0>} : vector<16xi32>
    %eq3A = arith.constant 0 : i32
    %eq3A_23 = vector.broadcast %eq3A : i32 to vector<16xi32>
    %eq3A_24 = arith.cmpi eq, %iota3A_22, %eq3A_23 : vector<16xi32>
    %convert_element_type3A = arith.extui %eq3A_24 : vector<16xi1> to vector<16xi32>
    %convert_element_type3A_25 = arith.sitofp %convert_element_type3A : vector<16xi32> to vector<16xf32>
    %eq3A_26 = arith.constant 1 : i32
    %eq3A_27 = vector.broadcast %eq3A_26 : i32 to vector<16xi32>
    %eq3A_28 = arith.cmpi eq, %iota3A_22, %eq3A_27 : vector<16xi32>
    %convert_element_type3A_29 = arith.extui %eq3A_28 : vector<16xi1> to vector<16xi32>
    %convert_element_type3A_30 = arith.sitofp %convert_element_type3A_29 : vector<16xi32> to vector<16xf32>
    %mul3A_31 = arith.constant 50048 : i32
    %mul3A_32 = arith.muli %arg1, %mul3A_31 : i32
    %mul3A_33 = arith.constant 50000 : i32
    %mul3A_34 = arith.muli %arg0, %mul3A_33 : i32
    %scan3A_35 = arith.constant 0 : i32
    %scan3A_36 = arith.constant 391 : i32
    %scan3A_37 = arith.addi %scan3A_35, %scan3A_36 : i32
    %scan3A_38 = arith.constant 1 : i32
    scf.for %scan3A_52 = %scan3A_35 to %scan3A_37 step %scan3A_38  : i32 {
      %mul3A_53 = arith.constant 1 : i32
      %mul3A_54 = arith.muli %scan3A_52, %mul3A_53 : i32
      %add3A_55 = arith.constant 0 : i32
      %add3A_56 = arith.addi %add3A_55, %mul3A_54 : i32
      %mul3A_57 = arith.constant 128 : i32
      %mul3A_58 = arith.muli %add3A_56, %mul3A_57 : i32
      %add3A_59 = arith.addi %mul3A_32, %mul3A_58 : i32
      "tpu.region"() ({
        %run_scoped3A = tpu.sem_alloc : memref<!tpu.dma_semaphore, #tpu.memory_space<semaphore_mem>>
        %dma_start3A = tpu.memref_slice %arg2[%arg0, %add3A_59] : memref<2x800768xi32, #tpu.memory_space<hbm>> -> memref<1x128xi32, #tpu.memory_space<hbm>>
        %dma_start3A_65 = tpu.memref_squeeze %dma_start3A : memref<1x128xi32, #tpu.memory_space<hbm>> -> memref<128xi32, #tpu.memory_space<hbm>>
        %dma_start3A_66 = tpu.memref_slice %arg2[%arg0, %add3A_59] : memref<2x800768xi32, #tpu.memory_space<hbm>> -> memref<1x128xi32, #tpu.memory_space<hbm>>
        %dma_start3A_67 = tpu.memref_squeeze %dma_start3A_66 : memref<1x128xi32, #tpu.memory_space<hbm>> -> memref<128xi32, #tpu.memory_space<hbm>>
        tpu.enqueue_dma source(%dma_start3A_67 : memref<128xi32, #tpu.memory_space<hbm>>) target(%arg10 : memref<128xi32, #tpu.memory_space<vmem>>) target_semaphore(%run_scoped3A : memref<!tpu.dma_semaphore, #tpu.memory_space<semaphore_mem>>)
        %dma_wait3A = tpu.memref_slice %arg2[%arg0, %add3A_59] : memref<2x800768xi32, #tpu.memory_space<hbm>> -> memref<1x128xi32, #tpu.memory_space<hbm>>
        %dma_wait3A_68 = tpu.memref_squeeze %dma_wait3A : memref<1x128xi32, #tpu.memory_space<hbm>> -> memref<128xi32, #tpu.memory_space<hbm>>
        %dma_wait3A_69 = tpu.memref_slice %arg2[%arg0, %add3A_59] : memref<2x800768xi32, #tpu.memory_space<hbm>> -> memref<1x128xi32, #tpu.memory_space<hbm>>
        %dma_wait3A_70 = tpu.memref_squeeze %dma_wait3A_69 : memref<1x128xi32, #tpu.memory_space<hbm>> -> memref<128xi32, #tpu.memory_space<hbm>>
        tpu.wait_dma2 semaphore(%run_scoped3A : memref<!tpu.dma_semaphore, #tpu.memory_space<semaphore_mem>>) src(%dma_wait3A_70 : memref<128xi32, #tpu.memory_space<hbm>>) dst(%arg10 : memref<128xi32, #tpu.memory_space<vmem>>)
        tpu.yield
      }) : () -> ()
      "tpu.region"() ({
        %run_scoped3A = tpu.sem_alloc : memref<!tpu.dma_semaphore, #tpu.memory_space<semaphore_mem>>
        %dma_start3A = tpu.memref_slice %arg3[%arg0, %add3A_59] : memref<2x800768xi32, #tpu.memory_space<hbm>> -> memref<1x128xi32, #tpu.memory_space<hbm>>
        %dma_start3A_65 = tpu.memref_squeeze %dma_start3A : memref<1x128xi32, #tpu.memory_space<hbm>> -> memref<128xi32, #tpu.memory_space<hbm>>
        %dma_start3A_66 = tpu.memref_slice %arg3[%arg0, %add3A_59] : memref<2x800768xi32, #tpu.memory_space<hbm>> -> memref<1x128xi32, #tpu.memory_space<hbm>>
        %dma_start3A_67 = tpu.memref_squeeze %dma_start3A_66 : memref<1x128xi32, #tpu.memory_space<hbm>> -> memref<128xi32, #tpu.memory_space<hbm>>
        tpu.enqueue_dma source(%dma_start3A_67 : memref<128xi32, #tpu.memory_space<hbm>>) target(%arg11 : memref<128xi32, #tpu.memory_space<vmem>>) target_semaphore(%run_scoped3A : memref<!tpu.dma_semaphore, #tpu.memory_space<semaphore_mem>>)
        %dma_wait3A = tpu.memref_slice %arg3[%arg0, %add3A_59] : memref<2x800768xi32, #tpu.memory_space<hbm>> -> memref<1x128xi32, #tpu.memory_space<hbm>>
        %dma_wait3A_68 = tpu.memref_squeeze %dma_wait3A : memref<1x128xi32, #tpu.memory_space<hbm>> -> memref<128xi32, #tpu.memory_space<hbm>>
        %dma_wait3A_69 = tpu.memref_slice %arg3[%arg0, %add3A_59] : memref<2x800768xi32, #tpu.memory_space<hbm>> -> memref<1x128xi32, #tpu.memory_space<hbm>>
        %dma_wait3A_70 = tpu.memref_squeeze %dma_wait3A_69 : memref<1x128xi32, #tpu.memory_space<hbm>> -> memref<128xi32, #tpu.memory_space<hbm>>
        tpu.wait_dma2 semaphore(%run_scoped3A : memref<!tpu.dma_semaphore, #tpu.memory_space<semaphore_mem>>) src(%dma_wait3A_70 : memref<128xi32, #tpu.memory_space<hbm>>) dst(%arg11 : memref<128xi32, #tpu.memory_space<vmem>>)
        tpu.yield
      }) : () -> ()
      "tpu.region"() ({
        %run_scoped3A = tpu.sem_alloc : memref<!tpu.dma_semaphore, #tpu.memory_space<semaphore_mem>>
        %dma_start3A = tpu.memref_slice %arg4[%add3A_59] : memref<800768xf32, #tpu.memory_space<hbm>> -> memref<128xf32, #tpu.memory_space<hbm>>
        %dma_start3A_65 = tpu.memref_slice %arg4[%add3A_59] : memref<800768xf32, #tpu.memory_space<hbm>> -> memref<128xf32, #tpu.memory_space<hbm>>
        tpu.enqueue_dma source(%dma_start3A_65 : memref<128xf32, #tpu.memory_space<hbm>>) target(%arg12 : memref<128xf32, #tpu.memory_space<vmem>>) target_semaphore(%run_scoped3A : memref<!tpu.dma_semaphore, #tpu.memory_space<semaphore_mem>>)
        %dma_wait3A = tpu.memref_slice %arg4[%add3A_59] : memref<800768xf32, #tpu.memory_space<hbm>> -> memref<128xf32, #tpu.memory_space<hbm>>
        %dma_wait3A_66 = tpu.memref_slice %arg4[%add3A_59] : memref<800768xf32, #tpu.memory_space<hbm>> -> memref<128xf32, #tpu.memory_space<hbm>>
        tpu.wait_dma2 semaphore(%run_scoped3A : memref<!tpu.dma_semaphore, #tpu.memory_space<semaphore_mem>>) src(%dma_wait3A_66 : memref<128xf32, #tpu.memory_space<hbm>>) dst(%arg12 : memref<128xf32, #tpu.memory_space<vmem>>)
        tpu.yield
      }) : () -> ()
      "tpu.region"() ({
        %run_scoped3A = tpu.sem_alloc : memref<!tpu.dma_semaphore, #tpu.memory_space<semaphore_mem>>
        %dma_start3A = tpu.memref_slice %arg5[%add3A_59] : memref<800768xf32, #tpu.memory_space<hbm>> -> memref<128xf32, #tpu.memory_space<hbm>>
        %dma_start3A_65 = tpu.memref_slice %arg5[%add3A_59] : memref<800768xf32, #tpu.memory_space<hbm>> -> memref<128xf32, #tpu.memory_space<hbm>>
        tpu.enqueue_dma source(%dma_start3A_65 : memref<128xf32, #tpu.memory_space<hbm>>) target(%arg13 : memref<128xf32, #tpu.memory_space<vmem>>) target_semaphore(%run_scoped3A : memref<!tpu.dma_semaphore, #tpu.memory_space<semaphore_mem>>)
        %dma_wait3A = tpu.memref_slice %arg5[%add3A_59] : memref<800768xf32, #tpu.memory_space<hbm>> -> memref<128xf32, #tpu.memory_space<hbm>>
        %dma_wait3A_66 = tpu.memref_slice %arg5[%add3A_59] : memref<800768xf32, #tpu.memory_space<hbm>> -> memref<128xf32, #tpu.memory_space<hbm>>
        tpu.wait_dma2 semaphore(%run_scoped3A : memref<!tpu.dma_semaphore, #tpu.memory_space<semaphore_mem>>) src(%dma_wait3A_66 : memref<128xf32, #tpu.memory_space<hbm>>) dst(%arg13 : memref<128xf32, #tpu.memory_space<vmem>>)
        tpu.yield
      }) : () -> ()
      "tpu.region"() ({
        %run_scoped3A = tpu.sem_alloc : memref<!tpu.dma_semaphore, #tpu.memory_space<semaphore_mem>>
        %dma_start3A = arith.constant 0 : i32
        %dma_start3A_65 = arith.constant 0 : i32
        %dma_start3A_66 = tpu.memref_slice %arg7[%dma_start3A, %dma_start3A_65] : memref<50000x128xf32, #tpu.memory_space<hbm>> -> memref<50000x128xf32, #tpu.memory_space<hbm>>
        tpu.enqueue_indirect_dma source(%dma_start3A_66 : memref<50000x128xf32, #tpu.memory_space<hbm>>) target(%arg17 : memref<128x128xf32, #tpu.memory_space<vmem>>) offsets(%arg10 : memref<128xi32, #tpu.memory_space<vmem>>) semaphore(%run_scoped3A : memref<!tpu.dma_semaphore, #tpu.memory_space<semaphore_mem>>)
        %dma_wait3A = arith.constant 0 : i32
        %dma_wait3A_67 = arith.constant 0 : i32
        %dma_wait3A_68 = tpu.memref_slice %arg7[%dma_wait3A, %dma_wait3A_67] : memref<50000x128xf32, #tpu.memory_space<hbm>> -> memref<50000x128xf32, #tpu.memory_space<hbm>>
        tpu.wait_indirect_dma semaphore(%run_scoped3A : memref<!tpu.dma_semaphore, #tpu.memory_space<semaphore_mem>>) src(%dma_wait3A_68 : memref<50000x128xf32, #tpu.memory_space<hbm>>) dst(%arg17 : memref<128x128xf32, #tpu.memory_space<vmem>>)
        tpu.yield
      }) : () -> ()
      "tpu.region"() ({
        %run_scoped3A = tpu.sem_alloc : memref<!tpu.dma_semaphore, #tpu.memory_space<semaphore_mem>>
        %dma_start3A = arith.constant 0 : i32
        %dma_start3A_65 = arith.constant 0 : i32
        %dma_start3A_66 = tpu.memref_slice %arg7[%dma_start3A, %dma_start3A_65] : memref<50000x128xf32, #tpu.memory_space<hbm>> -> memref<50000x128xf32, #tpu.memory_space<hbm>>
        tpu.enqueue_indirect_dma source(%dma_start3A_66 : memref<50000x128xf32, #tpu.memory_space<hbm>>) target(%arg18 : memref<128x128xf32, #tpu.memory_space<vmem>>) offsets(%arg11 : memref<128xi32, #tpu.memory_space<vmem>>) semaphore(%run_scoped3A : memref<!tpu.dma_semaphore, #tpu.memory_space<semaphore_mem>>)
        %dma_wait3A = arith.constant 0 : i32
        %dma_wait3A_67 = arith.constant 0 : i32
        %dma_wait3A_68 = tpu.memref_slice %arg7[%dma_wait3A, %dma_wait3A_67] : memref<50000x128xf32, #tpu.memory_space<hbm>> -> memref<50000x128xf32, #tpu.memory_space<hbm>>
        tpu.wait_indirect_dma semaphore(%run_scoped3A : memref<!tpu.dma_semaphore, #tpu.memory_space<semaphore_mem>>) src(%dma_wait3A_68 : memref<50000x128xf32, #tpu.memory_space<hbm>>) dst(%arg18 : memref<128x128xf32, #tpu.memory_space<vmem>>)
        tpu.yield
      }) : () -> ()
      %scan3A_60 = arith.constant 0 : i32
      %scan3A_61 = arith.constant 8 : i32
      %scan3A_62 = arith.addi %scan3A_60, %scan3A_61 : i32
      %scan3A_63 = arith.constant 1 : i32
      scf.for %scan3A_65 = %scan3A_60 to %scan3A_62 step %scan3A_63  : i32 {
        %mul3A_66 = arith.constant 1 : i32
        %mul3A_67 = arith.muli %scan3A_65, %mul3A_66 : i32
        %add3A_68 = arith.constant 0 : i32
        %add3A_69 = arith.addi %add3A_68, %mul3A_67 : i32
        %mul3A_70 = arith.constant 16 : i32
        %mul3A_71 = arith.muli %add3A_69, %mul3A_70 : i32
        %get3A_72 = arith.index_cast %mul3A_71 : i32 to index
        %get3A_73 = tpu.vector_load %arg10[%get3A_72] {strides = array<i32>} : memref<128xi32, #tpu.memory_space<vmem>>, vector<16xi32>,
        %get3A_74 = arith.index_cast %mul3A_71 : i32 to index
        %get3A_75 = tpu.vector_load %arg11[%get3A_74] {strides = array<i32>} : memref<128xi32, #tpu.memory_space<vmem>>, vector<16xi32>,
        %get3A_76 = arith.index_cast %mul3A_71 : i32 to index
        %get3A_77 = tpu.vector_load %arg12[%get3A_76] {strides = array<i32>} : memref<128xf32, #tpu.memory_space<vmem>>, vector<16xf32>,
        %get3A_78 = arith.index_cast %mul3A_71 : i32 to index
        %get3A_79 = tpu.vector_load %arg13[%get3A_78] {strides = array<i32>} : memref<128xf32, #tpu.memory_space<vmem>>, vector<16xf32>,
        %ne3A = arith.cmpi ne, %get3A_73, %get3A_75 : vector<16xi32>
        %jit3A = arith.constant 1.000000e+00 : f32
        %jit3A_80 = arith.constant 0.000000e+00 : f32
        %broadcast_in_dim3A_81 = vector.broadcast %jit3A : f32 to vector<16xf32>
        %broadcast_in_dim3A_82 = vector.broadcast %jit3A_80 : f32 to vector<16xf32>
        %select_n3A = arith.select %ne3A, %broadcast_in_dim3A_81, %broadcast_in_dim3A_82 : vector<16xi1>, vector<16xf32>
        %scan3A_83 = arith.constant 0 : i32
        %scan3A_84 = arith.constant 16 : i32
        %scan3A_85 = arith.addi %scan3A_83, %scan3A_84 : i32
        %scan3A_86 = arith.constant 1 : i32
        scf.for %scan3A_88 = %scan3A_83 to %scan3A_85 step %scan3A_86  : i32 {
          %mul3A_89 = arith.constant 1 : i32
          %mul3A_90 = arith.muli %scan3A_88, %mul3A_89 : i32
          %add3A_91 = arith.constant 0 : i32
          %add3A_92 = arith.addi %add3A_91, %mul3A_90 : i32
          %mul3A_93 = arith.constant 16 : i32
          %mul3A_94 = arith.muli %add3A_69, %mul3A_93 : i32
          %add3A_95 = arith.addi %mul3A_94, %add3A_92 : i32
          %broadcast_in_dim3A_96 = vector.broadcast %add3A_92 : i32 to vector<16x1xi32>
          %gather3A = vector.shape_cast %broadcast_in_dim3A_96 : vector<16x1xi32> to vector<16xi32>
          %gather3A_97 = tpu.dynamic_gather %select_n3A[%gather3A] in [0] : vector<16xf32>, vector<16xi32> -> vector<16xf32>
          %broadcast_in_dim3A_98 = vector.broadcast %add3A_92 : i32 to vector<16x1xi32>
          %gather3A_99 = vector.shape_cast %broadcast_in_dim3A_98 : vector<16x1xi32> to vector<16xi32>
          %gather3A_100 = tpu.dynamic_gather %get3A_77[%gather3A_99] in [0] : vector<16xf32>, vector<16xi32> -> vector<16xf32>
          %broadcast_in_dim3A_101 = vector.broadcast %add3A_92 : i32 to vector<16x1xi32>
          %gather3A_102 = vector.shape_cast %broadcast_in_dim3A_101 : vector<16x1xi32> to vector<16xi32>
          %gather3A_103 = tpu.dynamic_gather %get3A_79[%gather3A_102] in [0] : vector<16xf32>, vector<16xi32> -> vector<16xf32>
          %mul3A_104 = arith.mulf %gather3A_100, %get3A_13 : vector<16xf32>
          %mul3A_105 = arith.mulf %gather3A_103, %get3A_17 : vector<16xf32>
          %add3A_106 = arith.addf %mul3A_104, %mul3A_105 : vector<16xf32>
          %add3A_107 = arith.addf %add3A_106, %get3A_21 : vector<16xf32>
          %mul3A_108 = arith.constant 32 : i32
          %mul3A_109 = arith.muli %arg0, %mul3A_108 : i32
          %get3A_110 = arith.index_cast %add3A_95 : i32 to index
          %get3A_111 = arith.index_cast %mul3A_109 : i32 to index
          %get3A_112 = tpu.vector_load %arg17[%get3A_110, %get3A_111] {strides = array<i32>} : memref<128x128xf32, #tpu.memory_space<vmem>>, vector<16xf32>,
          %add3A_113 = arith.addf %add3A_107, %get3A_112 : vector<16xf32>
          %add3A_114 = arith.constant 16 : i32
          %add3A_115 = arith.addi %mul3A_109, %add3A_114 : i32
          %get3A_116 = arith.index_cast %add3A_95 : i32 to index
          %get3A_117 = arith.index_cast %add3A_115 : i32 to index
          %get3A_118 = tpu.vector_load %arg18[%get3A_116, %get3A_117] {strides = array<i32>} : memref<128x128xf32, #tpu.memory_space<vmem>>, vector<16xf32>,
          %add3A_119 = arith.addf %add3A_113, %get3A_118 : vector<16xf32>
          %max3A = arith.constant 0.000000e+00 : f32
          %max3A_120 = vector.broadcast %max3A : f32 to vector<16xf32>
          %max3A_121 = arith.maximumf %add3A_119, %max3A_120 : vector<16xf32>
          %mul3A_122 = arith.mulf %max3A_121, %gather3A_97 : vector<16xf32>
          %swap3A = arith.index_cast %add3A_95 : i32 to index
          %swap3A_123 = arith.constant 0 : index
          %swap3A_124 = tpu.vector_load %arg14[%swap3A, %swap3A_123] {strides = array<i32>} : memref<128x16xf32, #tpu.memory_space<vmem>>, vector<16xf32>,
          tpu.vector_store %arg14[%swap3A, %swap3A_123], %mul3A_122 {strides = array<i32>} : memref<128x16xf32, #tpu.memory_space<vmem>>, vector<16xf32>,
        }
        %scan3A_87 = arith.constant 16 : i32
      }
      %scan3A_64 = arith.constant 8 : i32
      "tpu.region"() ({
        %run_scoped3A = tpu.sem_alloc : memref<!tpu.dma_semaphore, #tpu.memory_space<semaphore_mem>>
        %dma_start3A = arith.constant 0 : i32
        %dma_start3A_65 = arith.constant 0 : i32
        %dma_start3A_66 = tpu.memref_slice %arg9[%dma_start3A, %dma_start3A_65] : memref<50048x16xf32, #tpu.memory_space<vmem_shared>> -> memref<50048x16xf32, #tpu.memory_space<vmem_shared>>
        tpu.enqueue_indirect_dma source(%arg14 : memref<128x16xf32, #tpu.memory_space<vmem>>) target(%dma_start3A_66 : memref<50048x16xf32, #tpu.memory_space<vmem_shared>>) offsets(%arg10 : memref<128xi32, #tpu.memory_space<vmem>>) semaphore(%run_scoped3A : memref<!tpu.dma_semaphore, #tpu.memory_space<semaphore_mem>>) {add = true}
        %dma_wait3A = arith.constant 0 : i32
        %dma_wait3A_67 = arith.constant 0 : i32
        %dma_wait3A_68 = tpu.memref_slice %arg9[%dma_wait3A, %dma_wait3A_67] : memref<50048x16xf32, #tpu.memory_space<vmem_shared>> -> memref<50048x16xf32, #tpu.memory_space<vmem_shared>>
        tpu.wait_indirect_dma semaphore(%run_scoped3A : memref<!tpu.dma_semaphore, #tpu.memory_space<semaphore_mem>>) src(%arg14 : memref<128x16xf32, #tpu.memory_space<vmem>>) dst(%dma_wait3A_68 : memref<50048x16xf32, #tpu.memory_space<vmem_shared>>)
        tpu.yield
      }) : () -> ()
    }
    %scan3A_39 = arith.constant 391 : i32
    %barrier3A_40 = arith.constant 0 : index
    tpu.barrier barrier_id(%barrier3A_40)
    %scan3A_41 = arith.constant 0 : i32
    %scan3A_42 = arith.constant 24 : i32
    %scan3A_43 = arith.addi %scan3A_41, %scan3A_42 : i32
    %scan3A_44 = arith.constant 1 : i32
    scf.for %scan3A_52 = %scan3A_41 to %scan3A_43 step %scan3A_44  : i32 {
      %mul3A_53 = arith.constant 1 : i32
      %mul3A_54 = arith.muli %scan3A_52, %mul3A_53 : i32
      %add3A_55 = arith.constant 0 : i32
      %add3A_56 = arith.addi %add3A_55, %mul3A_54 : i32
      %scan3A_57 = arith.constant 0 : i32
      %scan3A_58 = arith.constant 8 : i32
      %scan3A_59 = arith.addi %scan3A_57, %scan3A_58 : i32
      %scan3A_60 = arith.constant 1 : i32
      scf.for %scan3A_65 = %scan3A_57 to %scan3A_59 step %scan3A_60  : i32 {
        %mul3A_66 = arith.constant 1 : i32
        %mul3A_67 = arith.muli %scan3A_65, %mul3A_66 : i32
        %add3A_68 = arith.constant 0 : i32
        %add3A_69 = arith.addi %add3A_68, %mul3A_67 : i32
        %mul3A_70 = arith.constant 128 : i32
        %mul3A_71 = arith.muli %add3A_56, %mul3A_70 : i32
        %add3A_72 = arith.addi %mul3A_0, %mul3A_71 : i32
        %mul3A_73 = arith.constant 16 : i32
        %mul3A_74 = arith.muli %add3A_69, %mul3A_73 : i32
        %add3A_75 = arith.addi %add3A_72, %mul3A_74 : i32
        %add3A_76 = vector.broadcast %add3A_75 : i32 to vector<16xi32>
        %add3A_77 = arith.addi %add3A_76, %iota3A : vector<16xi32>
        %min3A = arith.constant 50047 : i32
        %min3A_78 = vector.broadcast %min3A : i32 to vector<16xi32>
        %min3A_79 = arith.minsi %add3A_77, %min3A_78 : vector<16xi32>
        %mul3A_80 = arith.constant 16 : i32
        %mul3A_81 = arith.muli %add3A_69, %mul3A_80 : i32
        %swap3A = arith.index_cast %mul3A_81 : i32 to index
        %swap3A_82 = tpu.vector_load %arg16[%swap3A] {strides = array<i32>} : memref<128xi32, #tpu.memory_space<vmem>>, vector<16xi32>,
        tpu.vector_store %arg16[%swap3A], %min3A_79 {strides = array<i32>} : memref<128xi32, #tpu.memory_space<vmem>>, vector<16xi32>,
      }
      %scan3A_61 = arith.constant 8 : i32
      "tpu.region"() ({
        %run_scoped3A = tpu.sem_alloc : memref<!tpu.dma_semaphore, #tpu.memory_space<semaphore_mem>>
        %dma_start3A = arith.constant 0 : i32
        %dma_start3A_65 = arith.constant 0 : i32
        %dma_start3A_66 = tpu.memref_slice %arg9[%dma_start3A, %dma_start3A_65] : memref<50048x16xf32, #tpu.memory_space<vmem_shared>> -> memref<50048x16xf32, #tpu.memory_space<vmem_shared>>
        tpu.enqueue_indirect_dma source(%dma_start3A_66 : memref<50048x16xf32, #tpu.memory_space<vmem_shared>>) target(%arg14 : memref<128x16xf32, #tpu.memory_space<vmem>>) offsets(%arg16 : memref<128xi32, #tpu.memory_space<vmem>>) semaphore(%run_scoped3A : memref<!tpu.dma_semaphore, #tpu.memory_space<semaphore_mem>>)
        %dma_wait3A = arith.constant 0 : i32
        %dma_wait3A_67 = arith.constant 0 : i32
        %dma_wait3A_68 = tpu.memref_slice %arg9[%dma_wait3A, %dma_wait3A_67] : memref<50048x16xf32, #tpu.memory_space<vmem_shared>> -> memref<50048x16xf32, #tpu.memory_space<vmem_shared>>
        tpu.wait_indirect_dma semaphore(%run_scoped3A : memref<!tpu.dma_semaphore, #tpu.memory_space<semaphore_mem>>) src(%dma_wait3A_68 : memref<50048x16xf32, #tpu.memory_space<vmem_shared>>) dst(%arg14 : memref<128x16xf32, #tpu.memory_space<vmem>>)
        tpu.yield
      }) : () -> ()
      %mul3A_62 = arith.constant 128 : i32
      %mul3A_63 = arith.muli %add3A_56, %mul3A_62 : i32
      %add3A_64 = arith.addi %mul3A_0, %mul3A_63 : i32
      "tpu.region"() ({
        %run_scoped3A = tpu.sem_alloc : memref<!tpu.dma_semaphore, #tpu.memory_space<semaphore_mem>>
        %dma_start3A = arith.constant 0 : i32
        %dma_start3A_65 = tpu.memref_slice %arg8[%arg0, %add3A_64, %dma_start3A] : memref<2x50048x16xf32, #tpu.memory_space<hbm>> -> memref<1x128x16xf32, #tpu.memory_space<hbm>>
        %dma_start3A_66 = tpu.memref_squeeze %dma_start3A_65 : memref<1x128x16xf32, #tpu.memory_space<hbm>> -> memref<128x16xf32, #tpu.memory_space<hbm>>
        %dma_start3A_67 = arith.constant 0 : i32
        %dma_start3A_68 = tpu.memref_slice %arg8[%arg0, %add3A_64, %dma_start3A_67] : memref<2x50048x16xf32, #tpu.memory_space<hbm>> -> memref<1x128x16xf32, #tpu.memory_space<hbm>>
        %dma_start3A_69 = tpu.memref_squeeze %dma_start3A_68 : memref<1x128x16xf32, #tpu.memory_space<hbm>> -> memref<128x16xf32, #tpu.memory_space<hbm>>
        tpu.enqueue_dma source(%arg14 : memref<128x16xf32, #tpu.memory_space<vmem>>) target(%dma_start3A_69 : memref<128x16xf32, #tpu.memory_space<hbm>>) target_semaphore(%run_scoped3A : memref<!tpu.dma_semaphore, #tpu.memory_space<semaphore_mem>>)
        %dma_wait3A = arith.constant 0 : i32
        %dma_wait3A_70 = tpu.memref_slice %arg8[%arg0, %add3A_64, %dma_wait3A] : memref<2x50048x16xf32, #tpu.memory_space<hbm>> -> memref<1x128x16xf32, #tpu.memory_space<hbm>>
        %dma_wait3A_71 = tpu.memref_squeeze %dma_wait3A_70 : memref<1x128x16xf32, #tpu.memory_space<hbm>> -> memref<128x16xf32, #tpu.memory_space<hbm>>
        %dma_wait3A_72 = arith.constant 0 : i32
        %dma_wait3A_73 = tpu.memref_slice %arg8[%arg0, %add3A_64, %dma_wait3A_72] : memref<2x50048x16xf32, #tpu.memory_space<hbm>> -> memref<1x128x16xf32, #tpu.memory_space<hbm>>
        %dma_wait3A_74 = tpu.memref_squeeze %dma_wait3A_73 : memref<1x128x16xf32, #tpu.memory_space<hbm>> -> memref<128x16xf32, #tpu.memory_space<hbm>>
        tpu.wait_dma2 semaphore(%run_scoped3A : memref<!tpu.dma_semaphore, #tpu.memory_space<semaphore_mem>>) src(%arg14 : memref<128x16xf32, #tpu.memory_space<vmem>>) dst(%dma_wait3A_74 : memref<128x16xf32, #tpu.memory_space<hbm>>)
        tpu.yield
      }) : () -> ()
    }
    %scan3A_45 = arith.constant 24 : i32
    %scan3A_46 = arith.constant 0 : i32
    %scan3A_47 = arith.constant 8 : i32
    %scan3A_48 = arith.addi %scan3A_46, %scan3A_47 : i32
    %scan3A_49 = arith.constant 1 : i32
    scf.for %scan3A_52 = %scan3A_46 to %scan3A_48 step %scan3A_49  : i32 {
      %mul3A_53 = arith.constant 1 : i32
      %mul3A_54 = arith.muli %scan3A_52, %mul3A_53 : i32
      %add3A_55 = arith.constant 0 : i32
      %add3A_56 = arith.addi %add3A_55, %mul3A_54 : i32
      %add3A_57 = arith.constant 3072 : i32
      %add3A_58 = arith.addi %mul3A_0, %add3A_57 : i32
      %mul3A_59 = arith.constant 16 : i32
      %mul3A_60 = arith.muli %add3A_56, %mul3A_59 : i32
      %add3A_61 = arith.addi %add3A_58, %mul3A_60 : i32
      %add3A_62 = vector.broadcast %add3A_61 : i32 to vector<16xi32>
      %add3A_63 = arith.addi %add3A_62, %iota3A : vector<16xi32>
      %min3A = arith.constant 50047 : i32
      %min3A_64 = vector.broadcast %min3A : i32 to vector<16xi32>
      %min3A_65 = arith.minsi %add3A_63, %min3A_64 : vector<16xi32>
      %mul3A_66 = arith.constant 16 : i32
      %mul3A_67 = arith.muli %add3A_56, %mul3A_66 : i32
      %swap3A = arith.index_cast %mul3A_67 : i32 to index
      %swap3A_68 = tpu.vector_load %arg16[%swap3A] {strides = array<i32>} : memref<128xi32, #tpu.memory_space<vmem>>, vector<16xi32>,
      tpu.vector_store %arg16[%swap3A], %min3A_65 {strides = array<i32>} : memref<128xi32, #tpu.memory_space<vmem>>, vector<16xi32>,
    }
    %scan3A_50 = arith.constant 8 : i32
    "tpu.region"() ({
      %run_scoped3A = tpu.sem_alloc : memref<!tpu.dma_semaphore, #tpu.memory_space<semaphore_mem>>
      %dma_start3A = arith.constant 0 : i32
      %dma_start3A_52 = arith.constant 0 : i32
      %dma_start3A_53 = tpu.memref_slice %arg9[%dma_start3A, %dma_start3A_52] : memref<50048x16xf32, #tpu.memory_space<vmem_shared>> -> memref<50048x16xf32, #tpu.memory_space<vmem_shared>>
      tpu.enqueue_indirect_dma source(%dma_start3A_53 : memref<50048x16xf32, #tpu.memory_space<vmem_shared>>) target(%arg14 : memref<128x16xf32, #tpu.memory_space<vmem>>) offsets(%arg16 : memref<128xi32, #tpu.memory_space<vmem>>) semaphore(%run_scoped3A : memref<!tpu.dma_semaphore, #tpu.memory_space<semaphore_mem>>)
      %dma_wait3A = arith.constant 0 : i32
      %dma_wait3A_54 = arith.constant 0 : i32
      %dma_wait3A_55 = tpu.memref_slice %arg9[%dma_wait3A, %dma_wait3A_54] : memref<50048x16xf32, #tpu.memory_space<vmem_shared>> -> memref<50048x16xf32, #tpu.memory_space<vmem_shared>>
      tpu.wait_indirect_dma semaphore(%run_scoped3A : memref<!tpu.dma_semaphore, #tpu.memory_space<semaphore_mem>>) src(%dma_wait3A_55 : memref<50048x16xf32, #tpu.memory_space<vmem_shared>>) dst(%arg14 : memref<128x16xf32, #tpu.memory_space<vmem>>)
      tpu.yield
    }) : () -> ()
    %add3A = arith.constant 3072 : i32
    %add3A_51 = arith.addi %mul3A_0, %add3A : i32
    "tpu.region"() ({
      %run_scoped3A = tpu.sem_alloc : memref<!tpu.dma_semaphore, #tpu.memory_space<semaphore_mem>>
      %dma_start3A = arith.constant 0 : i32
      %dma_start3A_52 = arith.constant 0 : i32
      %dma_start3A_53 = tpu.memref_slice %arg14[%dma_start3A, %dma_start3A_52] : memref<128x16xf32, #tpu.memory_space<vmem>> -> memref<56x16xf32, #tpu.memory_space<vmem>>
      %dma_start3A_54 = arith.constant 0 : i32
      %dma_start3A_55 = tpu.memref_slice %arg8[%arg0, %add3A_51, %dma_start3A_54] : memref<2x50048x16xf32, #tpu.memory_space<hbm>> -> memref<1x56x16xf32, #tpu.memory_space<hbm>>
      %dma_start3A_56 = tpu.memref_squeeze %dma_start3A_55 : memref<1x56x16xf32, #tpu.memory_space<hbm>> -> memref<56x16xf32, #tpu.memory_space<hbm>>
      %dma_start3A_57 = arith.constant 0 : i32
      %dma_start3A_58 = tpu.memref_slice %arg8[%arg0, %add3A_51, %dma_start3A_57] : memref<2x50048x16xf32, #tpu.memory_space<hbm>> -> memref<1x56x16xf32, #tpu.memory_space<hbm>>
      %dma_start3A_59 = tpu.memref_squeeze %dma_start3A_58 : memref<1x56x16xf32, #tpu.memory_space<hbm>> -> memref<56x16xf32, #tpu.memory_space<hbm>>
      %dma_start3A_60 = arith.constant 0 : i32
      %dma_start3A_61 = arith.constant 0 : i32
      %dma_start3A_62 = tpu.memref_slice %arg14[%dma_start3A_60, %dma_start3A_61] : memref<128x16xf32, #tpu.memory_space<vmem>> -> memref<56x16xf32, #tpu.memory_space<vmem>>
      tpu.enqueue_dma source(%dma_start3A_62 : memref<56x16xf32, #tpu.memory_space<vmem>>) target(%dma_start3A_59 : memref<56x16xf32, #tpu.memory_space<hbm>>) target_semaphore(%run_scoped3A : memref<!tpu.dma_semaphore, #tpu.memory_space<semaphore_mem>>)
      %dma_wait3A = arith.constant 0 : i32
      %dma_wait3A_63 = arith.constant 0 : i32
      %dma_wait3A_64 = tpu.memref_slice %arg14[%dma_wait3A, %dma_wait3A_63] : memref<128x16xf32, #tpu.memory_space<vmem>> -> memref<56x16xf32, #tpu.memory_space<vmem>>
      %dma_wait3A_65 = arith.constant 0 : i32
      %dma_wait3A_66 = tpu.memref_slice %arg8[%arg0, %add3A_51, %dma_wait3A_65] : memref<2x50048x16xf32, #tpu.memory_space<hbm>> -> memref<1x56x16xf32, #tpu.memory_space<hbm>>
      %dma_wait3A_67 = tpu.memref_squeeze %dma_wait3A_66 : memref<1x56x16xf32, #tpu.memory_space<hbm>> -> memref<56x16xf32, #tpu.memory_space<hbm>>
      %dma_wait3A_68 = arith.constant 0 : i32
      %dma_wait3A_69 = tpu.memref_slice %arg8[%arg0, %add3A_51, %dma_wait3A_68] : memref<2x50048x16xf32, #tpu.memory_space<hbm>> -> memref<1x56x16xf32, #tpu.memory_space<hbm>>
      %dma_wait3A_70 = tpu.memref_squeeze %dma_wait3A_69 : memref<1x56x16xf32, #tpu.memory_space<hbm>> -> memref<56x16xf32, #tpu.memory_space<hbm>>
      %dma_wait3A_71 = arith.constant 0 : i32
      %dma_wait3A_72 = arith.constant 0 : i32
      %dma_wait3A_73 = tpu.memref_slice %arg14[%dma_wait3A_71, %dma_wait3A_72] : memref<128x16xf32, #tpu.memory_space<vmem>> -> memref<56x16xf32, #tpu.memory_space<vmem>>
      tpu.wait_dma2 semaphore(%run_scoped3A : memref<!tpu.dma_semaphore, #tpu.memory_space<semaphore_mem>>) src(%dma_wait3A_73 : memref<56x16xf32, #tpu.memory_space<vmem>>) dst(%dma_wait3A_70 : memref<56x16xf32, #tpu.memory_space<hbm>>)
      tpu.yield
    }) : () -> ()
    return
  }
}

module attributes {stable_mosaic.version = 14 : i64} {
  func.func @body(%arg0: i32, %arg1: memref<2000x16xf32, #tpu.memory_space<vmem>>, %arg2: memref<2000x16xf32, #tpu.memory_space<vmem>>, %arg3: memref<2000x16xf32, #tpu.memory_space<vmem>>, %arg4: memref<2000x1xf32, #tpu.memory_space<vmem>>, %arg5: memref<2000x1xf32, #tpu.memory_space<vmem>>, %arg6: memref<2000x1xf32, #tpu.memory_space<vmem>>, %arg7: memref<2000x3xf32, #tpu.memory_space<vmem>>, %arg8: memref<2000x2xf32, #tpu.memory_space<vmem>>, %arg9: memref<16x16xf32, #tpu.memory_space<vmem>>, %arg10: memref<1x16xf32, #tpu.memory_space<vmem>>, %arg11: memref<16x16xf32, #tpu.memory_space<vmem>>, %arg12: memref<1x16xf32, #tpu.memory_space<vmem>>, %arg13: memref<16x16xf32, #tpu.memory_space<vmem>>, %arg14: memref<1x16xf32, #tpu.memory_space<vmem>>, %arg15: memref<1x16xf32, #tpu.memory_space<vmem>>, %arg16: memref<16x16xf32, #tpu.memory_space<vmem>>, %arg17: memref<1x16xf32, #tpu.memory_space<vmem>>, %arg18: memref<16x48xf32, #tpu.memory_space<vmem>>, %arg19: memref<16x48xf32, #tpu.memory_space<vmem>>, %arg20: memref<16x48xf32, #tpu.memory_space<vmem>>, %arg21: memref<16x48xf32, #tpu.memory_space<vmem>>, %arg22: memref<3x48xf32, #tpu.memory_space<vmem>>, %arg23: memref<1x48xf32, #tpu.memory_space<vmem>>, %arg24: memref<1x48xf32, #tpu.memory_space<vmem>>, %arg25: memref<16x16xf32, #tpu.memory_space<vmem>>, %arg26: memref<1x16xf32, #tpu.memory_space<vmem>>, %arg27: memref<16x2xf32, #tpu.memory_space<vmem>>, %arg28: memref<1x2xf32, #tpu.memory_space<vmem>>, %arg29: memref<16x16xf32, #tpu.memory_space<vmem>>, %arg30: memref<16x16xf32, #tpu.memory_space<vmem>>, %arg31: memref<16x16xf32, #tpu.memory_space<vmem>>, %arg32: memref<16x16xf32, #tpu.memory_space<vmem>>, %arg33: memref<2000x16xf32, #tpu.memory_space<vmem>>, %arg34: memref<2000x128xf32, #tpu.memory_space<vmem>>, %arg35: memref<1x1xf32, #tpu.memory_space<vmem>>) attributes {dimension_semantics = [#tpu.dimension_semantics<arbitrary>], iteration_bounds = array<i64: 25>, scalar_prefetch = 0 : i64, scratch_operands = 0 : i64, tpu.core_type = #tpu.core_type<tc>, window_params = [{transform_indices = @transform_0, window_bounds = array<i64: 2000, 16>}, {transform_indices = @transform_1, window_bounds = array<i64: 2000, 16>}, {transform_indices = @transform_2, window_bounds = array<i64: 2000, 16>}, {transform_indices = @transform_3, window_bounds = array<i64: 2000, 1>}, {transform_indices = @transform_4, window_bounds = array<i64: 2000, 1>}, {transform_indices = @transform_5, window_bounds = array<i64: 2000, 1>}, {transform_indices = @transform_6, window_bounds = array<i64: 2000, 3>}, {transform_indices = @transform_7, window_bounds = array<i64: 2000, 2>}, {pipeline_mode = #tpu.pipeline_mode<synchronous>, transform_indices = @transform_8, window_bounds = array<i64: 16, 16>}, {pipeline_mode = #tpu.pipeline_mode<synchronous>, transform_indices = @transform_9, window_bounds = array<i64: 1, 16>}, {pipeline_mode = #tpu.pipeline_mode<synchronous>, transform_indices = @transform_10, window_bounds = array<i64: 16, 16>}, {pipeline_mode = #tpu.pipeline_mode<synchronous>, transform_indices = @transform_11, window_bounds = array<i64: 1, 16>}, {pipeline_mode = #tpu.pipeline_mode<synchronous>, transform_indices = @transform_12, window_bounds = array<i64: 16, 16>}, {pipeline_mode = #tpu.pipeline_mode<synchronous>, transform_indices = @transform_13, window_bounds = array<i64: 1, 16>}, {pipeline_mode = #tpu.pipeline_mode<synchronous>, transform_indices = @transform_14, window_bounds = array<i64: 1, 16>}, {pipeline_mode = #tpu.pipeline_mode<synchronous>, transform_indices = @transform_15, window_bounds = array<i64: 16, 16>}, {pipeline_mode = #tpu.pipeline_mode<synchronous>, transform_indices = @transform_16, window_bounds = array<i64: 1, 16>}, {pipeline_mode = #tpu.pipeline_mode<synchronous>, transform_indices = @transform_17, window_bounds = array<i64: 16, 48>}, {pipeline_mode = #tpu.pipeline_mode<synchronous>, transform_indices = @transform_18, window_bounds = array<i64: 16, 48>}, {pipeline_mode = #tpu.pipeline_mode<synchronous>, transform_indices = @transform_19, window_bounds = array<i64: 16, 48>}, {pipeline_mode = #tpu.pipeline_mode<synchronous>, transform_indices = @transform_20, window_bounds = array<i64: 16, 48>}, {pipeline_mode = #tpu.pipeline_mode<synchronous>, transform_indices = @transform_21, window_bounds = array<i64: 3, 48>}, {pipeline_mode = #tpu.pipeline_mode<synchronous>, transform_indices = @transform_22, window_bounds = array<i64: 1, 48>}, {pipeline_mode = #tpu.pipeline_mode<synchronous>, transform_indices = @transform_23, window_bounds = array<i64: 1, 48>}, {pipeline_mode = #tpu.pipeline_mode<synchronous>, transform_indices = @transform_24, window_bounds = array<i64: 16, 16>}, {pipeline_mode = #tpu.pipeline_mode<synchronous>, transform_indices = @transform_25, window_bounds = array<i64: 1, 16>}, {pipeline_mode = #tpu.pipeline_mode<synchronous>, transform_indices = @transform_26, window_bounds = array<i64: 16, 2>}, {pipeline_mode = #tpu.pipeline_mode<synchronous>, transform_indices = @transform_27, window_bounds = array<i64: 1, 2>}, {pipeline_mode = #tpu.pipeline_mode<synchronous>, transform_indices = @transform_28, window_bounds = array<i64: 16, 16>}, {pipeline_mode = #tpu.pipeline_mode<synchronous>, transform_indices = @transform_29, window_bounds = array<i64: 16, 16>}, {pipeline_mode = #tpu.pipeline_mode<synchronous>, transform_indices = @transform_30, window_bounds = array<i64: 16, 16>}, {pipeline_mode = #tpu.pipeline_mode<synchronous>, transform_indices = @transform_31, window_bounds = array<i64: 16, 16>}, {transform_indices = @transform_32, window_bounds = array<i64: 2000, 16>}, {transform_indices = @transform_33, window_bounds = array<i64: 2000, 128>}, {pipeline_mode = #tpu.pipeline_mode<synchronous>, transform_indices = @transform_34, window_bounds = array<i64: 1, 1>}]} {
    %get3A = arith.constant 0 : index
    %get3A_0 = arith.constant 0 : index
    %get3A_1 = vector.load %arg1[%get3A, %get3A_0] : memref<2000x16xf32, #tpu.memory_space<vmem>>, vector<2000x16xf32>
    %get3A_2 = arith.constant 0 : index
    %get3A_3 = arith.constant 0 : index
    %get3A_4 = vector.load %arg4[%get3A_2, %get3A_3] : memref<2000x1xf32, #tpu.memory_space<vmem>>, vector<2000x1xf32>
    %get3A_5 = arith.constant 0 : index
    %get3A_6 = arith.constant 0 : index
    %get3A_7 = vector.load %arg5[%get3A_5, %get3A_6] : memref<2000x1xf32, #tpu.memory_space<vmem>>, vector<2000x1xf32>
    %max3A = arith.constant 1.000000e+00 : f32
    %max3A_8 = vector.broadcast %max3A : f32 to vector<2000x1xf32>
    %max3A_9 = arith.maximumf %get3A_4, %max3A_8 : vector<2000x1xf32>
    %max3A_10 = arith.constant 1.000000e+00 : f32
    %max3A_11 = vector.broadcast %max3A_10 : f32 to vector<2000x1xf32>
    %max3A_12 = arith.maximumf %get3A_7, %max3A_11 : vector<2000x1xf32>
    %get3A_13 = arith.constant 0 : index
    %get3A_14 = arith.constant 0 : index
    %get3A_15 = vector.load %arg2[%get3A_13, %get3A_14] : memref<2000x16xf32, #tpu.memory_space<vmem>>, vector<2000x16xf32>
    %div3A = vector.broadcast %max3A_9 : vector<2000x1xf32> to vector<2000x16xf32>
    %div3A_16 = arith.divf %get3A_15, %div3A : vector<2000x16xf32>
    %get3A_17 = arith.constant 0 : index
    %get3A_18 = arith.constant 0 : index
    %get3A_19 = vector.load %arg9[%get3A_17, %get3A_18] : memref<16x16xf32, #tpu.memory_space<vmem>>, vector<16x16xf32>
    %dot_general3A = arith.constant dense<0.000000e+00> : vector<2000x16xf32>
    %dot_general3A_20 = tpu.matmul %div3A_16, %get3A_19, %dot_general3A {dimension_numbers = #tpu.dot_dimension_numbers<[1], [0], [0], [1], [0, 0, 1, 1], [], []>, precision = #tpu.contract_precision<fp32>, transpose_lhs_hint = false} : vector<2000x16xf32>, vector<16x16xf32>, vector<2000x16xf32> -> vector<2000x16xf32>
    %get3A_21 = arith.constant 0 : index
    %get3A_22 = arith.constant 0 : index
    %get3A_23 = vector.load %arg10[%get3A_21, %get3A_22] : memref<1x16xf32, #tpu.memory_space<vmem>>, vector<1x16xf32>
    %div3A_24 = arith.divf %get3A_4, %max3A_9 : vector<2000x1xf32>
    %mul3A = vector.broadcast %get3A_23 : vector<1x16xf32> to vector<2000x16xf32>
    %mul3A_25 = vector.broadcast %div3A_24 : vector<2000x1xf32> to vector<2000x16xf32>
    %mul3A_26 = arith.mulf %mul3A, %mul3A_25 : vector<2000x16xf32>
    %add3A = arith.addf %dot_general3A_20, %mul3A_26 : vector<2000x16xf32>
    %get3A_27 = arith.constant 0 : index
    %get3A_28 = arith.constant 0 : index
    %get3A_29 = vector.load %arg3[%get3A_27, %get3A_28] : memref<2000x16xf32, #tpu.memory_space<vmem>>, vector<2000x16xf32>
    %div3A_30 = vector.broadcast %max3A_12 : vector<2000x1xf32> to vector<2000x16xf32>
    %div3A_31 = arith.divf %get3A_29, %div3A_30 : vector<2000x16xf32>
    %get3A_32 = arith.constant 0 : index
    %get3A_33 = arith.constant 0 : index
    %get3A_34 = vector.load %arg11[%get3A_32, %get3A_33] : memref<16x16xf32, #tpu.memory_space<vmem>>, vector<16x16xf32>
    %dot_general3A_35 = arith.constant dense<0.000000e+00> : vector<2000x16xf32>
    %dot_general3A_36 = tpu.matmul %div3A_31, %get3A_34, %dot_general3A_35 {dimension_numbers = #tpu.dot_dimension_numbers<[1], [0], [0], [1], [0, 0, 1, 1], [], []>, precision = #tpu.contract_precision<fp32>, transpose_lhs_hint = false} : vector<2000x16xf32>, vector<16x16xf32>, vector<2000x16xf32> -> vector<2000x16xf32>
    %get3A_37 = arith.constant 0 : index
    %get3A_38 = arith.constant 0 : index
    %get3A_39 = vector.load %arg12[%get3A_37, %get3A_38] : memref<1x16xf32, #tpu.memory_space<vmem>>, vector<1x16xf32>
    %div3A_40 = arith.divf %get3A_7, %max3A_12 : vector<2000x1xf32>
    %mul3A_41 = vector.broadcast %get3A_39 : vector<1x16xf32> to vector<2000x16xf32>
    %mul3A_42 = vector.broadcast %div3A_40 : vector<2000x1xf32> to vector<2000x16xf32>
    %mul3A_43 = arith.mulf %mul3A_41, %mul3A_42 : vector<2000x16xf32>
    %add3A_44 = arith.addf %dot_general3A_36, %mul3A_43 : vector<2000x16xf32>
    %get3A_45 = arith.constant 0 : index
    %get3A_46 = arith.constant 0 : index
    %get3A_47 = vector.load %arg13[%get3A_45, %get3A_46] : memref<16x16xf32, #tpu.memory_space<vmem>>, vector<16x16xf32>
    %dot_general3A_48 = arith.constant dense<0.000000e+00> : vector<2000x16xf32>
    %dot_general3A_49 = tpu.matmul %get3A_1, %get3A_47, %dot_general3A_48 {dimension_numbers = #tpu.dot_dimension_numbers<[1], [0], [0], [1], [0, 0, 1, 1], [], []>, precision = #tpu.contract_precision<fp32>, transpose_lhs_hint = false} : vector<2000x16xf32>, vector<16x16xf32>, vector<2000x16xf32> -> vector<2000x16xf32>
    %get3A_50 = arith.constant 0 : index
    %get3A_51 = arith.constant 0 : index
    %get3A_52 = vector.load %arg6[%get3A_50, %get3A_51] : memref<2000x1xf32, #tpu.memory_space<vmem>>, vector<2000x1xf32>
    %get3A_53 = arith.constant 0 : index
    %get3A_54 = arith.constant 0 : index
    %get3A_55 = vector.load %arg14[%get3A_53, %get3A_54] : memref<1x16xf32, #tpu.memory_space<vmem>>, vector<1x16xf32>
    %mul3A_56 = vector.broadcast %get3A_52 : vector<2000x1xf32> to vector<2000x16xf32>
    %mul3A_57 = vector.broadcast %get3A_55 : vector<1x16xf32> to vector<2000x16xf32>
    %mul3A_58 = arith.mulf %mul3A_56, %mul3A_57 : vector<2000x16xf32>
    %add3A_59 = arith.addf %dot_general3A_49, %mul3A_58 : vector<2000x16xf32>
    %get3A_60 = arith.constant 0 : index
    %get3A_61 = arith.constant 0 : index
    %get3A_62 = vector.load %arg15[%get3A_60, %get3A_61] : memref<1x16xf32, #tpu.memory_space<vmem>>, vector<1x16xf32>
    %add3A_63 = vector.broadcast %get3A_62 : vector<1x16xf32> to vector<2000x16xf32>
    %add3A_64 = arith.addf %add3A_59, %add3A_63 : vector<2000x16xf32>
    %max3A_65 = arith.constant 0.000000e+00 : f32
    %max3A_66 = vector.broadcast %max3A_65 : f32 to vector<2000x16xf32>
    %max3A_67 = arith.maximumf %add3A_64, %max3A_66 : vector<2000x16xf32>
    %get3A_68 = arith.constant 0 : index
    %get3A_69 = arith.constant 0 : index
    %get3A_70 = vector.load %arg16[%get3A_68, %get3A_69] : memref<16x16xf32, #tpu.memory_space<vmem>>, vector<16x16xf32>
    %dot_general3A_71 = arith.constant dense<0.000000e+00> : vector<2000x16xf32>
    %dot_general3A_72 = tpu.matmul %max3A_67, %get3A_70, %dot_general3A_71 {dimension_numbers = #tpu.dot_dimension_numbers<[1], [0], [0], [1], [0, 0, 1, 1], [], []>, precision = #tpu.contract_precision<fp32>, transpose_lhs_hint = false} : vector<2000x16xf32>, vector<16x16xf32>, vector<2000x16xf32> -> vector<2000x16xf32>
    %get3A_73 = arith.constant 0 : index
    %get3A_74 = arith.constant 0 : index
    %get3A_75 = vector.load %arg17[%get3A_73, %get3A_74] : memref<1x16xf32, #tpu.memory_space<vmem>>, vector<1x16xf32>
    %add3A_76 = vector.broadcast %get3A_75 : vector<1x16xf32> to vector<2000x16xf32>
    %add3A_77 = arith.addf %dot_general3A_72, %add3A_76 : vector<2000x16xf32>
    %get3A_78 = arith.constant 0 : index
    %get3A_79 = arith.constant 0 : index
    %get3A_80 = vector.load %arg18[%get3A_78, %get3A_79] : memref<16x48xf32, #tpu.memory_space<vmem>>, vector<16x48xf32>
    %dot_general3A_81 = arith.constant dense<0.000000e+00> : vector<2000x48xf32>
    %dot_general3A_82 = tpu.matmul %get3A_1, %get3A_80, %dot_general3A_81 {dimension_numbers = #tpu.dot_dimension_numbers<[1], [0], [0], [1], [0, 0, 1, 1], [], []>, precision = #tpu.contract_precision<fp32>, transpose_lhs_hint = false} : vector<2000x16xf32>, vector<16x48xf32>, vector<2000x48xf32> -> vector<2000x48xf32>
    %get3A_83 = arith.constant 0 : index
    %get3A_84 = arith.constant 0 : index
    %get3A_85 = vector.load %arg19[%get3A_83, %get3A_84] : memref<16x48xf32, #tpu.memory_space<vmem>>, vector<16x48xf32>
    %dot_general3A_86 = arith.constant dense<0.000000e+00> : vector<2000x48xf32>
    %dot_general3A_87 = tpu.matmul %add3A, %get3A_85, %dot_general3A_86 {dimension_numbers = #tpu.dot_dimension_numbers<[1], [0], [0], [1], [0, 0, 1, 1], [], []>, precision = #tpu.contract_precision<fp32>, transpose_lhs_hint = false} : vector<2000x16xf32>, vector<16x48xf32>, vector<2000x48xf32> -> vector<2000x48xf32>
    %add3A_88 = arith.addf %dot_general3A_82, %dot_general3A_87 : vector<2000x48xf32>
    %get3A_89 = arith.constant 0 : index
    %get3A_90 = arith.constant 0 : index
    %get3A_91 = vector.load %arg20[%get3A_89, %get3A_90] : memref<16x48xf32, #tpu.memory_space<vmem>>, vector<16x48xf32>
    %dot_general3A_92 = arith.constant dense<0.000000e+00> : vector<2000x48xf32>
    %dot_general3A_93 = tpu.matmul %add3A_44, %get3A_91, %dot_general3A_92 {dimension_numbers = #tpu.dot_dimension_numbers<[1], [0], [0], [1], [0, 0, 1, 1], [], []>, precision = #tpu.contract_precision<fp32>, transpose_lhs_hint = false} : vector<2000x16xf32>, vector<16x48xf32>, vector<2000x48xf32> -> vector<2000x48xf32>
    %add3A_94 = arith.addf %add3A_88, %dot_general3A_93 : vector<2000x48xf32>
    %get3A_95 = arith.constant 0 : index
    %get3A_96 = arith.constant 0 : index
    %get3A_97 = vector.load %arg21[%get3A_95, %get3A_96] : memref<16x48xf32, #tpu.memory_space<vmem>>, vector<16x48xf32>
    %dot_general3A_98 = arith.constant dense<0.000000e+00> : vector<2000x48xf32>
    %dot_general3A_99 = tpu.matmul %add3A_77, %get3A_97, %dot_general3A_98 {dimension_numbers = #tpu.dot_dimension_numbers<[1], [0], [0], [1], [0, 0, 1, 1], [], []>, precision = #tpu.contract_precision<fp32>, transpose_lhs_hint = false} : vector<2000x16xf32>, vector<16x48xf32>, vector<2000x48xf32> -> vector<2000x48xf32>
    %add3A_100 = arith.addf %add3A_94, %dot_general3A_99 : vector<2000x48xf32>
    %get3A_101 = arith.constant 0 : index
    %get3A_102 = arith.constant 0 : index
    %get3A_103 = vector.load %arg7[%get3A_101, %get3A_102] : memref<2000x3xf32, #tpu.memory_space<vmem>>, vector<2000x3xf32>
    %get3A_104 = arith.constant 0 : index
    %get3A_105 = arith.constant 0 : index
    %get3A_106 = vector.load %arg22[%get3A_104, %get3A_105] : memref<3x48xf32, #tpu.memory_space<vmem>>, vector<3x48xf32>
    %dot_general3A_107 = arith.constant dense<0.000000e+00> : vector<2000x48xf32>
    %dot_general3A_108 = tpu.matmul %get3A_103, %get3A_106, %dot_general3A_107 {dimension_numbers = #tpu.dot_dimension_numbers<[1], [0], [0], [1], [0, 0, 1, 1], [], []>, precision = #tpu.contract_precision<fp32>, transpose_lhs_hint = false} : vector<2000x3xf32>, vector<3x48xf32>, vector<2000x48xf32> -> vector<2000x48xf32>
    %add3A_109 = arith.addf %add3A_100, %dot_general3A_108 : vector<2000x48xf32>
    %get3A_110 = arith.constant 0 : index
    %get3A_111 = arith.constant 0 : index
    %get3A_112 = vector.load %arg23[%get3A_110, %get3A_111] : memref<1x48xf32, #tpu.memory_space<vmem>>, vector<1x48xf32>
    %add3A_113 = vector.broadcast %get3A_112 : vector<1x48xf32> to vector<2000x48xf32>
    %add3A_114 = arith.addf %add3A_109, %add3A_113 : vector<2000x48xf32>
    %get3A_115 = arith.constant 0 : index
    %get3A_116 = arith.constant 0 : index
    %get3A_117 = vector.load %arg24[%get3A_115, %get3A_116] : memref<1x48xf32, #tpu.memory_space<vmem>>, vector<1x48xf32>
    %slice3A = vector.extract_strided_slice %add3A_114 {offsets = [0, 0], sizes = [2000, 16], strides = [1, 1]} : vector<2000x48xf32> to vector<2000x16xf32>
    %slice3A_118 = vector.extract_strided_slice %get3A_117 {offsets = [0, 0], sizes = [1, 16], strides = [1, 1]} : vector<1x48xf32> to vector<1x16xf32>
    %add3A_119 = vector.broadcast %slice3A_118 : vector<1x16xf32> to vector<2000x16xf32>
    %add3A_120 = arith.addf %slice3A, %add3A_119 : vector<2000x16xf32>
    %logistic3A = arith.negf %add3A_120 : vector<2000x16xf32>
    %logistic3A_121 = math.exp %logistic3A : vector<2000x16xf32>
    %logistic3A_122 = arith.constant 1.000000e+00 : f32
    %logistic3A_123 = vector.broadcast %logistic3A_122 : f32 to vector<2000x16xf32>
    %logistic3A_124 = arith.addf %logistic3A_123, %logistic3A_121 : vector<2000x16xf32>
    %logistic3A_125 = arith.divf %logistic3A_123, %logistic3A_124 : vector<2000x16xf32>
    %slice3A_126 = vector.extract_strided_slice %add3A_114 {offsets = [0, 16], sizes = [2000, 16], strides = [1, 1]} : vector<2000x48xf32> to vector<2000x16xf32>
    %slice3A_127 = vector.extract_strided_slice %get3A_117 {offsets = [0, 16], sizes = [1, 16], strides = [1, 1]} : vector<1x48xf32> to vector<1x16xf32>
    %add3A_128 = vector.broadcast %slice3A_127 : vector<1x16xf32> to vector<2000x16xf32>
    %add3A_129 = arith.addf %slice3A_126, %add3A_128 : vector<2000x16xf32>
    %logistic3A_130 = arith.negf %add3A_129 : vector<2000x16xf32>
    %logistic3A_131 = math.exp %logistic3A_130 : vector<2000x16xf32>
    %logistic3A_132 = arith.constant 1.000000e+00 : f32
    %logistic3A_133 = vector.broadcast %logistic3A_132 : f32 to vector<2000x16xf32>
    %logistic3A_134 = arith.addf %logistic3A_133, %logistic3A_131 : vector<2000x16xf32>
    %logistic3A_135 = arith.divf %logistic3A_133, %logistic3A_134 : vector<2000x16xf32>
    %slice3A_136 = vector.extract_strided_slice %add3A_114 {offsets = [0, 32], sizes = [2000, 16], strides = [1, 1]} : vector<2000x48xf32> to vector<2000x16xf32>
    %slice3A_137 = vector.extract_strided_slice %get3A_117 {offsets = [0, 32], sizes = [1, 16], strides = [1, 1]} : vector<1x48xf32> to vector<1x16xf32>
    %mul3A_138 = vector.broadcast %slice3A_137 : vector<1x16xf32> to vector<2000x16xf32>
    %mul3A_139 = arith.mulf %logistic3A_125, %mul3A_138 : vector<2000x16xf32>
    %add3A_140 = arith.addf %slice3A_136, %mul3A_139 : vector<2000x16xf32>
    %tanh3A = math.tanh %add3A_140 : vector<2000x16xf32>
    %sub3A = arith.constant 1.000000e+00 : f32
    %sub3A_141 = vector.broadcast %sub3A : f32 to vector<2000x16xf32>
    %sub3A_142 = arith.subf %sub3A_141, %logistic3A_135 : vector<2000x16xf32>
    %mul3A_143 = arith.constant 1.000000e-01 : f32
    %mul3A_144 = vector.broadcast %mul3A_143 : f32 to vector<2000x16xf32>
    %mul3A_145 = arith.mulf %mul3A_144, %sub3A_142 : vector<2000x16xf32>
    %mul3A_146 = arith.mulf %mul3A_145, %tanh3A : vector<2000x16xf32>
    %add3A_147 = arith.addf %get3A_1, %mul3A_146 : vector<2000x16xf32>
    %get3A_148 = arith.constant 0 : index
    %get3A_149 = arith.constant 0 : index
    %get3A_150 = vector.load %arg25[%get3A_148, %get3A_149] : memref<16x16xf32, #tpu.memory_space<vmem>>, vector<16x16xf32>
    %dot_general3A_151 = arith.constant dense<0.000000e+00> : vector<2000x16xf32>
    %dot_general3A_152 = tpu.matmul %add3A_147, %get3A_150, %dot_general3A_151 {dimension_numbers = #tpu.dot_dimension_numbers<[1], [0], [0], [1], [0, 0, 1, 1], [], []>, precision = #tpu.contract_precision<fp32>, transpose_lhs_hint = false} : vector<2000x16xf32>, vector<16x16xf32>, vector<2000x16xf32> -> vector<2000x16xf32>
    %get3A_153 = arith.constant 0 : index
    %get3A_154 = arith.constant 0 : index
    %get3A_155 = vector.load %arg26[%get3A_153, %get3A_154] : memref<1x16xf32, #tpu.memory_space<vmem>>, vector<1x16xf32>
    %add3A_156 = vector.broadcast %get3A_155 : vector<1x16xf32> to vector<2000x16xf32>
    %add3A_157 = arith.addf %dot_general3A_152, %add3A_156 : vector<2000x16xf32>
    %max3A_158 = arith.constant 0.000000e+00 : f32
    %max3A_159 = vector.broadcast %max3A_158 : f32 to vector<2000x16xf32>
    %max3A_160 = arith.maximumf %add3A_157, %max3A_159 : vector<2000x16xf32>
    %get3A_161 = arith.constant 0 : index
    %get3A_162 = arith.constant 0 : index
    %get3A_163 = vector.load %arg27[%get3A_161, %get3A_162] : memref<16x2xf32, #tpu.memory_space<vmem>>, vector<16x2xf32>
    %dot_general3A_164 = arith.constant dense<0.000000e+00> : vector<2000x2xf32>
    %dot_general3A_165 = tpu.matmul %max3A_160, %get3A_163, %dot_general3A_164 {dimension_numbers = #tpu.dot_dimension_numbers<[1], [0], [0], [1], [0, 0, 1, 1], [], []>, precision = #tpu.contract_precision<fp32>, transpose_lhs_hint = false} : vector<2000x16xf32>, vector<16x2xf32>, vector<2000x2xf32> -> vector<2000x2xf32>
    %get3A_166 = arith.constant 0 : index
    %get3A_167 = arith.constant 0 : index
    %get3A_168 = vector.load %arg28[%get3A_166, %get3A_167] : memref<1x2xf32, #tpu.memory_space<vmem>>, vector<1x2xf32>
    %add3A_169 = vector.broadcast %get3A_168 : vector<1x2xf32> to vector<2000x2xf32>
    %add3A_170 = arith.addf %dot_general3A_165, %add3A_169 : vector<2000x2xf32>
    %eq3A = arith.constant 0 : i32
    %eq3A_171 = arith.cmpi eq, %arg0, %eq3A : i32
    %convert_element_type3A = arith.extui %eq3A_171 : i1 to i32
    %cond3A = arith.constant 0 : i32
    %cond3A_172 = arith.cmpi ne, %convert_element_type3A, %cond3A : i32
    scf.if %cond3A_172 {
      %broadcast_in_dim3A_214 = arith.constant 0.000000e+00 : f32
      %broadcast_in_dim3A_215 = vector.broadcast %broadcast_in_dim3A_214 : f32 to vector<1x1xf32>
      %swap3A_216 = arith.constant 0 : index
      %swap3A_217 = arith.constant 0 : index
      %swap3A_218 = vector.load %arg35[%swap3A_216, %swap3A_217] : memref<1x1xf32, #tpu.memory_space<vmem>>, vector<1x1xf32>
      tpu.vector_store %arg35[%swap3A_216, %swap3A_217], %broadcast_in_dim3A_215 {strides = array<i32>} : memref<1x1xf32, #tpu.memory_space<vmem>>, vector<1x1xf32>,
    } else {
    }
    %get3A_173 = arith.constant 0 : index
    %get3A_174 = arith.constant 0 : index
    %get3A_175 = vector.load %arg35[%get3A_173, %get3A_174] : memref<1x1xf32, #tpu.memory_space<vmem>>, vector<1x1xf32>
    %get3A_176 = arith.constant 0 : index
    %get3A_177 = arith.constant 0 : index
    %get3A_178 = vector.load %arg8[%get3A_176, %get3A_177] : memref<2000x2xf32, #tpu.memory_space<vmem>>, vector<2000x2xf32>
    %sub3A_179 = arith.subf %add3A_170, %get3A_178 : vector<2000x2xf32>
    %integer_pow3A = arith.mulf %sub3A_179, %sub3A_179 : vector<2000x2xf32>
    %reduce_sum3A = vector.shape_cast %integer_pow3A : vector<2000x2xf32> to vector<1x2000x2xf32>
    %reduce_sum3A_180 = arith.constant dense<0.000000e+00> : vector<1xf32>
    %reduce_sum3A_181 = vector.multi_reduction <add>, %reduce_sum3A, %reduce_sum3A_180 [1, 2] : vector<1x2000x2xf32> to vector<1xf32>
    %reduce_sum3A_182 = vector.shape_cast %reduce_sum3A_181 : vector<1xf32> to vector<1x1x1xf32>
    %reduce_sum3A_183 = vector.extract %reduce_sum3A_182[0, 0, 0] : f32 from vector<1x1x1xf32>
    %reshape3A = vector.broadcast %reduce_sum3A_183 : f32 to vector<1x1xf32>
    %add3A_184 = arith.addf %get3A_175, %reshape3A : vector<1x1xf32>
    %swap3A = arith.constant 0 : index
    %swap3A_185 = arith.constant 0 : index
    %swap3A_186 = vector.load %arg35[%swap3A, %swap3A_185] : memref<1x1xf32, #tpu.memory_space<vmem>>, vector<1x1xf32>
    tpu.vector_store %arg35[%swap3A, %swap3A_185], %add3A_184 {strides = array<i32>} : memref<1x1xf32, #tpu.memory_space<vmem>>, vector<1x1xf32>,
    %swap3A_187 = arith.constant 0 : index
    %swap3A_188 = arith.constant 0 : index
    %swap3A_189 = vector.load %arg33[%swap3A_187, %swap3A_188] : memref<2000x16xf32, #tpu.memory_space<vmem>>, vector<2000x16xf32>
    tpu.vector_store %arg33[%swap3A_187, %swap3A_188], %add3A_147 {strides = array<i32>} : memref<2000x16xf32, #tpu.memory_space<vmem>>, vector<2000x16xf32>,
    %get3A_190 = arith.constant 0 : index
    %get3A_191 = arith.constant 0 : index
    %get3A_192 = vector.load %arg29[%get3A_190, %get3A_191] : memref<16x16xf32, #tpu.memory_space<vmem>>, vector<16x16xf32>
    %dot_general3A_193 = arith.constant dense<0.000000e+00> : vector<2000x16xf32>
    %dot_general3A_194 = tpu.matmul %add3A_147, %get3A_192, %dot_general3A_193 {dimension_numbers = #tpu.dot_dimension_numbers<[1], [0], [0], [1], [0, 0, 1, 1], [], []>, precision = #tpu.contract_precision<fp32>, transpose_lhs_hint = false} : vector<2000x16xf32>, vector<16x16xf32>, vector<2000x16xf32> -> vector<2000x16xf32>
    %get3A_195 = arith.constant 0 : index
    %get3A_196 = arith.constant 0 : index
    %get3A_197 = vector.load %arg30[%get3A_195, %get3A_196] : memref<16x16xf32, #tpu.memory_space<vmem>>, vector<16x16xf32>
    %dot_general3A_198 = arith.constant dense<0.000000e+00> : vector<2000x16xf32>
    %dot_general3A_199 = tpu.matmul %add3A_147, %get3A_197, %dot_general3A_198 {dimension_numbers = #tpu.dot_dimension_numbers<[1], [0], [0], [1], [0, 0, 1, 1], [], []>, precision = #tpu.contract_precision<fp32>, transpose_lhs_hint = false} : vector<2000x16xf32>, vector<16x16xf32>, vector<2000x16xf32> -> vector<2000x16xf32>
    %get3A_200 = arith.constant 0 : index
    %get3A_201 = arith.constant 0 : index
    %get3A_202 = vector.load %arg31[%get3A_200, %get3A_201] : memref<16x16xf32, #tpu.memory_space<vmem>>, vector<16x16xf32>
    %dot_general3A_203 = arith.constant dense<0.000000e+00> : vector<2000x16xf32>
    %dot_general3A_204 = tpu.matmul %add3A_147, %get3A_202, %dot_general3A_203 {dimension_numbers = #tpu.dot_dimension_numbers<[1], [0], [0], [1], [0, 0, 1, 1], [], []>, precision = #tpu.contract_precision<fp32>, transpose_lhs_hint = false} : vector<2000x16xf32>, vector<16x16xf32>, vector<2000x16xf32> -> vector<2000x16xf32>
    %get3A_205 = arith.constant 0 : index
    %get3A_206 = arith.constant 0 : index
    %get3A_207 = vector.load %arg32[%get3A_205, %get3A_206] : memref<16x16xf32, #tpu.memory_space<vmem>>, vector<16x16xf32>
    %dot_general3A_208 = arith.constant dense<0.000000e+00> : vector<2000x16xf32>
    %dot_general3A_209 = tpu.matmul %add3A_147, %get3A_207, %dot_general3A_208 {dimension_numbers = #tpu.dot_dimension_numbers<[1], [0], [0], [1], [0, 0, 1, 1], [], []>, precision = #tpu.contract_precision<fp32>, transpose_lhs_hint = false} : vector<2000x16xf32>, vector<16x16xf32>, vector<2000x16xf32> -> vector<2000x16xf32>
    %broadcast_in_dim3A = arith.constant 0.000000e+00 : f32
    %broadcast_in_dim3A_210 = vector.broadcast %broadcast_in_dim3A : f32 to vector<2000x64xf32>
    %concatenate3A = tpu.concatenate %dot_general3A_194, %dot_general3A_199, %dot_general3A_204, %dot_general3A_209, %broadcast_in_dim3A_210 in 1 : vector<2000x16xf32>, vector<2000x16xf32>, vector<2000x16xf32>, vector<2000x16xf32>, vector<2000x64xf32> -> vector<2000x128xf32>
    %swap3A_211 = arith.constant 0 : index
    %swap3A_212 = arith.constant 0 : index
    %swap3A_213 = vector.load %arg34[%swap3A_211, %swap3A_212] : memref<2000x128xf32, #tpu.memory_space<vmem>>, vector<2000x128xf32>
    tpu.vector_store %arg34[%swap3A_211, %swap3A_212], %concatenate3A {strides = array<i32>} : memref<2000x128xf32, #tpu.memory_space<vmem>>, vector<2000x128xf32>,
    return
  }
  func.func @transform_0(%arg0: i32) -> (i32, i32) {
    %c0_i32 = arith.constant 0 : i32
    %c0_i32_0 = arith.constant 0 : i32
    return %arg0, %c0_i32 : i32, i32
  }
  func.func @transform_1(%arg0: i32) -> (i32, i32) {
    %c0_i32 = arith.constant 0 : i32
    %c0_i32_0 = arith.constant 0 : i32
    return %arg0, %c0_i32 : i32, i32
  }
  func.func @transform_2(%arg0: i32) -> (i32, i32) {
    %c0_i32 = arith.constant 0 : i32
    %c0_i32_0 = arith.constant 0 : i32
    return %arg0, %c0_i32 : i32, i32
  }
  func.func @transform_3(%arg0: i32) -> (i32, i32) {
    %c0_i32 = arith.constant 0 : i32
    %c0_i32_0 = arith.constant 0 : i32
    return %arg0, %c0_i32 : i32, i32
  }
  func.func @transform_4(%arg0: i32) -> (i32, i32) {
    %c0_i32 = arith.constant 0 : i32
    %c0_i32_0 = arith.constant 0 : i32
    return %arg0, %c0_i32 : i32, i32
  }
  func.func @transform_5(%arg0: i32) -> (i32, i32) {
    %c0_i32 = arith.constant 0 : i32
    %c0_i32_0 = arith.constant 0 : i32
    return %arg0, %c0_i32 : i32, i32
  }
  func.func @transform_6(%arg0: i32) -> (i32, i32) {
    %c0_i32 = arith.constant 0 : i32
    %c0_i32_0 = arith.constant 0 : i32
    return %arg0, %c0_i32 : i32, i32
  }
  func.func @transform_7(%arg0: i32) -> (i32, i32) {
    %c0_i32 = arith.constant 0 : i32
    %c0_i32_0 = arith.constant 0 : i32
    return %arg0, %c0_i32 : i32, i32
  }
  func.func @transform_8(%arg0: i32) -> (i32, i32) {
    %c0_i32 = arith.constant 0 : i32
    %c0_i32_0 = arith.constant 0 : i32
    %c0_i32_1 = arith.constant 0 : i32
    return %c0_i32, %c0_i32_0 : i32, i32
  }
  func.func @transform_9(%arg0: i32) -> (i32, i32) {
    %c0_i32 = arith.constant 0 : i32
    %c0_i32_0 = arith.constant 0 : i32
    %c0_i32_1 = arith.constant 0 : i32
    return %c0_i32, %c0_i32_0 : i32, i32
  }
  func.func @transform_10(%arg0: i32) -> (i32, i32) {
    %c0_i32 = arith.constant 0 : i32
    %c0_i32_0 = arith.constant 0 : i32
    %c0_i32_1 = arith.constant 0 : i32
    return %c0_i32, %c0_i32_0 : i32, i32
  }
  func.func @transform_11(%arg0: i32) -> (i32, i32) {
    %c0_i32 = arith.constant 0 : i32
    %c0_i32_0 = arith.constant 0 : i32
    %c0_i32_1 = arith.constant 0 : i32
    return %c0_i32, %c0_i32_0 : i32, i32
  }
  func.func @transform_12(%arg0: i32) -> (i32, i32) {
    %c0_i32 = arith.constant 0 : i32
    %c0_i32_0 = arith.constant 0 : i32
    %c0_i32_1 = arith.constant 0 : i32
    return %c0_i32, %c0_i32_0 : i32, i32
  }
  func.func @transform_13(%arg0: i32) -> (i32, i32) {
    %c0_i32 = arith.constant 0 : i32
    %c0_i32_0 = arith.constant 0 : i32
    %c0_i32_1 = arith.constant 0 : i32
    return %c0_i32, %c0_i32_0 : i32, i32
  }
  func.func @transform_14(%arg0: i32) -> (i32, i32) {
    %c0_i32 = arith.constant 0 : i32
    %c0_i32_0 = arith.constant 0 : i32
    %c0_i32_1 = arith.constant 0 : i32
    return %c0_i32, %c0_i32_0 : i32, i32
  }
  func.func @transform_15(%arg0: i32) -> (i32, i32) {
    %c0_i32 = arith.constant 0 : i32
    %c0_i32_0 = arith.constant 0 : i32
    %c0_i32_1 = arith.constant 0 : i32
    return %c0_i32, %c0_i32_0 : i32, i32
  }
  func.func @transform_16(%arg0: i32) -> (i32, i32) {
    %c0_i32 = arith.constant 0 : i32
    %c0_i32_0 = arith.constant 0 : i32
    %c0_i32_1 = arith.constant 0 : i32
    return %c0_i32, %c0_i32_0 : i32, i32
  }
  func.func @transform_17(%arg0: i32) -> (i32, i32) {
    %c0_i32 = arith.constant 0 : i32
    %c0_i32_0 = arith.constant 0 : i32
    %c0_i32_1 = arith.constant 0 : i32
    return %c0_i32, %c0_i32_0 : i32, i32
  }
  func.func @transform_18(%arg0: i32) -> (i32, i32) {
    %c0_i32 = arith.constant 0 : i32
    %c0_i32_0 = arith.constant 0 : i32
    %c0_i32_1 = arith.constant 0 : i32
    return %c0_i32, %c0_i32_0 : i32, i32
  }
  func.func @transform_19(%arg0: i32) -> (i32, i32) {
    %c0_i32 = arith.constant 0 : i32
    %c0_i32_0 = arith.constant 0 : i32
    %c0_i32_1 = arith.constant 0 : i32
    return %c0_i32, %c0_i32_0 : i32, i32
  }
  func.func @transform_20(%arg0: i32) -> (i32, i32) {
    %c0_i32 = arith.constant 0 : i32
    %c0_i32_0 = arith.constant 0 : i32
    %c0_i32_1 = arith.constant 0 : i32
    return %c0_i32, %c0_i32_0 : i32, i32
  }
  func.func @transform_21(%arg0: i32) -> (i32, i32) {
    %c0_i32 = arith.constant 0 : i32
    %c0_i32_0 = arith.constant 0 : i32
    %c0_i32_1 = arith.constant 0 : i32
    return %c0_i32, %c0_i32_0 : i32, i32
  }
  func.func @transform_22(%arg0: i32) -> (i32, i32) {
    %c0_i32 = arith.constant 0 : i32
    %c0_i32_0 = arith.constant 0 : i32
    %c0_i32_1 = arith.constant 0 : i32
    return %c0_i32, %c0_i32_0 : i32, i32
  }
  func.func @transform_23(%arg0: i32) -> (i32, i32) {
    %c0_i32 = arith.constant 0 : i32
    %c0_i32_0 = arith.constant 0 : i32
    %c0_i32_1 = arith.constant 0 : i32
    return %c0_i32, %c0_i32_0 : i32, i32
  }
  func.func @transform_24(%arg0: i32) -> (i32, i32) {
    %c0_i32 = arith.constant 0 : i32
    %c0_i32_0 = arith.constant 0 : i32
    %c0_i32_1 = arith.constant 0 : i32
    return %c0_i32, %c0_i32_0 : i32, i32
  }
  func.func @transform_25(%arg0: i32) -> (i32, i32) {
    %c0_i32 = arith.constant 0 : i32
    %c0_i32_0 = arith.constant 0 : i32
    %c0_i32_1 = arith.constant 0 : i32
    return %c0_i32, %c0_i32_0 : i32, i32
  }
  func.func @transform_26(%arg0: i32) -> (i32, i32) {
    %c0_i32 = arith.constant 0 : i32
    %c0_i32_0 = arith.constant 0 : i32
    %c0_i32_1 = arith.constant 0 : i32
    return %c0_i32, %c0_i32_0 : i32, i32
  }
  func.func @transform_27(%arg0: i32) -> (i32, i32) {
    %c0_i32 = arith.constant 0 : i32
    %c0_i32_0 = arith.constant 0 : i32
    %c0_i32_1 = arith.constant 0 : i32
    return %c0_i32, %c0_i32_0 : i32, i32
  }
  func.func @transform_28(%arg0: i32) -> (i32, i32) {
    %c0_i32 = arith.constant 0 : i32
    %c0_i32_0 = arith.constant 0 : i32
    %c0_i32_1 = arith.constant 0 : i32
    return %c0_i32, %c0_i32_0 : i32, i32
  }
  func.func @transform_29(%arg0: i32) -> (i32, i32) {
    %c0_i32 = arith.constant 0 : i32
    %c0_i32_0 = arith.constant 0 : i32
    %c0_i32_1 = arith.constant 0 : i32
    return %c0_i32, %c0_i32_0 : i32, i32
  }
  func.func @transform_30(%arg0: i32) -> (i32, i32) {
    %c0_i32 = arith.constant 0 : i32
    %c0_i32_0 = arith.constant 0 : i32
    %c0_i32_1 = arith.constant 0 : i32
    return %c0_i32, %c0_i32_0 : i32, i32
  }
  func.func @transform_31(%arg0: i32) -> (i32, i32) {
    %c0_i32 = arith.constant 0 : i32
    %c0_i32_0 = arith.constant 0 : i32
    %c0_i32_1 = arith.constant 0 : i32
    return %c0_i32, %c0_i32_0 : i32, i32
  }
  func.func @transform_32(%arg0: i32) -> (i32, i32) {
    %c0_i32 = arith.constant 0 : i32
    %c0_i32_0 = arith.constant 0 : i32
    return %arg0, %c0_i32 : i32, i32
  }
  func.func @transform_33(%arg0: i32) -> (i32, i32) {
    %c0_i32 = arith.constant 0 : i32
    %c0_i32_0 = arith.constant 0 : i32
    return %arg0, %c0_i32 : i32, i32
  }
  func.func @transform_34(%arg0: i32) -> (i32, i32) {
    %c0_i32 = arith.constant 0 : i32
    %c0_i32_0 = arith.constant 0 : i32
    %c0_i32_1 = arith.constant 0 : i32
    return %c0_i32, %c0_i32_0 : i32, i32
  }
}

module attributes {stable_mosaic.version = 14 : i64} {
  func.func @body(%arg0: i32, %arg1: memref<2000x16xf32, #tpu.memory_space<vmem>>, %arg2: memref<2000x16xf32, #tpu.memory_space<vmem>>, %arg3: memref<2000x16xf32, #tpu.memory_space<vmem>>, %arg4: memref<2000x1xf32, #tpu.memory_space<vmem>>, %arg5: memref<2000x1xf32, #tpu.memory_space<vmem>>, %arg6: memref<2000x1xf32, #tpu.memory_space<vmem>>, %arg7: memref<2000x3xf32, #tpu.memory_space<vmem>>, %arg8: memref<2000x2xf32, #tpu.memory_space<vmem>>, %arg9: memref<16x16xf32, #tpu.memory_space<vmem>>, %arg10: memref<1x16xf32, #tpu.memory_space<vmem>>, %arg11: memref<16x16xf32, #tpu.memory_space<vmem>>, %arg12: memref<1x16xf32, #tpu.memory_space<vmem>>, %arg13: memref<16x16xf32, #tpu.memory_space<vmem>>, %arg14: memref<1x16xf32, #tpu.memory_space<vmem>>, %arg15: memref<1x16xf32, #tpu.memory_space<vmem>>, %arg16: memref<16x16xf32, #tpu.memory_space<vmem>>, %arg17: memref<1x16xf32, #tpu.memory_space<vmem>>, %arg18: memref<16x48xf32, #tpu.memory_space<vmem>>, %arg19: memref<16x48xf32, #tpu.memory_space<vmem>>, %arg20: memref<16x48xf32, #tpu.memory_space<vmem>>, %arg21: memref<16x48xf32, #tpu.memory_space<vmem>>, %arg22: memref<3x48xf32, #tpu.memory_space<vmem>>, %arg23: memref<1x48xf32, #tpu.memory_space<vmem>>, %arg24: memref<1x48xf32, #tpu.memory_space<vmem>>, %arg25: memref<16x16xf32, #tpu.memory_space<vmem>>, %arg26: memref<1x16xf32, #tpu.memory_space<vmem>>, %arg27: memref<16x2xf32, #tpu.memory_space<vmem>>, %arg28: memref<1x2xf32, #tpu.memory_space<vmem>>, %arg29: memref<2000x2xf32, #tpu.memory_space<vmem>>, %arg30: memref<1x1xf32, #tpu.memory_space<vmem>>) attributes {dimension_semantics = [#tpu.dimension_semantics<arbitrary>], iteration_bounds = array<i64: 25>, scalar_prefetch = 0 : i64, scratch_operands = 0 : i64, tpu.core_type = #tpu.core_type<tc>, window_params = [{transform_indices = @transform_0, window_bounds = array<i64: 2000, 16>}, {transform_indices = @transform_1, window_bounds = array<i64: 2000, 16>}, {transform_indices = @transform_2, window_bounds = array<i64: 2000, 16>}, {transform_indices = @transform_3, window_bounds = array<i64: 2000, 1>}, {transform_indices = @transform_4, window_bounds = array<i64: 2000, 1>}, {transform_indices = @transform_5, window_bounds = array<i64: 2000, 1>}, {transform_indices = @transform_6, window_bounds = array<i64: 2000, 3>}, {transform_indices = @transform_7, window_bounds = array<i64: 2000, 2>}, {pipeline_mode = #tpu.pipeline_mode<synchronous>, transform_indices = @transform_8, window_bounds = array<i64: 16, 16>}, {pipeline_mode = #tpu.pipeline_mode<synchronous>, transform_indices = @transform_9, window_bounds = array<i64: 1, 16>}, {pipeline_mode = #tpu.pipeline_mode<synchronous>, transform_indices = @transform_10, window_bounds = array<i64: 16, 16>}, {pipeline_mode = #tpu.pipeline_mode<synchronous>, transform_indices = @transform_11, window_bounds = array<i64: 1, 16>}, {pipeline_mode = #tpu.pipeline_mode<synchronous>, transform_indices = @transform_12, window_bounds = array<i64: 16, 16>}, {pipeline_mode = #tpu.pipeline_mode<synchronous>, transform_indices = @transform_13, window_bounds = array<i64: 1, 16>}, {pipeline_mode = #tpu.pipeline_mode<synchronous>, transform_indices = @transform_14, window_bounds = array<i64: 1, 16>}, {pipeline_mode = #tpu.pipeline_mode<synchronous>, transform_indices = @transform_15, window_bounds = array<i64: 16, 16>}, {pipeline_mode = #tpu.pipeline_mode<synchronous>, transform_indices = @transform_16, window_bounds = array<i64: 1, 16>}, {pipeline_mode = #tpu.pipeline_mode<synchronous>, transform_indices = @transform_17, window_bounds = array<i64: 16, 48>}, {pipeline_mode = #tpu.pipeline_mode<synchronous>, transform_indices = @transform_18, window_bounds = array<i64: 16, 48>}, {pipeline_mode = #tpu.pipeline_mode<synchronous>, transform_indices = @transform_19, window_bounds = array<i64: 16, 48>}, {pipeline_mode = #tpu.pipeline_mode<synchronous>, transform_indices = @transform_20, window_bounds = array<i64: 16, 48>}, {pipeline_mode = #tpu.pipeline_mode<synchronous>, transform_indices = @transform_21, window_bounds = array<i64: 3, 48>}, {pipeline_mode = #tpu.pipeline_mode<synchronous>, transform_indices = @transform_22, window_bounds = array<i64: 1, 48>}, {pipeline_mode = #tpu.pipeline_mode<synchronous>, transform_indices = @transform_23, window_bounds = array<i64: 1, 48>}, {pipeline_mode = #tpu.pipeline_mode<synchronous>, transform_indices = @transform_24, window_bounds = array<i64: 16, 16>}, {pipeline_mode = #tpu.pipeline_mode<synchronous>, transform_indices = @transform_25, window_bounds = array<i64: 1, 16>}, {pipeline_mode = #tpu.pipeline_mode<synchronous>, transform_indices = @transform_26, window_bounds = array<i64: 16, 2>}, {pipeline_mode = #tpu.pipeline_mode<synchronous>, transform_indices = @transform_27, window_bounds = array<i64: 1, 2>}, {transform_indices = @transform_28, window_bounds = array<i64: 2000, 2>}, {pipeline_mode = #tpu.pipeline_mode<synchronous>, transform_indices = @transform_29, window_bounds = array<i64: 1, 1>}]} {
    %get3A = arith.constant 0 : index
    %get3A_0 = arith.constant 0 : index
    %get3A_1 = vector.load %arg1[%get3A, %get3A_0] : memref<2000x16xf32, #tpu.memory_space<vmem>>, vector<2000x16xf32>
    %get3A_2 = arith.constant 0 : index
    %get3A_3 = arith.constant 0 : index
    %get3A_4 = vector.load %arg4[%get3A_2, %get3A_3] : memref<2000x1xf32, #tpu.memory_space<vmem>>, vector<2000x1xf32>
    %get3A_5 = arith.constant 0 : index
    %get3A_6 = arith.constant 0 : index
    %get3A_7 = vector.load %arg5[%get3A_5, %get3A_6] : memref<2000x1xf32, #tpu.memory_space<vmem>>, vector<2000x1xf32>
    %max3A = arith.constant 1.000000e+00 : f32
    %max3A_8 = vector.broadcast %max3A : f32 to vector<2000x1xf32>
    %max3A_9 = arith.maximumf %get3A_4, %max3A_8 : vector<2000x1xf32>
    %max3A_10 = arith.constant 1.000000e+00 : f32
    %max3A_11 = vector.broadcast %max3A_10 : f32 to vector<2000x1xf32>
    %max3A_12 = arith.maximumf %get3A_7, %max3A_11 : vector<2000x1xf32>
    %get3A_13 = arith.constant 0 : index
    %get3A_14 = arith.constant 0 : index
    %get3A_15 = vector.load %arg2[%get3A_13, %get3A_14] : memref<2000x16xf32, #tpu.memory_space<vmem>>, vector<2000x16xf32>
    %div3A = vector.broadcast %max3A_9 : vector<2000x1xf32> to vector<2000x16xf32>
    %div3A_16 = arith.divf %get3A_15, %div3A : vector<2000x16xf32>
    %get3A_17 = arith.constant 0 : index
    %get3A_18 = arith.constant 0 : index
    %get3A_19 = vector.load %arg9[%get3A_17, %get3A_18] : memref<16x16xf32, #tpu.memory_space<vmem>>, vector<16x16xf32>
    %dot_general3A = arith.constant dense<0.000000e+00> : vector<2000x16xf32>
    %dot_general3A_20 = tpu.matmul %div3A_16, %get3A_19, %dot_general3A {dimension_numbers = #tpu.dot_dimension_numbers<[1], [0], [0], [1], [0, 0, 1, 1], [], []>, precision = #tpu.contract_precision<fp32>, transpose_lhs_hint = false} : vector<2000x16xf32>, vector<16x16xf32>, vector<2000x16xf32> -> vector<2000x16xf32>
    %get3A_21 = arith.constant 0 : index
    %get3A_22 = arith.constant 0 : index
    %get3A_23 = vector.load %arg10[%get3A_21, %get3A_22] : memref<1x16xf32, #tpu.memory_space<vmem>>, vector<1x16xf32>
    %div3A_24 = arith.divf %get3A_4, %max3A_9 : vector<2000x1xf32>
    %mul3A = vector.broadcast %get3A_23 : vector<1x16xf32> to vector<2000x16xf32>
    %mul3A_25 = vector.broadcast %div3A_24 : vector<2000x1xf32> to vector<2000x16xf32>
    %mul3A_26 = arith.mulf %mul3A, %mul3A_25 : vector<2000x16xf32>
    %add3A = arith.addf %dot_general3A_20, %mul3A_26 : vector<2000x16xf32>
    %get3A_27 = arith.constant 0 : index
    %get3A_28 = arith.constant 0 : index
    %get3A_29 = vector.load %arg3[%get3A_27, %get3A_28] : memref<2000x16xf32, #tpu.memory_space<vmem>>, vector<2000x16xf32>
    %div3A_30 = vector.broadcast %max3A_12 : vector<2000x1xf32> to vector<2000x16xf32>
    %div3A_31 = arith.divf %get3A_29, %div3A_30 : vector<2000x16xf32>
    %get3A_32 = arith.constant 0 : index
    %get3A_33 = arith.constant 0 : index
    %get3A_34 = vector.load %arg11[%get3A_32, %get3A_33] : memref<16x16xf32, #tpu.memory_space<vmem>>, vector<16x16xf32>
    %dot_general3A_35 = arith.constant dense<0.000000e+00> : vector<2000x16xf32>
    %dot_general3A_36 = tpu.matmul %div3A_31, %get3A_34, %dot_general3A_35 {dimension_numbers = #tpu.dot_dimension_numbers<[1], [0], [0], [1], [0, 0, 1, 1], [], []>, precision = #tpu.contract_precision<fp32>, transpose_lhs_hint = false} : vector<2000x16xf32>, vector<16x16xf32>, vector<2000x16xf32> -> vector<2000x16xf32>
    %get3A_37 = arith.constant 0 : index
    %get3A_38 = arith.constant 0 : index
    %get3A_39 = vector.load %arg12[%get3A_37, %get3A_38] : memref<1x16xf32, #tpu.memory_space<vmem>>, vector<1x16xf32>
    %div3A_40 = arith.divf %get3A_7, %max3A_12 : vector<2000x1xf32>
    %mul3A_41 = vector.broadcast %get3A_39 : vector<1x16xf32> to vector<2000x16xf32>
    %mul3A_42 = vector.broadcast %div3A_40 : vector<2000x1xf32> to vector<2000x16xf32>
    %mul3A_43 = arith.mulf %mul3A_41, %mul3A_42 : vector<2000x16xf32>
    %add3A_44 = arith.addf %dot_general3A_36, %mul3A_43 : vector<2000x16xf32>
    %get3A_45 = arith.constant 0 : index
    %get3A_46 = arith.constant 0 : index
    %get3A_47 = vector.load %arg13[%get3A_45, %get3A_46] : memref<16x16xf32, #tpu.memory_space<vmem>>, vector<16x16xf32>
    %dot_general3A_48 = arith.constant dense<0.000000e+00> : vector<2000x16xf32>
    %dot_general3A_49 = tpu.matmul %get3A_1, %get3A_47, %dot_general3A_48 {dimension_numbers = #tpu.dot_dimension_numbers<[1], [0], [0], [1], [0, 0, 1, 1], [], []>, precision = #tpu.contract_precision<fp32>, transpose_lhs_hint = false} : vector<2000x16xf32>, vector<16x16xf32>, vector<2000x16xf32> -> vector<2000x16xf32>
    %get3A_50 = arith.constant 0 : index
    %get3A_51 = arith.constant 0 : index
    %get3A_52 = vector.load %arg6[%get3A_50, %get3A_51] : memref<2000x1xf32, #tpu.memory_space<vmem>>, vector<2000x1xf32>
    %get3A_53 = arith.constant 0 : index
    %get3A_54 = arith.constant 0 : index
    %get3A_55 = vector.load %arg14[%get3A_53, %get3A_54] : memref<1x16xf32, #tpu.memory_space<vmem>>, vector<1x16xf32>
    %mul3A_56 = vector.broadcast %get3A_52 : vector<2000x1xf32> to vector<2000x16xf32>
    %mul3A_57 = vector.broadcast %get3A_55 : vector<1x16xf32> to vector<2000x16xf32>
    %mul3A_58 = arith.mulf %mul3A_56, %mul3A_57 : vector<2000x16xf32>
    %add3A_59 = arith.addf %dot_general3A_49, %mul3A_58 : vector<2000x16xf32>
    %get3A_60 = arith.constant 0 : index
    %get3A_61 = arith.constant 0 : index
    %get3A_62 = vector.load %arg15[%get3A_60, %get3A_61] : memref<1x16xf32, #tpu.memory_space<vmem>>, vector<1x16xf32>
    %add3A_63 = vector.broadcast %get3A_62 : vector<1x16xf32> to vector<2000x16xf32>
    %add3A_64 = arith.addf %add3A_59, %add3A_63 : vector<2000x16xf32>
    %max3A_65 = arith.constant 0.000000e+00 : f32
    %max3A_66 = vector.broadcast %max3A_65 : f32 to vector<2000x16xf32>
    %max3A_67 = arith.maximumf %add3A_64, %max3A_66 : vector<2000x16xf32>
    %get3A_68 = arith.constant 0 : index
    %get3A_69 = arith.constant 0 : index
    %get3A_70 = vector.load %arg16[%get3A_68, %get3A_69] : memref<16x16xf32, #tpu.memory_space<vmem>>, vector<16x16xf32>
    %dot_general3A_71 = arith.constant dense<0.000000e+00> : vector<2000x16xf32>
    %dot_general3A_72 = tpu.matmul %max3A_67, %get3A_70, %dot_general3A_71 {dimension_numbers = #tpu.dot_dimension_numbers<[1], [0], [0], [1], [0, 0, 1, 1], [], []>, precision = #tpu.contract_precision<fp32>, transpose_lhs_hint = false} : vector<2000x16xf32>, vector<16x16xf32>, vector<2000x16xf32> -> vector<2000x16xf32>
    %get3A_73 = arith.constant 0 : index
    %get3A_74 = arith.constant 0 : index
    %get3A_75 = vector.load %arg17[%get3A_73, %get3A_74] : memref<1x16xf32, #tpu.memory_space<vmem>>, vector<1x16xf32>
    %add3A_76 = vector.broadcast %get3A_75 : vector<1x16xf32> to vector<2000x16xf32>
    %add3A_77 = arith.addf %dot_general3A_72, %add3A_76 : vector<2000x16xf32>
    %get3A_78 = arith.constant 0 : index
    %get3A_79 = arith.constant 0 : index
    %get3A_80 = vector.load %arg18[%get3A_78, %get3A_79] : memref<16x48xf32, #tpu.memory_space<vmem>>, vector<16x48xf32>
    %dot_general3A_81 = arith.constant dense<0.000000e+00> : vector<2000x48xf32>
    %dot_general3A_82 = tpu.matmul %get3A_1, %get3A_80, %dot_general3A_81 {dimension_numbers = #tpu.dot_dimension_numbers<[1], [0], [0], [1], [0, 0, 1, 1], [], []>, precision = #tpu.contract_precision<fp32>, transpose_lhs_hint = false} : vector<2000x16xf32>, vector<16x48xf32>, vector<2000x48xf32> -> vector<2000x48xf32>
    %get3A_83 = arith.constant 0 : index
    %get3A_84 = arith.constant 0 : index
    %get3A_85 = vector.load %arg19[%get3A_83, %get3A_84] : memref<16x48xf32, #tpu.memory_space<vmem>>, vector<16x48xf32>
    %dot_general3A_86 = arith.constant dense<0.000000e+00> : vector<2000x48xf32>
    %dot_general3A_87 = tpu.matmul %add3A, %get3A_85, %dot_general3A_86 {dimension_numbers = #tpu.dot_dimension_numbers<[1], [0], [0], [1], [0, 0, 1, 1], [], []>, precision = #tpu.contract_precision<fp32>, transpose_lhs_hint = false} : vector<2000x16xf32>, vector<16x48xf32>, vector<2000x48xf32> -> vector<2000x48xf32>
    %add3A_88 = arith.addf %dot_general3A_82, %dot_general3A_87 : vector<2000x48xf32>
    %get3A_89 = arith.constant 0 : index
    %get3A_90 = arith.constant 0 : index
    %get3A_91 = vector.load %arg20[%get3A_89, %get3A_90] : memref<16x48xf32, #tpu.memory_space<vmem>>, vector<16x48xf32>
    %dot_general3A_92 = arith.constant dense<0.000000e+00> : vector<2000x48xf32>
    %dot_general3A_93 = tpu.matmul %add3A_44, %get3A_91, %dot_general3A_92 {dimension_numbers = #tpu.dot_dimension_numbers<[1], [0], [0], [1], [0, 0, 1, 1], [], []>, precision = #tpu.contract_precision<fp32>, transpose_lhs_hint = false} : vector<2000x16xf32>, vector<16x48xf32>, vector<2000x48xf32> -> vector<2000x48xf32>
    %add3A_94 = arith.addf %add3A_88, %dot_general3A_93 : vector<2000x48xf32>
    %get3A_95 = arith.constant 0 : index
    %get3A_96 = arith.constant 0 : index
    %get3A_97 = vector.load %arg21[%get3A_95, %get3A_96] : memref<16x48xf32, #tpu.memory_space<vmem>>, vector<16x48xf32>
    %dot_general3A_98 = arith.constant dense<0.000000e+00> : vector<2000x48xf32>
    %dot_general3A_99 = tpu.matmul %add3A_77, %get3A_97, %dot_general3A_98 {dimension_numbers = #tpu.dot_dimension_numbers<[1], [0], [0], [1], [0, 0, 1, 1], [], []>, precision = #tpu.contract_precision<fp32>, transpose_lhs_hint = false} : vector<2000x16xf32>, vector<16x48xf32>, vector<2000x48xf32> -> vector<2000x48xf32>
    %add3A_100 = arith.addf %add3A_94, %dot_general3A_99 : vector<2000x48xf32>
    %get3A_101 = arith.constant 0 : index
    %get3A_102 = arith.constant 0 : index
    %get3A_103 = vector.load %arg7[%get3A_101, %get3A_102] : memref<2000x3xf32, #tpu.memory_space<vmem>>, vector<2000x3xf32>
    %get3A_104 = arith.constant 0 : index
    %get3A_105 = arith.constant 0 : index
    %get3A_106 = vector.load %arg22[%get3A_104, %get3A_105] : memref<3x48xf32, #tpu.memory_space<vmem>>, vector<3x48xf32>
    %dot_general3A_107 = arith.constant dense<0.000000e+00> : vector<2000x48xf32>
    %dot_general3A_108 = tpu.matmul %get3A_103, %get3A_106, %dot_general3A_107 {dimension_numbers = #tpu.dot_dimension_numbers<[1], [0], [0], [1], [0, 0, 1, 1], [], []>, precision = #tpu.contract_precision<fp32>, transpose_lhs_hint = false} : vector<2000x3xf32>, vector<3x48xf32>, vector<2000x48xf32> -> vector<2000x48xf32>
    %add3A_109 = arith.addf %add3A_100, %dot_general3A_108 : vector<2000x48xf32>
    %get3A_110 = arith.constant 0 : index
    %get3A_111 = arith.constant 0 : index
    %get3A_112 = vector.load %arg23[%get3A_110, %get3A_111] : memref<1x48xf32, #tpu.memory_space<vmem>>, vector<1x48xf32>
    %add3A_113 = vector.broadcast %get3A_112 : vector<1x48xf32> to vector<2000x48xf32>
    %add3A_114 = arith.addf %add3A_109, %add3A_113 : vector<2000x48xf32>
    %get3A_115 = arith.constant 0 : index
    %get3A_116 = arith.constant 0 : index
    %get3A_117 = vector.load %arg24[%get3A_115, %get3A_116] : memref<1x48xf32, #tpu.memory_space<vmem>>, vector<1x48xf32>
    %slice3A = vector.extract_strided_slice %add3A_114 {offsets = [0, 0], sizes = [2000, 16], strides = [1, 1]} : vector<2000x48xf32> to vector<2000x16xf32>
    %slice3A_118 = vector.extract_strided_slice %get3A_117 {offsets = [0, 0], sizes = [1, 16], strides = [1, 1]} : vector<1x48xf32> to vector<1x16xf32>
    %add3A_119 = vector.broadcast %slice3A_118 : vector<1x16xf32> to vector<2000x16xf32>
    %add3A_120 = arith.addf %slice3A, %add3A_119 : vector<2000x16xf32>
    %logistic3A = arith.negf %add3A_120 : vector<2000x16xf32>
    %logistic3A_121 = math.exp %logistic3A : vector<2000x16xf32>
    %logistic3A_122 = arith.constant 1.000000e+00 : f32
    %logistic3A_123 = vector.broadcast %logistic3A_122 : f32 to vector<2000x16xf32>
    %logistic3A_124 = arith.addf %logistic3A_123, %logistic3A_121 : vector<2000x16xf32>
    %logistic3A_125 = arith.divf %logistic3A_123, %logistic3A_124 : vector<2000x16xf32>
    %slice3A_126 = vector.extract_strided_slice %add3A_114 {offsets = [0, 16], sizes = [2000, 16], strides = [1, 1]} : vector<2000x48xf32> to vector<2000x16xf32>
    %slice3A_127 = vector.extract_strided_slice %get3A_117 {offsets = [0, 16], sizes = [1, 16], strides = [1, 1]} : vector<1x48xf32> to vector<1x16xf32>
    %add3A_128 = vector.broadcast %slice3A_127 : vector<1x16xf32> to vector<2000x16xf32>
    %add3A_129 = arith.addf %slice3A_126, %add3A_128 : vector<2000x16xf32>
    %logistic3A_130 = arith.negf %add3A_129 : vector<2000x16xf32>
    %logistic3A_131 = math.exp %logistic3A_130 : vector<2000x16xf32>
    %logistic3A_132 = arith.constant 1.000000e+00 : f32
    %logistic3A_133 = vector.broadcast %logistic3A_132 : f32 to vector<2000x16xf32>
    %logistic3A_134 = arith.addf %logistic3A_133, %logistic3A_131 : vector<2000x16xf32>
    %logistic3A_135 = arith.divf %logistic3A_133, %logistic3A_134 : vector<2000x16xf32>
    %slice3A_136 = vector.extract_strided_slice %add3A_114 {offsets = [0, 32], sizes = [2000, 16], strides = [1, 1]} : vector<2000x48xf32> to vector<2000x16xf32>
    %slice3A_137 = vector.extract_strided_slice %get3A_117 {offsets = [0, 32], sizes = [1, 16], strides = [1, 1]} : vector<1x48xf32> to vector<1x16xf32>
    %mul3A_138 = vector.broadcast %slice3A_137 : vector<1x16xf32> to vector<2000x16xf32>
    %mul3A_139 = arith.mulf %logistic3A_125, %mul3A_138 : vector<2000x16xf32>
    %add3A_140 = arith.addf %slice3A_136, %mul3A_139 : vector<2000x16xf32>
    %tanh3A = math.tanh %add3A_140 : vector<2000x16xf32>
    %sub3A = arith.constant 1.000000e+00 : f32
    %sub3A_141 = vector.broadcast %sub3A : f32 to vector<2000x16xf32>
    %sub3A_142 = arith.subf %sub3A_141, %logistic3A_135 : vector<2000x16xf32>
    %mul3A_143 = arith.constant 1.000000e-01 : f32
    %mul3A_144 = vector.broadcast %mul3A_143 : f32 to vector<2000x16xf32>
    %mul3A_145 = arith.mulf %mul3A_144, %sub3A_142 : vector<2000x16xf32>
    %mul3A_146 = arith.mulf %mul3A_145, %tanh3A : vector<2000x16xf32>
    %add3A_147 = arith.addf %get3A_1, %mul3A_146 : vector<2000x16xf32>
    %get3A_148 = arith.constant 0 : index
    %get3A_149 = arith.constant 0 : index
    %get3A_150 = vector.load %arg25[%get3A_148, %get3A_149] : memref<16x16xf32, #tpu.memory_space<vmem>>, vector<16x16xf32>
    %dot_general3A_151 = arith.constant dense<0.000000e+00> : vector<2000x16xf32>
    %dot_general3A_152 = tpu.matmul %add3A_147, %get3A_150, %dot_general3A_151 {dimension_numbers = #tpu.dot_dimension_numbers<[1], [0], [0], [1], [0, 0, 1, 1], [], []>, precision = #tpu.contract_precision<fp32>, transpose_lhs_hint = false} : vector<2000x16xf32>, vector<16x16xf32>, vector<2000x16xf32> -> vector<2000x16xf32>
    %get3A_153 = arith.constant 0 : index
    %get3A_154 = arith.constant 0 : index
    %get3A_155 = vector.load %arg26[%get3A_153, %get3A_154] : memref<1x16xf32, #tpu.memory_space<vmem>>, vector<1x16xf32>
    %add3A_156 = vector.broadcast %get3A_155 : vector<1x16xf32> to vector<2000x16xf32>
    %add3A_157 = arith.addf %dot_general3A_152, %add3A_156 : vector<2000x16xf32>
    %max3A_158 = arith.constant 0.000000e+00 : f32
    %max3A_159 = vector.broadcast %max3A_158 : f32 to vector<2000x16xf32>
    %max3A_160 = arith.maximumf %add3A_157, %max3A_159 : vector<2000x16xf32>
    %get3A_161 = arith.constant 0 : index
    %get3A_162 = arith.constant 0 : index
    %get3A_163 = vector.load %arg27[%get3A_161, %get3A_162] : memref<16x2xf32, #tpu.memory_space<vmem>>, vector<16x2xf32>
    %dot_general3A_164 = arith.constant dense<0.000000e+00> : vector<2000x2xf32>
    %dot_general3A_165 = tpu.matmul %max3A_160, %get3A_163, %dot_general3A_164 {dimension_numbers = #tpu.dot_dimension_numbers<[1], [0], [0], [1], [0, 0, 1, 1], [], []>, precision = #tpu.contract_precision<fp32>, transpose_lhs_hint = false} : vector<2000x16xf32>, vector<16x2xf32>, vector<2000x2xf32> -> vector<2000x2xf32>
    %get3A_166 = arith.constant 0 : index
    %get3A_167 = arith.constant 0 : index
    %get3A_168 = vector.load %arg28[%get3A_166, %get3A_167] : memref<1x2xf32, #tpu.memory_space<vmem>>, vector<1x2xf32>
    %add3A_169 = vector.broadcast %get3A_168 : vector<1x2xf32> to vector<2000x2xf32>
    %add3A_170 = arith.addf %dot_general3A_165, %add3A_169 : vector<2000x2xf32>
    %eq3A = arith.constant 0 : i32
    %eq3A_171 = arith.cmpi eq, %arg0, %eq3A : i32
    %convert_element_type3A = arith.extui %eq3A_171 : i1 to i32
    %cond3A = arith.constant 0 : i32
    %cond3A_172 = arith.cmpi ne, %convert_element_type3A, %cond3A : i32
    scf.if %cond3A_172 {
      %broadcast_in_dim3A = arith.constant 0.000000e+00 : f32
      %broadcast_in_dim3A_190 = vector.broadcast %broadcast_in_dim3A : f32 to vector<1x1xf32>
      %swap3A_191 = arith.constant 0 : index
      %swap3A_192 = arith.constant 0 : index
      %swap3A_193 = vector.load %arg30[%swap3A_191, %swap3A_192] : memref<1x1xf32, #tpu.memory_space<vmem>>, vector<1x1xf32>
      tpu.vector_store %arg30[%swap3A_191, %swap3A_192], %broadcast_in_dim3A_190 {strides = array<i32>} : memref<1x1xf32, #tpu.memory_space<vmem>>, vector<1x1xf32>,
    } else {
    }
    %get3A_173 = arith.constant 0 : index
    %get3A_174 = arith.constant 0 : index
    %get3A_175 = vector.load %arg30[%get3A_173, %get3A_174] : memref<1x1xf32, #tpu.memory_space<vmem>>, vector<1x1xf32>
    %get3A_176 = arith.constant 0 : index
    %get3A_177 = arith.constant 0 : index
    %get3A_178 = vector.load %arg8[%get3A_176, %get3A_177] : memref<2000x2xf32, #tpu.memory_space<vmem>>, vector<2000x2xf32>
    %sub3A_179 = arith.subf %add3A_170, %get3A_178 : vector<2000x2xf32>
    %integer_pow3A = arith.mulf %sub3A_179, %sub3A_179 : vector<2000x2xf32>
    %reduce_sum3A = vector.shape_cast %integer_pow3A : vector<2000x2xf32> to vector<1x2000x2xf32>
    %reduce_sum3A_180 = arith.constant dense<0.000000e+00> : vector<1xf32>
    %reduce_sum3A_181 = vector.multi_reduction <add>, %reduce_sum3A, %reduce_sum3A_180 [1, 2] : vector<1x2000x2xf32> to vector<1xf32>
    %reduce_sum3A_182 = vector.shape_cast %reduce_sum3A_181 : vector<1xf32> to vector<1x1x1xf32>
    %reduce_sum3A_183 = vector.extract %reduce_sum3A_182[0, 0, 0] : f32 from vector<1x1x1xf32>
    %reshape3A = vector.broadcast %reduce_sum3A_183 : f32 to vector<1x1xf32>
    %add3A_184 = arith.addf %get3A_175, %reshape3A : vector<1x1xf32>
    %swap3A = arith.constant 0 : index
    %swap3A_185 = arith.constant 0 : index
    %swap3A_186 = vector.load %arg30[%swap3A, %swap3A_185] : memref<1x1xf32, #tpu.memory_space<vmem>>, vector<1x1xf32>
    tpu.vector_store %arg30[%swap3A, %swap3A_185], %add3A_184 {strides = array<i32>} : memref<1x1xf32, #tpu.memory_space<vmem>>, vector<1x1xf32>,
    %swap3A_187 = arith.constant 0 : index
    %swap3A_188 = arith.constant 0 : index
    %swap3A_189 = vector.load %arg29[%swap3A_187, %swap3A_188] : memref<2000x2xf32, #tpu.memory_space<vmem>>, vector<2000x2xf32>
    tpu.vector_store %arg29[%swap3A_187, %swap3A_188], %add3A_170 {strides = array<i32>} : memref<2000x2xf32, #tpu.memory_space<vmem>>, vector<2000x2xf32>,
    return
  }
  func.func @transform_0(%arg0: i32) -> (i32, i32) {
    %c0_i32 = arith.constant 0 : i32
    %c0_i32_0 = arith.constant 0 : i32
    return %arg0, %c0_i32 : i32, i32
  }
  func.func @transform_1(%arg0: i32) -> (i32, i32) {
    %c0_i32 = arith.constant 0 : i32
    %c0_i32_0 = arith.constant 0 : i32
    return %arg0, %c0_i32 : i32, i32
  }
  func.func @transform_2(%arg0: i32) -> (i32, i32) {
    %c0_i32 = arith.constant 0 : i32
    %c0_i32_0 = arith.constant 0 : i32
    return %arg0, %c0_i32 : i32, i32
  }
  func.func @transform_3(%arg0: i32) -> (i32, i32) {
    %c0_i32 = arith.constant 0 : i32
    %c0_i32_0 = arith.constant 0 : i32
    return %arg0, %c0_i32 : i32, i32
  }
  func.func @transform_4(%arg0: i32) -> (i32, i32) {
    %c0_i32 = arith.constant 0 : i32
    %c0_i32_0 = arith.constant 0 : i32
    return %arg0, %c0_i32 : i32, i32
  }
  func.func @transform_5(%arg0: i32) -> (i32, i32) {
    %c0_i32 = arith.constant 0 : i32
    %c0_i32_0 = arith.constant 0 : i32
    return %arg0, %c0_i32 : i32, i32
  }
  func.func @transform_6(%arg0: i32) -> (i32, i32) {
    %c0_i32 = arith.constant 0 : i32
    %c0_i32_0 = arith.constant 0 : i32
    return %arg0, %c0_i32 : i32, i32
  }
  func.func @transform_7(%arg0: i32) -> (i32, i32) {
    %c0_i32 = arith.constant 0 : i32
    %c0_i32_0 = arith.constant 0 : i32
    return %arg0, %c0_i32 : i32, i32
  }
  func.func @transform_8(%arg0: i32) -> (i32, i32) {
    %c0_i32 = arith.constant 0 : i32
    %c0_i32_0 = arith.constant 0 : i32
    %c0_i32_1 = arith.constant 0 : i32
    return %c0_i32, %c0_i32_0 : i32, i32
  }
  func.func @transform_9(%arg0: i32) -> (i32, i32) {
    %c0_i32 = arith.constant 0 : i32
    %c0_i32_0 = arith.constant 0 : i32
    %c0_i32_1 = arith.constant 0 : i32
    return %c0_i32, %c0_i32_0 : i32, i32
  }
  func.func @transform_10(%arg0: i32) -> (i32, i32) {
    %c0_i32 = arith.constant 0 : i32
    %c0_i32_0 = arith.constant 0 : i32
    %c0_i32_1 = arith.constant 0 : i32
    return %c0_i32, %c0_i32_0 : i32, i32
  }
  func.func @transform_11(%arg0: i32) -> (i32, i32) {
    %c0_i32 = arith.constant 0 : i32
    %c0_i32_0 = arith.constant 0 : i32
    %c0_i32_1 = arith.constant 0 : i32
    return %c0_i32, %c0_i32_0 : i32, i32
  }
  func.func @transform_12(%arg0: i32) -> (i32, i32) {
    %c0_i32 = arith.constant 0 : i32
    %c0_i32_0 = arith.constant 0 : i32
    %c0_i32_1 = arith.constant 0 : i32
    return %c0_i32, %c0_i32_0 : i32, i32
  }
  func.func @transform_13(%arg0: i32) -> (i32, i32) {
    %c0_i32 = arith.constant 0 : i32
    %c0_i32_0 = arith.constant 0 : i32
    %c0_i32_1 = arith.constant 0 : i32
    return %c0_i32, %c0_i32_0 : i32, i32
  }
  func.func @transform_14(%arg0: i32) -> (i32, i32) {
    %c0_i32 = arith.constant 0 : i32
    %c0_i32_0 = arith.constant 0 : i32
    %c0_i32_1 = arith.constant 0 : i32
    return %c0_i32, %c0_i32_0 : i32, i32
  }
  func.func @transform_15(%arg0: i32) -> (i32, i32) {
    %c0_i32 = arith.constant 0 : i32
    %c0_i32_0 = arith.constant 0 : i32
    %c0_i32_1 = arith.constant 0 : i32
    return %c0_i32, %c0_i32_0 : i32, i32
  }
  func.func @transform_16(%arg0: i32) -> (i32, i32) {
    %c0_i32 = arith.constant 0 : i32
    %c0_i32_0 = arith.constant 0 : i32
    %c0_i32_1 = arith.constant 0 : i32
    return %c0_i32, %c0_i32_0 : i32, i32
  }
  func.func @transform_17(%arg0: i32) -> (i32, i32) {
    %c0_i32 = arith.constant 0 : i32
    %c0_i32_0 = arith.constant 0 : i32
    %c0_i32_1 = arith.constant 0 : i32
    return %c0_i32, %c0_i32_0 : i32, i32
  }
  func.func @transform_18(%arg0: i32) -> (i32, i32) {
    %c0_i32 = arith.constant 0 : i32
    %c0_i32_0 = arith.constant 0 : i32
    %c0_i32_1 = arith.constant 0 : i32
    return %c0_i32, %c0_i32_0 : i32, i32
  }
  func.func @transform_19(%arg0: i32) -> (i32, i32) {
    %c0_i32 = arith.constant 0 : i32
    %c0_i32_0 = arith.constant 0 : i32
    %c0_i32_1 = arith.constant 0 : i32
    return %c0_i32, %c0_i32_0 : i32, i32
  }
  func.func @transform_20(%arg0: i32) -> (i32, i32) {
    %c0_i32 = arith.constant 0 : i32
    %c0_i32_0 = arith.constant 0 : i32
    %c0_i32_1 = arith.constant 0 : i32
    return %c0_i32, %c0_i32_0 : i32, i32
  }
  func.func @transform_21(%arg0: i32) -> (i32, i32) {
    %c0_i32 = arith.constant 0 : i32
    %c0_i32_0 = arith.constant 0 : i32
    %c0_i32_1 = arith.constant 0 : i32
    return %c0_i32, %c0_i32_0 : i32, i32
  }
  func.func @transform_22(%arg0: i32) -> (i32, i32) {
    %c0_i32 = arith.constant 0 : i32
    %c0_i32_0 = arith.constant 0 : i32
    %c0_i32_1 = arith.constant 0 : i32
    return %c0_i32, %c0_i32_0 : i32, i32
  }
  func.func @transform_23(%arg0: i32) -> (i32, i32) {
    %c0_i32 = arith.constant 0 : i32
    %c0_i32_0 = arith.constant 0 : i32
    %c0_i32_1 = arith.constant 0 : i32
    return %c0_i32, %c0_i32_0 : i32, i32
  }
  func.func @transform_24(%arg0: i32) -> (i32, i32) {
    %c0_i32 = arith.constant 0 : i32
    %c0_i32_0 = arith.constant 0 : i32
    %c0_i32_1 = arith.constant 0 : i32
    return %c0_i32, %c0_i32_0 : i32, i32
  }
  func.func @transform_25(%arg0: i32) -> (i32, i32) {
    %c0_i32 = arith.constant 0 : i32
    %c0_i32_0 = arith.constant 0 : i32
    %c0_i32_1 = arith.constant 0 : i32
    return %c0_i32, %c0_i32_0 : i32, i32
  }
  func.func @transform_26(%arg0: i32) -> (i32, i32) {
    %c0_i32 = arith.constant 0 : i32
    %c0_i32_0 = arith.constant 0 : i32
    %c0_i32_1 = arith.constant 0 : i32
    return %c0_i32, %c0_i32_0 : i32, i32
  }
  func.func @transform_27(%arg0: i32) -> (i32, i32) {
    %c0_i32 = arith.constant 0 : i32
    %c0_i32_0 = arith.constant 0 : i32
    %c0_i32_1 = arith.constant 0 : i32
    return %c0_i32, %c0_i32_0 : i32, i32
  }
  func.func @transform_28(%arg0: i32) -> (i32, i32) {
    %c0_i32 = arith.constant 0 : i32
    %c0_i32_0 = arith.constant 0 : i32
    return %arg0, %c0_i32 : i32, i32
  }
  func.func @transform_29(%arg0: i32) -> (i32, i32) {
    %c0_i32 = arith.constant 0 : i32
    %c0_i32_0 = arith.constant 0 : i32
    %c0_i32_1 = arith.constant 0 : i32
    return %c0_i32, %c0_i32_0 : i32, i32
  }
}

</mosaic_0001>

<sc_bundles>
// kernel: kernel.10.cloned.1.call-start
scs
__scs_entry_jumppad:
0x0: {  	(pc) =	sbr.rel $0x88, $3  }
0x1: {  	(tag) =	ssettag $0x0;
	lr =	simm.s32 $0x1  }
0x2: {  	[smem:$0x3F8A] =	sst lr;
	_ =	strace $0xD0000000  }
0x3: {  	_ = 	snop  }
0x4: {  	_ = 	snop  }
0x5: {  	_ = 	snop  }
0x6: {  	_ = 	snop  }
0x7: {  	_ = 	snop  }
__scs_overlays_trampoline_lowered:
0x8: {  	[smem:$0x3F99] =	sst s0  }
0x9: {  	[smem:$0x3F9A] =	sst s1  }
0xa: {  	[smem:$0x3F9B] =	sst s2  }
0xb: {  	[smem:$0x3F9C] =	sst s3  }
0xc: {  	[smem:$0x3F9D] =	sst s4  }
0xd: {  	[smem:$0x3F9E] =	sst s5  }
0xe: {  	[smem:$0x3F9F] =	sst s6  }
0xf: {  	[smem:$0x3FA0] =	sst s7  }
0x10: {  	[smem:$0x3FA1] =	sst s8  }
0x11: {  	[smem:$0x3FA2] =	sst s9;
	s0 =	simm.s32 @!p0 $0x0  }
0x12: {  	s1 =	sld [smem:$0x3F88];
	s0 =	simm.s32 @p0 $0x1  }
0x13: {  	[smem:$0x3FA3] =	sst s0;
	s0 =	simm.s32 @!p1 $0x0  }
0x14: {  	s2 =	sld [smem:$0x3F87];
	s0 =	simm.s32 @p1 $0x1  }
0x15: {  	[smem:$0x3FA4] =	sst s0;
	s0 =	simm.s32 @!p2 $0x0  }
0x16: {  	s3 =	sld [smem:$0x3FDB];
	s0 =	simm.s32 @p2 $0x1  }
0x17: {  	s4 =	simm.s32 $0x1BF5;
	[smem:$0x3FA6] =	sst s0  }
0x18: {  	s0 =	sld [smem:$0x3F89];
	_ =	swait.ge [sflag:s4], $0x0  }
0x19: {  	s7 =	sld [smem:$0x3F8A]  }
0x1a: {  	s8 =	sadd.s32 $0xFFFFE003, lr  }
0x1b: {  	s9 =	sadd.s32 $0xFFFFFEF7, lr;
	s5 =	simm.s32 $0xFFFFFFFF;
	p2 =	slt.u32 s8, $0xFFFFF086  }
0x1c: {  	p1 =	slt.u32 s9, $0xF7A;
	s5 =	simm.s32 @!p2 $0x0  }
0x1d: {  	s5 =	simm.s32 @p1 $0x1;
	p0 =	seq.s32 s7, s2  }
0x1e: {  	s7 =	smul.u32 @!p0 $0xF7A, s2;
	p2 =	seq.s32 @!p0 s5, $0x0  }
0x1f: {  	s9 =	smul.u32 $0xF7A, s1;
	s8 =	simm.s32 @!p0 $0x1BF5;
	p2 =	por !p2, p0  }
0x20: {  	[sflag:s8] =	ssyncset.s32 @!p0 $0xFFFFF086;
	s6 =	sadd.s32 @!p0 s3, s7;
	s7 =	simm.s32 @!p0 $0x108  }
0x21: {  	s3 =	sadd.s32 s3, s9;
	s6 =	sadd.s32 @!p0 $0x88, s6;
	s7 =	simm.s32 @p2 $0x1082  }
0x22: {  	[simem:s7], [sflag:s8] =	dma.local @!p0 [hbm:s6], $0xF7A  }
0x23: {  	s9 =	sor.u32 $0xD0000000, s2;
	s6 =	simm.s32 $0x108;
	_ =	swait.ge @!p0 [sflag:s8], $0x0  }
0x24: {  	s3 =	sadd.s32 $0x88, s3;
	s6 =	simm.s32 @!p1 $0x1082;
	[sflag:s4] =	ssyncset.s32 $0xFFFFF086  }
0x25: {  	[simem:s6], [sflag:s4] =	dma.local [hbm:s3], $0xF7A  }
0x26: {  	[smem:$0x3F8A] =	sst s1;
	(tag) =	ssettag s2;
	_ =	strace s9  }
0x27: {  	s1 =	sld [smem:$0x3F9A]  }
0x28: {  	s2 =	sld [smem:$0x3F9B]  }
0x29: {  	s4 =	sld [smem:$0x3F9D]  }
0x2a: {  	p0 =	seq.s32 s5, $0x0;
	s5 =	sld [smem:$0x3F9E]  }
0x2b: {  	s6 =	sld [smem:$0x3F9F]  }
0x2c: {  	s7 =	sld [smem:$0x3FA0]  }
0x2d: {  	s3 =	simm.s32 $0x108;
	s8 =	sld [smem:$0x3FA1]  }
0x2e: {  	s3 =	simm.s32 @!p0 $0x1082;
	s9 =	sld [smem:$0x3FA2]  }
0x2f: {  	lr =	sadd.s32 s0, s3;
	s0 =	sld [smem:$0x3F99]  }
0x30: {  	s3 =	sld [smem:$0x3F9C]  }
0x31: {  	[smem:$0x3FA5] =	sst s10  }
0x32: {  	s10 =	sld [smem:$0x3FA3];
	_ =	sdelay $0x3  }
0x33: {  	p0 =	seq.s32 s10, $0x1;
	s10 =	sld [smem:$0x3FA5];
	_ =	sdelay $0x3  }
0x34: {  	[smem:$0x3FA5] =	sst s10  }
0x35: {  	s10 =	sld [smem:$0x3FA4];
	_ =	sdelay $0x3  }
0x36: {  	p1 =	seq.s32 s10, $0x1;
	s10 =	sld [smem:$0x3FA5];
	_ =	sdelay $0x3  }
0x37: {  	[smem:$0x3FA5] =	sst s10  }
0x38: {  	s10 =	sld [smem:$0x3FA6]  }
0x39: {  	_ = 	snop;
	(pc) =	sbr.ind lr, $3  }
0x3a: {  	_ = 	snop  }
0x3b: {  	_ = 	snop  }
0x3c: {  	p2 =	seq.s32 s10, $0x1;
	s10 =	sld [smem:$0x3FA5]  }
0x3d: {  	_ =	shalt  }
0x3e: {  	_ =	shalt  }
0x3f: {  	_ =	shalt  }
0x40: {  	_ =	shalt  }
0x41: {  	_ =	shalt  }
0x42: {  	_ =	shalt  }
0x43: {  	_ =	shalt  }
0x44: {  	_ =	shalt  }
0x45: {  	_ =	shalt  }
0x46: {  	_ =	shalt  }
0x47: {  	_ =	shalt  }
0x48: {  	_ =	shalt  }
0x49: {  	_ =	shalt  }
0x4a: {  	_ =	shalt  }
0x4b: {  	_ =	shalt  }
0x4c: {  	_ =	shalt  }
0x4d: {  	_ =	shalt  }
0x4e: {  	_ =	shalt  }
0x4f: {  	_ =	shalt  }
0x50: {  	_ =	shalt  }
0x51: {  	_ =	shalt  }
0x52: {  	_ =	shalt  }
0x53: {  	_ =	shalt  }
0x54: {  	_ =	shalt  }
0x55: {  	_ =	shalt  }
0x56: {  	_ =	shalt  }
0x57: {  	_ =	shalt  }
0x58: {  	_ =	shalt  }
0x59: {  	_ =	shalt  }
0x5a: {  	_ =	shalt  }
0x5b: {  	_ =	shalt  }
0x5c: {  	_ =	shalt  }
0x5d: {  	_ =	shalt  }
0x5e: {  	_ =	shalt  }
0x5f: {  	_ =	shalt  }
0x60: {  	_ =	shalt  }
0x61: {  	_ =	shalt  }
0x62: {  	_ =	shalt  }
0x63: {  	_ =	shalt  }
0x64: {  	_ =	shalt  }
0x65: {  	_ =	shalt  }
0x66: {  	_ =	shalt  }
0x67: {  	_ =	shalt  }
0x68: {  	_ =	shalt  }
0x69: {  	_ =	shalt  }
0x6a: {  	_ =	shalt  }
0x6b: {  	_ =	shalt  }
0x6c: {  	_ =	shalt  }
0x6d: {  	_ =	shalt  }
0x6e: {  	_ =	shalt  }
0x6f: {  	_ =	shalt  }
0x70: {  	_ =	shalt  }
0x71: {  	_ =	shalt  }
0x72: {  	_ =	shalt  }
0x73: {  	_ =	shalt  }
0x74: {  	_ =	shalt  }
0x75: {  	_ =	shalt  }
0x76: {  	_ =	shalt  }
0x77: {  	_ =	shalt  }
0x78: {  	_ =	shalt  }
0x79: {  	_ =	shalt  }
0x7a: {  	_ =	shalt  }
0x7b: {  	_ =	shalt  }
0x7c: {  	_ =	shalt  }
0x7d: {  	_ =	shalt  }
0x7e: {  	_ =	shalt  }
0x7f: {  	_ =	shalt  }
0x80: {  	_ =	shalt  }
0x81: {  	_ =	shalt  }
0x82: {  	_ =	shalt  }
0x83: {  	_ =	shalt  }
0x84: {  	_ =	shalt  }
0x85: {  	_ =	shalt  }
0x86: {  	_ =	shalt  }
0x87: {  	_ =	shalt  }
.Lfunc_end0:
.L_simem_size_0:
called_computation.1_lowered:
.L_overlay_start_0:
0x88: {  	s2 =	sld [smem:$0x3FD9]  }
0x89: {  	s3 =	sld [smem:$0x3FFE];
	_ =	sdelay $0x1  }
0x8a: {  	s1 =	srdreg.scid  }
0x8b: {  	s0 =	sand.u32 $0x1, s1  }
0x8c: {  	s14 =	sshll.u32 s0, $0xA;
	s2 =	sadd.s32 s3, s2  }
0x8d: {  	s2 =	sadd.s32 s2, s14  }
0x8e: {  	[smem:$0x3FB1] =	sst s2  }
0x8f: {  	_ = 	snop  }
0x90: {  	s2 =	sld [smem:$0x3FD0];
	_ =	sdelay $0x2  }
0x91: {  	s15 =	simm.s32 $0xB;
	s4 =	simm.s32 $0x10  }
0x92: {  	[smem:s4], [sflag:s15] =	dma.local [hbm:s2], $0x1  }
0x93: {  	_ =	swait.eq [sflag:s15], $0x1  }
0x94: {  	[sflag:s15] =	ssyncset.done $0x0  }
0x95: {  	[sflag:s15] =	ssyncadd.s32 $0xFFFFFFFF  }
0x96: {  	s16 =	sld [smem:$0x10];
	(tm) =	ssettm $0x1  }
0x97: {  	s17 =	sld [smem:$0x3FFB];
	_ =	sdelay $0x3  }
0x98: {  	_ =	strace s17  }
0x99: {  	s3 =	sld [smem:$0x3FFC];
	_ =	sdelay $0x3  }
0x9a: {  	_ =	strace s3  }
0x9b: {  	s3 =	sld [smem:$0x3FFD];
	_ =	sdelay $0x3  }
0x9c: {  	_ =	strace s3  }
0x9d: {  	_ =	strace $0x8FFFFFFF  }
0x9e: {  	s18 =	sld [smem:$0x3FDB];
	_ =	sdelay $0x1  }
0x9f: {  	s19 =	simm.s32 $_scs_section_size  }
0xa0: {  	s5 =	simm.s32 $_size__tile_overlayer_lowered;
	s6 =	simm.s32 $_tile_overlayer_lowered  }
0xa1: {  	s22 =	simm.s32 $0x1BFF;
	s21 =	sshll.u32 s6, $0x1;
	s3 =	sadd.s32 s19, s18  }
0xa2: {  	s7 =	simm.s32 $0x0;
	s20 =	sshll.u32 s5, $0x1;
	s5 =	sadd.s32 s21, s3  }
0xa3: {  	[timem:s7], [sflag:s22] =	dma.local [hbm:s5], s20  }
0xa4: {  	_ =	swait.ge [sflag:s22], s20  }
0xa5: {  	s4 =	ssub.s32 $0x0, s20;
	[sflag:s22] =	ssyncset.done $0x0  }
0xa6: {  	[sflag:s22] =	ssyncadd.s32 s4;
	_ =	sdelay $0x1  }
0xa7: {  	s23 =	simm.s32 $0x1B8B  }
0xa8: {  	_ =	swait.ge [sflag:s23], $0x1  }
0xa9: {  	[sflag:s23] =	ssyncset.done $0x0  }
0xaa: {  	s25 =	simm.s32 $0x1B8E;
	s24 =	sld [smem:$0x3FFE];
	[sflag:s23] =	ssyncadd.s32 $0xFFFFFFFF  }
0xab: {  	s26 =	simm.s32 $execute0_lowered;
	[smem:$0x3FD2] =	sst s25  }
0xac: {  	s5 =	sshll.u32 s26, $0x1;
	_ =	strace $0x80000046;
	[dreg:$0x1] =	wrdreg $0xFFFFFFFF  }
0xad: {  	s28 =	simm.s32 $_size_execute0_lowered;
	s3 =	sadd.s32 s3, s5;
	[dreg:$0x0] =	wrdreg $0x0  }
0xae: {  	s5 =	sshll.u32 s28, $0x1;
	[dreg:$0x2] =	wrdreg s3  }
0xaf: {  	[dreg:$0x3] =	wrdreg s5  }
0xb0: {  	[dreg:$0x4] =	wrdreg $0xC0  }
0xb1: {  	_ =	task [dreg:s7], $0x5FFFF  }
0xb2: {  	[dreg:$0x1] =	wrdreg $0xFFFFFFFF  }
0xb3: {  	[dreg:$0x0] =	wrdreg $0x60  }
0xb4: {  	[dreg:$0x2] =	wrdreg s24  }
0xb5: {  	[dreg:$0x3] =	wrdreg s16  }
0xb6: {  	[dreg:$0x4] =	wrdreg $0x0  }
0xb7: {  	[dreg:$0x5] =	wrdreg $0xA  }
0xb8: {  	_ =	task.clear_ibuf [dreg:s7], $0x6FFFF;
	_ =	strace $0x90000046  }
0xb9: {  	s29 =	simm.s32 $0xA;
	_ =	strace $0x80000048  }
0xba: {  	_ =	swait.ge [sflag:s29], $0x1  }
0xbb: {  	[sflag:s29] =	ssyncadd.s32 $0xFFFFFFFF  }
0xbc: {  	_ =	strace $0x90000048  }
0xbd: {  	_ =	sfence  }
0xbe: {  	s30 =	sld [smem:$0x0];
	_ =	sdelay $0x2  }
0xbf: {  	s31 =	sshll.u32 s1, $0xD;
	s1 =	sshrl.u32 s1, $0x2  }
0xc0: {  	s3 =	sand.u32 $0x4000, s31;
	s1 =	sadd.s32 s1, s30  }
0xc1: {  	s0 =	sor.u32 s3, s0;
	s1 =	sshll.u32 s1, $0x11  }
0xc2: {  	s0 =	sor.u32 s1, s0  }
0xc3: {  	s0 =	sadd.s32 $0x8F2B, s0  }
0xc4: {  	[sflag:s0] =	ssyncadd.remote.s32 $0x1  }
0xc5: {  	_ =	sfence.sel $0xFFFF  }
0xc6: {  	[dreg:$0x0] =	wrdreg $0xFFFFFFFF;
	(pc) =	sbr.abs _section_cstart, $3  }
0xc7: {  	[dreg:$0x1] =	wrdreg $0xFFFFFFFF  }
0xc8: {  	_ =	task.clear_ibuf [dreg:s7], $0x2FFFF;
	_ =	strace $0x9FFFFFFF  }
0xc9: {  	(tm) =	ssettm $0x7FFFFFFF  }
tec
execute0_lowered:
.L_overlay_start_1:
0x0: {  	(tag) =	ssettag $0x1  }
0x1: {  	s0 =	rddreg [dreg:$0x0]  }
0x2: {  	s3 =	rddreg [dreg:$0x1]  }
0x3: {  	s1 =	rddreg [dreg:$0x2];
	s2 =	simm.s32 $0x0  }
0x4: {  	s6 =	srdreg.scid;
	s14 =	stileid.u32;
	s17 =	simm.s32 $0x80  }
0x5: {  	s18 =	simm.s32 $0x10780;
	s19 =	simm.s32 $0xC580;
	s20 =	simm.s32 $0x1  }
0x6: {  	s21 =	simm.s32 $0x10580;
	s22 =	simm.s32 $0xC380;
	s23 =	simm.s32 $0xC400  }
0x7: {  	s24 =	simm.s32 $0xC480;
	s25 =	simm.s32 $0xC500;
	s26 =	simm.s32 $0x0  }
0x8: {  	[smem:$0x7FF] =	sst s2;
	s4 =	sadd.s32 $0x64600, s0;
	s5 =	sadd.s32 $0x33800, s0  }
0x9: {  	s13 =	sand.u32 $0x1, s6;
	s6 =	sadd.s32 $0x2800, s0;
	s12 =	smul.u32 $0x61C00, s14  }
0xa: {  	s7 =	sadd.s32 $0x1B000, s0;
	s8 =	sadd.s32 $0x95400, s0;
	s10 =	smul.u32 $0x61C000, s13  }
0xb: {  	_ =	strace $0x80000047;
	s9 =	ssub.s32 $0x2, s13;
	s30 =	sshll.u32 s13, $0x6  }
0xc: {  	s13 =	sshll.u32 s13, $0x4;
	s11 =	sshrl.u32 s9, $0x1;
	s10 =	sadd.s32 s12, s10  }
0xd: {  	v0 =	vimm.f32 $0.0e+00;
	vm0 =	vcmask $0x300;
	s29 =	ssub.s32 s9, s11;
	s9 =	smul.u32 $0xC38, s14;
	s31 =	sshrl.u32 s10, $0x3  }
0xe: {  	v4 =	vimm.f32 $-0.0e+00;
	vm15 =	vcmask $0x704;
	v2 =	vlaneseq.u32;
	s11 =	sadd.s32 s3, s30;
	s12 =	smul.u32 $0x187, s14;
	s3 =	sadd.s32 s8, s31  }
0xf: {  	v3 =	vimm.f32 $1.000000000e+00;
	v1 =	vsel vm0, $0x3F800000, v0;
	v4 =	vsel vm15, $0xBF800000, v4;
	s16 =	smax.u32 s29, $0x1;
	s14 =	sadd.s32 $0xC00, s9;
	s15 =	sadd.s32 $0xC000, s3  }
.LBB2_1:
0x10: {  	s0 =	simm.s32 $0x200;
	s3 =	simm.s32 $0x0  }
.LBB2_2:
0x11: {  	p0 =	sne.s32 s0, $0xFE00;
	[tilespmem:s3+$0xC580] =	vst v0;
	s3 =	smov.u32 s0;
	s0 =	sadd.s32 $0x200, s0  }
.Ltmp0:
0x12: {  	(pc) =	sbr.rel @p0 .LBB2_2-.Ltmp0, $2  }
0x13: {  	_ =	sdelay $0x2  }
0x14: {  	s3 =	sshra.s32 s3, $0x2  }
0x15: {  	[tilespmem:s3+$0xC580] =	vst v0;
	s28 =	simm.s32 $0x0;
	s29 =	smov.u32 s9  }
.LBB2_4:
0x16: {  	v5 =	vadd.s32 s29, v2  }
0x17: {  	vm0 =	vlt.s32 v5, $0xC37F  }
0x18: {  	s0 =	simm.s32 $0x40;
	s30 =	simm.s32 $0x0;
	s3 =	smov.u32 s29;
	v5 =	vnsel vm0, $0xC37F, v5  }
.LBB2_5:
0x19: {  	p0 =	sne.s32 s0, $0x1C0  }
0x1a: {  	[tilespmem:s30+$0x10780] =	vst v5;
	s3 =	sadd.s32 $0x10, s3;
	s30 =	smov.u32 s0;
	s0 =	sadd.s32 $0x40, s0  }
.Ltmp1:
0x1b: {  	(pc) =	sbr.rel @p0 .LBB2_5-.Ltmp1, $4  }
0x1c: {  	_ = 	snop  }
0x1d: {  	v5 =	vadd.s32 s3, v2  }
0x1e: {  	vm0 =	vlt.s32 v5, $0xC37F  }
0x1f: {  	s30 =	sshra.s32 s30, $0x2;
	v5 =	vnsel vm0, $0xC37F, v5  }
0x20: {  	s28 =	sadd.s32 $0x1, s28  }
0x21: {  	p0 =	sne.s32 s28, $0x19  }
.Ltmp2:
0x22: {  	[tilespmem:s30+$0x10780] =	vst v5;
	(pc) =	sbr.rel @p0 .LBB2_4-.Ltmp2, $4  }
0x23: {  	[spmem:s1] =	stream.indirect.scatter [tilespmem:s19], [sflag:$0x1], $0x10, s18, s17, $0xb8;
	[tilespmem:$0x10800] =	vst v63  }
0x24: {  	_ =	swait.ge [sflag:s20], $0x800  }
0x25: {  	[sflag:s20] =	ssyncset.done $0x0  }
0x26: {  	s29 =	sadd.s32 $0x80, s29;
	[sflag:s20] =	ssyncadd.s32 $0xFFFFF800  }
0x27: {  	s28 =	simm.s32 $0x0  }
0x28: {  	[tilespmem:s21], [sflag:$0x1] =	stream.linear.gather [hbm4b:s11+s28], $0x180, $0x38;
	[tilespmem:$0x10800] =	vst v63  }
0x29: {  	_ =	swait.ge [sflag:s20], $0x180  }
0x2a: {  	[sflag:s20] =	ssyncset.done $0x0  }
0x2b: {  	[sflag:s20] =	ssyncadd.s32 $0xFFFFFE80  }
0x2c: {  	s29 =	simm.s32 $0x0;
	[bflag:$0x0] =	sbarrier.arrive $0xFFFF  }
.LBB2_8:
0x2d: {  	s0 =	sadd.s32 s12, s29  }
0x2e: {  	s3 =	sshll.u32 s0, $0x5  }
0x2f: {  	s3 =	sor.u32 s13, s3  }
0x30: {  	s30 =	sadd.s32 s4, s3  }
0x31: {  	[tilespmem:s22], [sflag:$0x1] =	stream.linear.gather [hbm4b:s30+s28], $0x80, $0x38;
	[tilespmem:$0x10800] =	vst v63  }
0x32: {  	_ =	swait.ge [sflag:s20], $0x80  }
0x33: {  	[sflag:s20] =	ssyncset.done $0x0  }
0x34: {  	s3 =	sadd.s32 s5, s3;
	[sflag:s20] =	ssyncadd.s32 $0xFFFFFF80  }
0x35: {  	[tilespmem:s23], [sflag:$0x1] =	stream.linear.gather [hbm4b:s3+s28], $0x80, $0x38;
	[tilespmem:$0x10800] =	vst v63  }
0x36: {  	_ =	swait.ge [sflag:s20], $0x80  }
0x37: {  	s0 =	sshll.u32 s0, $0x4;
	[sflag:s20] =	ssyncset.done $0x0  }
0x38: {  	s30 =	sadd.s32 s6, s0;
	[sflag:s20] =	ssyncadd.s32 $0xFFFFFF80  }
0x39: {  	[tilespmem:s24], [sflag:$0x1] =	stream.linear.gather [hbm4b:s30+s28], $0x80, $0x38;
	[tilespmem:$0x10800] =	vst v63  }
0x3a: {  	_ =	swait.ge [sflag:s20], $0x80  }
0x3b: {  	[sflag:s20] =	ssyncset.done $0x0  }
0x3c: {  	s0 =	sadd.s32 s7, s0;
	[sflag:s20] =	ssyncadd.s32 $0xFFFFFF80  }
0x3d: {  	[tilespmem:s25], [sflag:$0x1] =	stream.linear.gather [hbm4b:s0+s28], $0x80, $0x38;
	[tilespmem:$0x10800] =	vst v63  }
0x3e: {  	_ =	swait.ge [sflag:s20], $0x80  }
0x3f: {  	[sflag:s20] =	ssyncset.done $0x0  }
0x40: {  	s31 =	simm.s32 $0x0;
	s0 =	simm.s32 $0xC580;
	[sflag:s20] =	ssyncadd.s32 $0xFFFFFF80  }
.LBB2_9:
0x41: {  	s3 =	sshll.u32 s31, $0x4  }
0x42: {  	v6 =	vld [tilespmem:s3+$0xC380]  }
0x43: {  	v7 =	vld [tilespmem:s3+$0xC400];
	_ =	sdelay $0x3  }
0x44: {  	v5 =	vld [tilespmem:s3+$0xC480]  }
0x45: {  	s3 =	simm.s32 $0x0;
	vm0 =	veq.s32 v6, v7  }
0x46: {  	v7 =	vmov s3;
	v6 =	vsel vm0, $0x0, v3  }
0x47: {  	v8 =	vperm.xlane v6, v7;
	_ =	sdelay $0x1  }
0x48: {  	v7 =	vperm.xlane v5, v7;
	v9 =	vsub.f32 $1.000000000e+00, v8;
	_ =	sdelay $0x1  }
0x49: {  	s3 =	simm.s32 $0x1;
	v9 =	vmul.f32 v9, v7  }
0x4a: {  	v10 =	vmov s3;
	v8 =	vmul.f32 v1, v8  }
0x4b: {  	v7 =	vperm.xlane v6, v10;
	v11 =	vmul.f32 v4, v9;
	_ =	sdelay $0x1  }
0x4c: {  	v9 =	vperm.xlane v5, v10;
	v10 =	vsub.f32 $1.000000000e+00, v7;
	v8 =	vadd.f32 v11, v8  }
0x4d: {  	s30 =	smov.u32 s0;
	s3 =	simm.s32 $0x2  }
.LBB2_10:
0x4e: {  	v11 =	vmov s3;
	v9 =	vmul.f32 v10, v9;
	[tilespmem:s30+$0x0] =	vst v8;
	p0 =	sne.s32 s3, $0xF  }
.Ltmp3:
0x4f: {  	s3 =	sadd.s32 $0x1, s3;
	v8 =	vperm.xlane v6, v11;
	(pc) =	sbr.rel @p0 .LBB2_10-.Ltmp3, $4  }
0x50: {  	v12 =	vmul.f32 v1, v7;
	v13 =	vmul.f32 v4, v9  }
0x51: {  	v7 =	vmov v8  }
0x52: {  	v9 =	vperm.xlane v5, v11;
	v10 =	vsub.f32 $1.000000000e+00, v7;
	v8 =	vadd.f32 v13, v12  }
0x53: {  	s30 =	sadd.s32 $0x80, s30  }
0x54: {  	v5 =	vmul.f32 v10, v9;
	s31 =	sadd.s32 $0x1, s31  }
0x55: {  	p0 =	sne.s32 s31, $0x8  }
.Ltmp4:
0x56: {  	v6 =	vmul.f32 v1, v7;
	v5 =	vmul.f32 v4, v5;
	(pc) =	sbr.rel @p0 .LBB2_9-.Ltmp4, $4  }
0x57: {  	_ = 	snop  }
0x58: {  	v5 =	vadd.f32 v5, v6  }
0x59: {  	[tilespmem:s30+$0x0] =	vst v8;
	s3 =	sadd.s32 $0x80, s30  }
0x5a: {  	s0 =	sadd.s32 $0x800, s0;
	[tilespmem:s3+$0x0] =	vst v5  }
0x5b: {  	s29 =	sadd.s32 $0x1, s29  }
0x5c: {  	p0 =	sne.s32 s29, $0x187  }
.Ltmp5:
0x5d: {  	_ = 	snop;
	(pc) =	sbr.rel @p0 .LBB2_8-.Ltmp5, $4  }
0x5e: {  	[spmem:s1] =	stream.indirect.scatter.add.f32 [tilespmem:s19], [sflag:$0x1], $0x10, s22, s17, $0xb8;
	[tilespmem:$0x10800] =	vst v63  }
0x5f: {  	_ =	swait.ge [sflag:s20], $0x800  }
0x60: {  	[sflag:s20] =	ssyncset.done $0x0  }
0x61: {  	[sflag:s20] =	ssyncadd.s32 $0xFFFFF800  }
0x62: {  	[bflag:$0x0] =	sbarrier.arrive $0xFFFF;
	s28 =	simm.s32 $0x0;
	s29 =	smov.u32 s9  }
.LBB2_14:
0x63: {  	v5 =	vadd.s32 s29, v2  }
0x64: {  	vm0 =	vlt.s32 v5, $0xC37F  }
0x65: {  	s0 =	simm.s32 $0x40;
	s30 =	simm.s32 $0x0;
	s3 =	smov.u32 s29;
	v5 =	vnsel vm0, $0xC37F, v5  }
.LBB2_15:
0x66: {  	p0 =	sne.s32 s0, $0x1C0  }
0x67: {  	[tilespmem:s30+$0x10780] =	vst v5;
	s3 =	sadd.s32 $0x10, s3;
	s30 =	smov.u32 s0;
	s0 =	sadd.s32 $0x40, s0  }
.Ltmp6:
0x68: {  	(pc) =	sbr.rel @p0 .LBB2_15-.Ltmp6, $4  }
0x69: {  	_ = 	snop  }
0x6a: {  	v5 =	vadd.s32 s3, v2  }
0x6b: {  	vm0 =	vlt.s32 v5, $0xC37F  }
0x6c: {  	s30 =	sshra.s32 s30, $0x2;
	v5 =	vnsel vm0, $0xC37F, v5  }
0x6d: {  	[tilespmem:s30+$0x10780] =	vst v5;
	s0 =	sshll.u32 s28, $0xE;
	s3 =	simm.s32 $0x0  }
0x6e: {  	[tilespmem:s19], [sflag:$0x1] =	stream.indirect.gather [spmem:s1], $0x10, s18, s17, $0xb8;
	[tilespmem:$0x10800] =	vst v63  }
0x6f: {  	s28 =	sadd.s32 $0x1, s28;
	s0 =	sadd.s32 s0, s10;
	_ =	swait.ge [sflag:s20], $0x800  }
0x70: {  	p0 =	sne.s32 s28, $0x18;
	s0 =	sshrl.u32 s0, $0x3;
	[sflag:s20] =	ssyncset.done $0x0  }
.Ltmp7:
0x71: {  	s0 =	sadd.s32 s8, s0;
	[sflag:s20] =	ssyncadd.s32 $0xFFFFF800;
	(pc) =	sbr.rel @p0 .LBB2_14-.Ltmp7, $4  }
0x72: {  	[hbm4b:s0+s3] =	stream.linear.scatter [tilespmem:s19], [sflag:$0x1], $0x4000, $0x38;
	[tilespmem:$0x10800] =	vst v63  }
0x73: {  	_ =	swait.ge [sflag:s20], $0x4000  }
0x74: {  	[sflag:s20] =	ssyncset.done $0x0  }
0x75: {  	s29 =	sadd.s32 $0x80, s29;
	[sflag:s20] =	ssyncadd.s32 $0xFFFFC000  }
0x76: {  	v5 =	vadd.s32 s14, v2  }
0x77: {  	vm0 =	vlt.s32 v5, $0xC37F  }
0x78: {  	s0 =	simm.s32 $0x40;
	s28 =	simm.s32 $0x0;
	s3 =	smov.u32 s14;
	v5 =	vnsel vm0, $0xC37F, v5  }
.LBB2_18:
0x79: {  	p0 =	sne.s32 s0, $0x1C0  }
0x7a: {  	[tilespmem:s28+$0x10780] =	vst v5;
	s3 =	sadd.s32 $0x10, s3;
	s28 =	smov.u32 s0;
	s0 =	sadd.s32 $0x40, s0  }
.Ltmp8:
0x7b: {  	(pc) =	sbr.rel @p0 .LBB2_18-.Ltmp8, $4  }
0x7c: {  	_ = 	snop  }
0x7d: {  	v5 =	vadd.s32 s3, v2  }
0x7e: {  	vm0 =	vlt.s32 v5, $0xC37F  }
0x7f: {  	s28 =	sshra.s32 s28, $0x2;
	v5 =	vnsel vm0, $0xC37F, v5  }
0x80: {  	[tilespmem:s28+$0x10780] =	vst v5  }
0x81: {  	[tilespmem:s19], [sflag:$0x1] =	stream.indirect.gather [spmem:s1], $0x10, s18, s17, $0xb8;
	[tilespmem:$0x10800] =	vst v63  }
0x82: {  	s26 =	sadd.s32 $0x1, s26;
	_ =	swait.ge [sflag:s20], $0x800  }
0x83: {  	p0 =	sne.s32 s26, s16;
	[sflag:s20] =	ssyncset.done $0x0  }
.Ltmp9:
0x84: {  	[sflag:s20] =	ssyncadd.s32 $0xFFFFF800;
	(pc) =	sbr.rel @p0 .LBB2_1-.Ltmp9, $4  }
0x85: {  	[hbm4b:s15+s2] =	stream.linear.scatter [tilespmem:s19], [sflag:$0x1], $0x1C00, $0x38;
	[tilespmem:$0x10800] =	vst v63  }
0x86: {  	_ =	swait.ge [sflag:s20], $0x1C00  }
0x87: {  	[sflag:s20] =	ssyncset.done $0x0  }
0x88: {  	[sflag:s20] =	ssyncadd.s32 $0xFFFFE400  }
0x89: {  	_ =	sfence.sel $0x180000  }
0x8a: {  	[bflag:$0x0] =	sbarrier.arrive $0xFFFF  }
0x8b: {  	_ =	strace $0x90000047  }
0x8c: {  	s0 =	stileid.u32;
	[bflag:$0x2] =	sbarrier.arrive $0xFFFF  }
0x8d: {  	p0 =	sne.s32 s0, $0x0;
	s0 =	rddreg [dreg:$0x3]  }
0x8e: {  	s0 =	sadd.s32 @!p0 $0x100000, s0  }
0x8f: {  	[sflag:s0] =	ssyncadd.tile.s32 @!p0 $0x1;
	_ =	shalt  }
.Lfunc_end2:
_tile_overlayer_lowered:
.L_overlay_start_2:
0x90: {  	(tag) =	ssettag $0x2  }
0x91: {  	s0 =	rddreg [dreg:$0x0];
	s2 =	stileid.u32  }
0x92: {  	s1 =	rddreg [dreg:$0x1];
	p0 =	sne.s32 s2, $0x0  }
0x93: {  	s3 =	rddreg [dreg:$0x2];
	[bflag:$0x3] =	sbarrier.arrive $0xFFFF;
	s2 =	simm.s32 @!p0 $0x1C01  }
0x94: {  	[timem:s3], [sflag:s2] =	dma.local @!p0 [hbm:s0], s1  }
0x95: {  	s0 =	simm.s32 @!p0 $0x1  }
0x96: {  	_ =	swait.ge @!p0 [sflag:s0], s1  }
0x97: {  	s1 =	ssub.s32 @!p0 $0x0, s1;
	[sflag:s0] =	ssyncset.done @!p0 $0x0  }
0x98: {  	[sflag:s0] =	ssyncadd.s32 @!p0 s1  }
0x99: {  	[bflag:$0x3] =	sbarrier.arrive $0xFFFF  }
0x9a: {  	_ =	shalt  }

// kernel: kernel.13.cloned.1.call-start
scs
__scs_entry_jumppad:
0x0: {  	(pc) =	sbr.rel $0x88, $3  }
0x1: {  	(tag) =	ssettag $0x0;
	lr =	simm.s32 $0x1  }
0x2: {  	[smem:$0x3F8A] =	sst lr;
	_ =	strace $0xD0000000  }
0x3: {  	_ = 	snop  }
0x4: {  	_ = 	snop  }
0x5: {  	_ = 	snop  }
0x6: {  	_ = 	snop  }
0x7: {  	_ = 	snop  }
__scs_overlays_trampoline_lowered:
0x8: {  	[smem:$0x3F99] =	sst s0  }
0x9: {  	[smem:$0x3F9A] =	sst s1  }
0xa: {  	[smem:$0x3F9B] =	sst s2  }
0xb: {  	[smem:$0x3F9C] =	sst s3  }
0xc: {  	[smem:$0x3F9D] =	sst s4  }
0xd: {  	[smem:$0x3F9E] =	sst s5  }
0xe: {  	[smem:$0x3F9F] =	sst s6  }
0xf: {  	[smem:$0x3FA0] =	sst s7  }
0x10: {  	[smem:$0x3FA1] =	sst s8  }
0x11: {  	[smem:$0x3FA2] =	sst s9;
	s0 =	simm.s32 @!p0 $0x0  }
0x12: {  	s1 =	sld [smem:$0x3F88];
	s0 =	simm.s32 @p0 $0x1  }
0x13: {  	[smem:$0x3FA3] =	sst s0;
	s0 =	simm.s32 @!p1 $0x0  }
0x14: {  	s2 =	sld [smem:$0x3F87];
	s0 =	simm.s32 @p1 $0x1  }
0x15: {  	[smem:$0x3FA4] =	sst s0;
	s0 =	simm.s32 @!p2 $0x0  }
0x16: {  	s3 =	sld [smem:$0x3FDB];
	s0 =	simm.s32 @p2 $0x1  }
0x17: {  	s4 =	simm.s32 $0x1BF5;
	[smem:$0x3FA6] =	sst s0  }
0x18: {  	s0 =	sld [smem:$0x3F89];
	_ =	swait.ge [sflag:s4], $0x0  }
0x19: {  	s7 =	sld [smem:$0x3F8A]  }
0x1a: {  	s8 =	sadd.s32 $0xFFFFE003, lr  }
0x1b: {  	s9 =	sadd.s32 $0xFFFFFEF7, lr;
	s5 =	simm.s32 $0xFFFFFFFF;
	p2 =	slt.u32 s8, $0xFFFFF086  }
0x1c: {  	p1 =	slt.u32 s9, $0xF7A;
	s5 =	simm.s32 @!p2 $0x0  }
0x1d: {  	s5 =	simm.s32 @p1 $0x1;
	p0 =	seq.s32 s7, s2  }
0x1e: {  	s7 =	smul.u32 @!p0 $0xF7A, s2;
	p2 =	seq.s32 @!p0 s5, $0x0  }
0x1f: {  	s9 =	smul.u32 $0xF7A, s1;
	s8 =	simm.s32 @!p0 $0x1BF5;
	p2 =	por !p2, p0  }
0x20: {  	[sflag:s8] =	ssyncset.s32 @!p0 $0xFFFFF086;
	s6 =	sadd.s32 @!p0 s3, s7;
	s7 =	simm.s32 @!p0 $0x108  }
0x21: {  	s3 =	sadd.s32 s3, s9;
	s6 =	sadd.s32 @!p0 $0x88, s6;
	s7 =	simm.s32 @p2 $0x1082  }
0x22: {  	[simem:s7], [sflag:s8] =	dma.local @!p0 [hbm:s6], $0xF7A  }
0x23: {  	s9 =	sor.u32 $0xD0000000, s2;
	s6 =	simm.s32 $0x108;
	_ =	swait.ge @!p0 [sflag:s8], $0x0  }
0x24: {  	s3 =	sadd.s32 $0x88, s3;
	s6 =	simm.s32 @!p1 $0x1082;
	[sflag:s4] =	ssyncset.s32 $0xFFFFF086  }
0x25: {  	[simem:s6], [sflag:s4] =	dma.local [hbm:s3], $0xF7A  }
0x26: {  	[smem:$0x3F8A] =	sst s1;
	(tag) =	ssettag s2;
	_ =	strace s9  }
0x27: {  	s1 =	sld [smem:$0x3F9A]  }
0x28: {  	s2 =	sld [smem:$0x3F9B]  }
0x29: {  	s4 =	sld [smem:$0x3F9D]  }
0x2a: {  	p0 =	seq.s32 s5, $0x0;
	s5 =	sld [smem:$0x3F9E]  }
0x2b: {  	s6 =	sld [smem:$0x3F9F]  }
0x2c: {  	s7 =	sld [smem:$0x3FA0]  }
0x2d: {  	s3 =	simm.s32 $0x108;
	s8 =	sld [smem:$0x3FA1]  }
0x2e: {  	s3 =	simm.s32 @!p0 $0x1082;
	s9 =	sld [smem:$0x3FA2]  }
0x2f: {  	lr =	sadd.s32 s0, s3;
	s0 =	sld [smem:$0x3F99]  }
0x30: {  	s3 =	sld [smem:$0x3F9C]  }
0x31: {  	[smem:$0x3FA5] =	sst s10  }
0x32: {  	s10 =	sld [smem:$0x3FA3];
	_ =	sdelay $0x3  }
0x33: {  	p0 =	seq.s32 s10, $0x1;
	s10 =	sld [smem:$0x3FA5];
	_ =	sdelay $0x3  }
0x34: {  	[smem:$0x3FA5] =	sst s10  }
0x35: {  	s10 =	sld [smem:$0x3FA4];
	_ =	sdelay $0x3  }
0x36: {  	p1 =	seq.s32 s10, $0x1;
	s10 =	sld [smem:$0x3FA5];
	_ =	sdelay $0x3  }
0x37: {  	[smem:$0x3FA5] =	sst s10  }
0x38: {  	s10 =	sld [smem:$0x3FA6]  }
0x39: {  	_ = 	snop;
	(pc) =	sbr.ind lr, $3  }
0x3a: {  	_ = 	snop  }
0x3b: {  	_ = 	snop  }
0x3c: {  	p2 =	seq.s32 s10, $0x1;
	s10 =	sld [smem:$0x3FA5]  }
0x3d: {  	_ =	shalt  }
0x3e: {  	_ =	shalt  }
0x3f: {  	_ =	shalt  }
0x40: {  	_ =	shalt  }
0x41: {  	_ =	shalt  }
0x42: {  	_ =	shalt  }
0x43: {  	_ =	shalt  }
0x44: {  	_ =	shalt  }
0x45: {  	_ =	shalt  }
0x46: {  	_ =	shalt  }
0x47: {  	_ =	shalt  }
0x48: {  	_ =	shalt  }
0x49: {  	_ =	shalt  }
0x4a: {  	_ =	shalt  }
0x4b: {  	_ =	shalt  }
0x4c: {  	_ =	shalt  }
0x4d: {  	_ =	shalt  }
0x4e: {  	_ =	shalt  }
0x4f: {  	_ =	shalt  }
0x50: {  	_ =	shalt  }
0x51: {  	_ =	shalt  }
0x52: {  	_ =	shalt  }
0x53: {  	_ =	shalt  }
0x54: {  	_ =	shalt  }
0x55: {  	_ =	shalt  }
0x56: {  	_ =	shalt  }
0x57: {  	_ =	shalt  }
0x58: {  	_ =	shalt  }
0x59: {  	_ =	shalt  }
0x5a: {  	_ =	shalt  }
0x5b: {  	_ =	shalt  }
0x5c: {  	_ =	shalt  }
0x5d: {  	_ =	shalt  }
0x5e: {  	_ =	shalt  }
0x5f: {  	_ =	shalt  }
0x60: {  	_ =	shalt  }
0x61: {  	_ =	shalt  }
0x62: {  	_ =	shalt  }
0x63: {  	_ =	shalt  }
0x64: {  	_ =	shalt  }
0x65: {  	_ =	shalt  }
0x66: {  	_ =	shalt  }
0x67: {  	_ =	shalt  }
0x68: {  	_ =	shalt  }
0x69: {  	_ =	shalt  }
0x6a: {  	_ =	shalt  }
0x6b: {  	_ =	shalt  }
0x6c: {  	_ =	shalt  }
0x6d: {  	_ =	shalt  }
0x6e: {  	_ =	shalt  }
0x6f: {  	_ =	shalt  }
0x70: {  	_ =	shalt  }
0x71: {  	_ =	shalt  }
0x72: {  	_ =	shalt  }
0x73: {  	_ =	shalt  }
0x74: {  	_ =	shalt  }
0x75: {  	_ =	shalt  }
0x76: {  	_ =	shalt  }
0x77: {  	_ =	shalt  }
0x78: {  	_ =	shalt  }
0x79: {  	_ =	shalt  }
0x7a: {  	_ =	shalt  }
0x7b: {  	_ =	shalt  }
0x7c: {  	_ =	shalt  }
0x7d: {  	_ =	shalt  }
0x7e: {  	_ =	shalt  }
0x7f: {  	_ =	shalt  }
0x80: {  	_ =	shalt  }
0x81: {  	_ =	shalt  }
0x82: {  	_ =	shalt  }
0x83: {  	_ =	shalt  }
0x84: {  	_ =	shalt  }
0x85: {  	_ =	shalt  }
0x86: {  	_ =	shalt  }
0x87: {  	_ =	shalt  }
.Lfunc_end0:
.L_simem_size_0:
called_computation.2_lowered:
.L_overlay_start_0:
0x88: {  	s2 =	sld [smem:$0x3FD9]  }
0x89: {  	s3 =	sld [smem:$0x3FFE];
	_ =	sdelay $0x1  }
0x8a: {  	s1 =	srdreg.scid  }
0x8b: {  	s0 =	sand.u32 $0x1, s1  }
0x8c: {  	s14 =	sshll.u32 s0, $0xA;
	s2 =	sadd.s32 s3, s2  }
0x8d: {  	s2 =	sadd.s32 s2, s14  }
0x8e: {  	[smem:$0x3FB1] =	sst s2  }
0x8f: {  	_ = 	snop  }
0x90: {  	s2 =	sld [smem:$0x3FD0];
	_ =	sdelay $0x2  }
0x91: {  	s15 =	simm.s32 $0xB;
	s4 =	simm.s32 $0x10  }
0x92: {  	[smem:s4], [sflag:s15] =	dma.local [hbm:s2], $0x1  }
0x93: {  	_ =	swait.eq [sflag:s15], $0x1  }
0x94: {  	[sflag:s15] =	ssyncset.done $0x0  }
0x95: {  	[sflag:s15] =	ssyncadd.s32 $0xFFFFFFFF  }
0x96: {  	s16 =	sld [smem:$0x10];
	(tm) =	ssettm $0x1  }
0x97: {  	s17 =	sld [smem:$0x3FFB];
	_ =	sdelay $0x3  }
0x98: {  	_ =	strace s17  }
0x99: {  	s3 =	sld [smem:$0x3FFC];
	_ =	sdelay $0x3  }
0x9a: {  	_ =	strace s3  }
0x9b: {  	s3 =	sld [smem:$0x3FFD];
	_ =	sdelay $0x3  }
0x9c: {  	_ =	strace s3  }
0x9d: {  	_ =	strace $0x8FFFFFFF  }
0x9e: {  	s18 =	sld [smem:$0x3FDB];
	_ =	sdelay $0x1  }
0x9f: {  	s19 =	simm.s32 $_scs_section_size  }
0xa0: {  	s5 =	simm.s32 $_size__tile_overlayer_lowered;
	s6 =	simm.s32 $_tile_overlayer_lowered  }
0xa1: {  	s22 =	simm.s32 $0x1BFF;
	s21 =	sshll.u32 s6, $0x1;
	s3 =	sadd.s32 s19, s18  }
0xa2: {  	s7 =	simm.s32 $0x0;
	s20 =	sshll.u32 s5, $0x1;
	s5 =	sadd.s32 s21, s3  }
0xa3: {  	[timem:s7], [sflag:s22] =	dma.local [hbm:s5], s20  }
0xa4: {  	_ =	swait.ge [sflag:s22], s20  }
0xa5: {  	s4 =	ssub.s32 $0x0, s20;
	[sflag:s22] =	ssyncset.done $0x0  }
0xa6: {  	[sflag:s22] =	ssyncadd.s32 s4;
	_ =	sdelay $0x1  }
0xa7: {  	s23 =	simm.s32 $0x1B8B  }
0xa8: {  	_ =	swait.ge [sflag:s23], $0x1  }
0xa9: {  	[sflag:s23] =	ssyncset.done $0x0  }
0xaa: {  	s25 =	simm.s32 $0x1B8E;
	s24 =	sld [smem:$0x3FFE];
	[sflag:s23] =	ssyncadd.s32 $0xFFFFFFFF  }
0xab: {  	s26 =	simm.s32 $execute0_lowered;
	[smem:$0x3FD2] =	sst s25  }
0xac: {  	s5 =	sshll.u32 s26, $0x1;
	_ =	strace $0x8000004C;
	[dreg:$0x1] =	wrdreg $0xFFFFFFFF  }
0xad: {  	s28 =	simm.s32 $_size_execute0_lowered;
	s3 =	sadd.s32 s3, s5;
	[dreg:$0x0] =	wrdreg $0x0  }
0xae: {  	s5 =	sshll.u32 s28, $0x1;
	[dreg:$0x2] =	wrdreg s3  }
0xaf: {  	[dreg:$0x3] =	wrdreg s5  }
0xb0: {  	[dreg:$0x4] =	wrdreg $0xC0  }
0xb1: {  	_ =	task [dreg:s7], $0x5FFFF  }
0xb2: {  	[dreg:$0x1] =	wrdreg $0xFFFFFFFF  }
0xb3: {  	[dreg:$0x0] =	wrdreg $0x60  }
0xb4: {  	[dreg:$0x2] =	wrdreg s24  }
0xb5: {  	[dreg:$0x3] =	wrdreg s16  }
0xb6: {  	[dreg:$0x4] =	wrdreg $0x0  }
0xb7: {  	[dreg:$0x5] =	wrdreg $0x9  }
0xb8: {  	_ =	task.clear_ibuf [dreg:s7], $0x6FFFF;
	_ =	strace $0x9000004C  }
0xb9: {  	s29 =	simm.s32 $0x9;
	_ =	strace $0x8000004E  }
0xba: {  	_ =	swait.ge [sflag:s29], $0x1  }
0xbb: {  	[sflag:s29] =	ssyncadd.s32 $0xFFFFFFFF  }
0xbc: {  	_ =	strace $0x9000004E  }
0xbd: {  	_ =	sfence  }
0xbe: {  	s30 =	sld [smem:$0x0];
	_ =	sdelay $0x2  }
0xbf: {  	s31 =	sshll.u32 s1, $0xD;
	s1 =	sshrl.u32 s1, $0x2  }
0xc0: {  	s3 =	sand.u32 $0x4000, s31;
	s1 =	sadd.s32 s1, s30  }
0xc1: {  	s0 =	sor.u32 s3, s0;
	s1 =	sshll.u32 s1, $0x11  }
0xc2: {  	s0 =	sor.u32 s1, s0  }
0xc3: {  	s0 =	sadd.s32 $0x8F2B, s0  }
0xc4: {  	[sflag:s0] =	ssyncadd.remote.s32 $0x1  }
0xc5: {  	_ =	sfence.sel $0xFFFF  }
0xc6: {  	[dreg:$0x0] =	wrdreg $0xFFFFFFFF;
	(pc) =	sbr.abs _section_cstart, $3  }
0xc7: {  	[dreg:$0x1] =	wrdreg $0xFFFFFFFF  }
0xc8: {  	_ =	task.clear_ibuf [dreg:s7], $0x2FFFF;
	_ =	strace $0x9FFFFFFF  }
0xc9: {  	(tm) =	ssettm $0x7FFFFFFF  }
tec
execute0_lowered:
.L_overlay_start_1:
0x0: {  	(tag) =	ssettag $0x1  }
0x1: {  	s0 =	rddreg [dreg:$0x0]  }
0x2: {  	s2 =	rddreg [dreg:$0x1]  }
0x3: {  	s1 =	rddreg [dreg:$0x2];
	s3 =	simm.s32 $0x0  }
0x4: {  	s22 =	srdreg.scid;
	s13 =	stileid.u32;
	s20 =	simm.s32 $0x80  }
0x5: {  	s21 =	simm.s32 $0x10780;
	s29 =	simm.s32 $0xC500;
	s30 =	simm.s32 $0x10800  }
0x6: {  	s31 =	simm.s32 $0x14800;
	[smem:$0x7FF] =	sst s3;
	s4 =	sadd.s32 $0x64600, s0  }
0x7: {  	s5 =	sadd.s32 $0x33800, s0;
	s3 =	sand.u32 $0x1, s22;
	s12 =	smul.u32 $0x61C00, s13  }
0x8: {  	s6 =	sadd.s32 $0x2800, s0;
	s7 =	sadd.s32 $0x1B000, s0;
	s17 =	smul.u32 $0xC38, s13  }
0x9: {  	s8 =	sadd.s32 $0x2DF600, s0;
	s9 =	sadd.s32 $0x95400, s0;
	s13 =	smul.u32 $0x187, s13  }
0xa: {  	s22 =	simm.s32 $0xC580;
	_ =	strace $0x8000004D;
	s10 =	smul.u32 $0x61C000, s3  }
0xb: {  	s11 =	ssub.s32 $0x2, s3;
	s24 =	sshll.u32 s3, $0x6;
	s26 =	sshll.u32 s3, $0x5  }
0xc: {  	s14 =	sshll.u32 s3, $0x4;
	s23 =	sshrl.u32 s11, $0x1;
	s2 =	sadd.s32 s2, s24  }
0xd: {  	s16 =	sor.u32 $0x14810, s26;
	s28 =	sadd.s32 $0xC00, s17;
	[dreg:$0x4] =	wrdreg s17  }
0xe: {  	s0 =	ssub.s32 s11, s23;
	s10 =	sadd.s32 s12, s10;
	[dreg:$0x5] =	wrdreg s2  }
0xf: {  	s12 =	sor.u32 $0x10800, s26;
	[dreg:$0x8] =	wrdreg s28;
	s25 =	sshrl.u32 s10, $0x3  }
0x10: {  	s23 =	simm.s32 $0x1;
	s0 =	smax.u32 s0, $0x1;
	s2 =	sadd.s32 s9, s25  }
0x11: {  	s26 =	simm.s32 $0xC400;
	[dreg:$0x7] =	wrdreg s0;
	s2 =	sadd.s32 $0xC000, s2  }
0x12: {  	v0 =	vimm.f32 $0.0e+00;
	v1 =	vlaneseq.u32;
	v2 =	vimm.f32 $1.000000000e+00;
	s25 =	simm.s32 $0xC380;
	[dreg:$0x6] =	wrdreg s2;
	s2 =	simm.s32 $0x0  }
.LBB2_1:
0x13: {  	[dreg:$0x9] =	wrdreg s2;
	s0 =	simm.s32 $0x200;
	s2 =	simm.s32 $0x0  }
.LBB2_2:
0x14: {  	p0 =	sne.s32 s0, $0xFE00;
	[tilespmem:s2+$0xC580] =	vst v0;
	s2 =	smov.u32 s0;
	s0 =	sadd.s32 $0x200, s0  }
.Ltmp0:
0x15: {  	(pc) =	sbr.rel @p0 .LBB2_2-.Ltmp0, $2  }
0x16: {  	_ =	sdelay $0x2  }
0x17: {  	s2 =	sshra.s32 s2, $0x2  }
0x18: {  	[tilespmem:s2+$0xC580] =	vst v0;
	s0 =	simm.s32 $0x0;
	s2 =	smov.u32 s17  }
.LBB2_4:
0x19: {  	v3 =	vadd.s32 s2, v1  }
0x1a: {  	vm0 =	vlt.s32 v3, $0xC37F  }
0x1b: {  	s3 =	simm.s32 $0x40;
	s15 =	simm.s32 $0x0;
	s11 =	smov.u32 s2;
	v3 =	vnsel vm0, $0xC37F, v3  }
.LBB2_5:
0x1c: {  	p0 =	sne.s32 s3, $0x1C0  }
0x1d: {  	[tilespmem:s15+$0x10780] =	vst v3;
	s11 =	sadd.s32 $0x10, s11;
	s15 =	smov.u32 s3;
	s3 =	sadd.s32 $0x40, s3  }
.Ltmp1:
0x1e: {  	(pc) =	sbr.rel @p0 .LBB2_5-.Ltmp1, $4  }
0x1f: {  	_ = 	snop  }
0x20: {  	v3 =	vadd.s32 s11, v1  }
0x21: {  	vm0 =	vlt.s32 v3, $0xC37F  }
0x22: {  	s15 =	sshra.s32 s15, $0x2;
	v3 =	vnsel vm0, $0xC37F, v3  }
0x23: {  	s0 =	sadd.s32 $0x1, s0  }
0x24: {  	p0 =	sne.s32 s0, $0x19  }
.Ltmp2:
0x25: {  	[tilespmem:s15+$0x10780] =	vst v3;
	(pc) =	sbr.rel @p0 .LBB2_4-.Ltmp2, $4  }
0x26: {  	[spmem:s1] =	stream.indirect.scatter [tilespmem:s22], [sflag:$0x1], $0x10, s21, s20, $0xb8;
	[tilespmem:$0x18800] =	vst v63  }
0x27: {  	_ =	swait.ge [sflag:s23], $0x800  }
0x28: {  	[sflag:s23] =	ssyncset.done $0x0  }
0x29: {  	s2 =	sadd.s32 $0x80, s2;
	[sflag:s23] =	ssyncadd.s32 $0xFFFFF800  }
0x2a: {  	s3 =	simm.s32 $0x0;
	s0 =	rddreg [dreg:$0x5];
	s2 =	simm.s32 $0x10580  }
0x2b: {  	[tilespmem:s2], [sflag:$0x1] =	stream.linear.gather [hbm4b:s0+s3], $0x180, $0x38;
	[tilespmem:$0x18800] =	vst v63  }
0x2c: {  	_ =	swait.ge [sflag:s23], $0x180  }
0x2d: {  	[sflag:s23] =	ssyncset.done $0x0  }
0x2e: {  	[sflag:s23] =	ssyncadd.s32 $0xFFFFFE80  }
0x2f: {  	[bflag:$0x0] =	sbarrier.arrive $0xFFFF  }
0x30: {  	v3 =	vld [tilespmem:$0x10580]  }
0x31: {  	v4 =	vld [tilespmem:$0x10600];
	_ =	sdelay $0x1  }
0x32: {  	s2 =	simm.s32 $0x0;
	v5 =	vld [tilespmem:$0x10680]  }
.LBB2_8:
0x33: {  	s0 =	sadd.s32 s13, s2  }
0x34: {  	s11 =	sshll.u32 s0, $0x5  }
0x35: {  	s11 =	sor.u32 s14, s11  }
0x36: {  	s15 =	sadd.s32 s4, s11  }
0x37: {  	[tilespmem:s25], [sflag:$0x1] =	stream.linear.gather [hbm4b:s15+s3], $0x80, $0x38;
	[tilespmem:$0x18800] =	vst v63  }
0x38: {  	_ =	swait.ge [sflag:s23], $0x80  }
0x39: {  	[sflag:s23] =	ssyncset.done $0x0  }
0x3a: {  	s11 =	sadd.s32 s5, s11;
	[sflag:s23] =	ssyncadd.s32 $0xFFFFFF80  }
0x3b: {  	[tilespmem:s26], [sflag:$0x1] =	stream.linear.gather [hbm4b:s11+s3], $0x80, $0x38;
	[tilespmem:$0x18800] =	vst v63  }
0x3c: {  	_ =	swait.ge [sflag:s23], $0x80  }
0x3d: {  	s0 =	sshll.u32 s0, $0x4;
	[sflag:s23] =	ssyncset.done $0x0  }
0x3e: {  	s28 =	simm.s32 $0xC480;
	s24 =	sadd.s32 s6, s0;
	[sflag:s23] =	ssyncadd.s32 $0xFFFFFF80  }
0x3f: {  	[tilespmem:s28], [sflag:$0x1] =	stream.linear.gather [hbm4b:s24+s3], $0x80, $0x38;
	[tilespmem:$0x18800] =	vst v63  }
0x40: {  	_ =	swait.ge [sflag:s23], $0x80  }
0x41: {  	[sflag:s23] =	ssyncset.done $0x0  }
0x42: {  	s0 =	sadd.s32 s7, s0;
	[sflag:s23] =	ssyncadd.s32 $0xFFFFFF80  }
0x43: {  	[tilespmem:s29], [sflag:$0x1] =	stream.linear.gather [hbm4b:s0+s3], $0x80, $0x38;
	[tilespmem:$0x18800] =	vst v63  }
0x44: {  	_ =	swait.ge [sflag:s23], $0x80  }
0x45: {  	[sflag:s23] =	ssyncset.done $0x0  }
0x46: {  	[sflag:s23] =	ssyncadd.s32 $0xFFFFFF80  }
0x47: {  	[tilespmem:s30], [sflag:$0x1] =	stream.indirect.gather [hbm4b:s8+s20], $0x80, s25, s20, $0xb8;
	[tilespmem:$0x18800] =	vst v63  }
0x48: {  	_ =	swait.ge [sflag:s23], $0x4000  }
0x49: {  	[sflag:s23] =	ssyncset.done $0x0  }
0x4a: {  	[sflag:s23] =	ssyncadd.s32 $0xFFFFC000  }
0x4b: {  	[tilespmem:s31], [sflag:$0x1] =	stream.indirect.gather [hbm4b:s8+s20], $0x80, s26, s20, $0xb8;
	[tilespmem:$0x18800] =	vst v63  }
0x4c: {  	_ =	swait.ge [sflag:s23], $0x4000  }
0x4d: {  	s18 =	smov.u32 s16;
	s17 =	simm.s32 $0x0;
	[sflag:s23] =	ssyncset.done $0x0  }
0x4e: {  	s15 =	smov.u32 s12;
	s0 =	simm.s32 $0xC580;
	[sflag:s23] =	ssyncadd.s32 $0xFFFFC000  }
.LBB2_9:
0x4f: {  	s11 =	sshll.u32 s17, $0x4  }
0x50: {  	v7 =	vld [tilespmem:s11+$0xC480]  }
0x51: {  	v6 =	vld [tilespmem:s11+$0xC500];
	_ =	sdelay $0x2  }
0x52: {  	s19 =	simm.s32 $0x0  }
0x53: {  	v9 =	vmov s19  }
0x54: {  	v8 =	vperm.xlane v7, v9;
	v10 =	vperm.xlane v6, v9;
	_ =	sdelay $0x1  }
0x55: {  	v12 =	vld [tilespmem:s15+$0x0];
	v8 =	vmul.f32 v8, v3;
	v10 =	vmul.f32 v10, v4  }
0x56: {  	v11 =	vld [tilespmem:s11+$0xC380]  }
0x57: {  	v13 =	vld [tilespmem:s11+$0xC400];
	v8 =	vadd.f32 v10, v8  }
0x58: {  	v10 =	vld [tilespmem:s18+$0x0]  }
0x59: {  	v8 =	vadd.f32 v8, v5;
	_ =	sdelay $0x1  }
0x5a: {  	v12 =	vadd.f32 v8, v12  }
0x5b: {  	vm0 =	veq.s32 v11, v13  }
0x5c: {  	s24 =	simm.s32 $0x1;
	v8 =	vsel vm0, $0x0, v2;
	v10 =	vadd.f32 v12, v10  }
0x5d: {  	v11 =	vmov s24;
	v9 =	vperm.xlane v8, v9  }
0x5e: {  	v13 =	vperm.xlane v6, v11;
	v10 =	vmax.f32 v10, $0.0e+00  }
0x5f: {  	v12 =	vperm.xlane v7, v11;
	v9 =	vmul.f32 v10, v9;
	_ =	sdelay $0x1  }
0x60: {  	s11 =	sadd.s32 $0x80, s15;
	v10 =	vmul.f32 v12, v3;
	v12 =	vmul.f32 v13, v4;
	[tilespmem:s0+$0x0] =	vst v9  }
0x61: {  	v9 =	vld [tilespmem:s11+$0x0]  }
0x62: {  	s19 =	sadd.s32 $0x80, s18;
	v10 =	vadd.f32 v12, v10  }
0x63: {  	v12 =	vld [tilespmem:s19+$0x0]  }
0x64: {  	v10 =	vadd.f32 v10, v5;
	_ =	sdelay $0x1  }
0x65: {  	v9 =	vadd.f32 v10, v9;
	_ =	sdelay $0x1  }
0x66: {  	s24 =	simm.s32 $0x2;
	v12 =	vadd.f32 v9, v12  }
0x67: {  	v11 =	vperm.xlane v8, v11;
	v9 =	vmov s24  }
0x68: {  	s28 =	simm.s32 $0x3;
	s24 =	smov.u32 s0;
	v10 =	vperm.xlane v7, v9;
	v12 =	vmax.f32 v12, $0.0e+00  }
.LBB2_10:
0x69: {  	p0 =	sne.s32 s28, $0xF;
	v13 =	vperm.xlane v6, v9;
	v11 =	vmul.f32 v12, v11  }
0x6a: {  	s24 =	sadd.s32 $0x80, s24  }
0x6b: {  	s11 =	sadd.s32 $0x80, s11;
	v10 =	vmul.f32 v10, v3;
	v12 =	vmul.f32 v13, v4;
	[tilespmem:s24+$0x0] =	vst v11  }
0x6c: {  	v11 =	vld [tilespmem:s11+$0x0]  }
0x6d: {  	s19 =	sadd.s32 $0x80, s19;
	v10 =	vadd.f32 v12, v10  }
0x6e: {  	v12 =	vld [tilespmem:s19+$0x0]  }
0x6f: {  	v10 =	vadd.f32 v10, v5;
	_ =	sdelay $0x1  }
.Ltmp3:
0x70: {  	v10 =	vadd.f32 v10, v11;
	(pc) =	sbr.rel @p0 .LBB2_10-.Ltmp3, $4  }
0x71: {  	_ = 	snop  }
0x72: {  	v12 =	vadd.f32 v10, v12  }
0x73: {  	v11 =	vperm.xlane v8, v9;
	v9 =	vmov s28  }
0x74: {  	s28 =	sadd.s32 $0x1, s28;
	v10 =	vperm.xlane v7, v9;
	v12 =	vmax.f32 v12, $0.0e+00  }
0x75: {  	v6 =	vperm.xlane v6, v9;
	v7 =	vmul.f32 v12, v11  }
0x76: {  	s24 =	sadd.s32 $0x80, s24  }
0x77: {  	s11 =	sadd.s32 $0x80, s11;
	v10 =	vmul.f32 v10, v3;
	v6 =	vmul.f32 v6, v4;
	[tilespmem:s24+$0x0] =	vst v7  }
0x78: {  	v7 =	vld [tilespmem:s11+$0x0]  }
0x79: {  	s19 =	sadd.s32 $0x80, s19;
	v6 =	vadd.f32 v6, v10  }
0x7a: {  	v63 =	vld [tilespmem:s19+$0x0]  }
0x7b: {  	v6 =	vadd.f32 v6, v5;
	_ =	sdelay $0x1  }
0x7c: {  	v6 =	vadd.f32 v6, v7  }
0x7d: {  	s17 =	sadd.s32 $0x1, s17  }
0x7e: {  	p0 =	sne.s32 s17, $0x8;
	v6 =	vadd.f32 v6, v63  }
.Ltmp4:
0x7f: {  	v7 =	vperm.xlane v8, v9;
	(pc) =	sbr.rel @p0 .LBB2_9-.Ltmp4, $4  }
0x80: {  	v6 =	vmax.f32 v6, $0.0e+00  }
0x81: {  	v6 =	vmul.f32 v6, v7  }
0x82: {  	s28 =	sadd.s32 $0x80, s24  }
0x83: {  	s18 =	sadd.s32 $0x800, s18;
	s15 =	sadd.s32 $0x800, s15;
	s0 =	sadd.s32 $0x800, s0;
	[tilespmem:s28+$0x0] =	vst v6  }
0x84: {  	s2 =	sadd.s32 $0x1, s2  }
0x85: {  	p0 =	sne.s32 s2, $0x187  }
.Ltmp5:
0x86: {  	_ = 	snop;
	(pc) =	sbr.rel @p0 .LBB2_8-.Ltmp5, $4  }
0x87: {  	[spmem:s1] =	stream.indirect.scatter.add.f32 [tilespmem:s22], [sflag:$0x1], $0x10, s25, s20, $0xb8;
	[tilespmem:$0x18800] =	vst v63  }
0x88: {  	_ =	swait.ge [sflag:s23], $0x800  }
0x89: {  	[sflag:s23] =	ssyncset.done $0x0  }
0x8a: {  	[sflag:s23] =	ssyncadd.s32 $0xFFFFF800  }
0x8b: {  	[bflag:$0x0] =	sbarrier.arrive $0xFFFF  }
0x8c: {  	s17 =	rddreg [dreg:$0x4]  }
0x8d: {  	s2 =	simm.s32 $0x0;
	s3 =	smov.u32 s17  }
.LBB2_14:
0x8e: {  	v3 =	vadd.s32 s3, v1  }
0x8f: {  	vm0 =	vlt.s32 v3, $0xC37F  }
0x90: {  	s0 =	simm.s32 $0x40;
	s15 =	simm.s32 $0x0;
	s11 =	smov.u32 s3;
	v3 =	vnsel vm0, $0xC37F, v3  }
.LBB2_15:
0x91: {  	p0 =	sne.s32 s0, $0x1C0  }
0x92: {  	[tilespmem:s15+$0x10780] =	vst v3;
	s11 =	sadd.s32 $0x10, s11;
	s15 =	smov.u32 s0;
	s0 =	sadd.s32 $0x40, s0  }
.Ltmp6:
0x93: {  	(pc) =	sbr.rel @p0 .LBB2_15-.Ltmp6, $4  }
0x94: {  	_ = 	snop  }
0x95: {  	v3 =	vadd.s32 s11, v1  }
0x96: {  	vm0 =	vlt.s32 v3, $0xC37F  }
0x97: {  	s15 =	sshra.s32 s15, $0x2;
	v3 =	vnsel vm0, $0xC37F, v3  }
0x98: {  	[tilespmem:s15+$0x10780] =	vst v3;
	s0 =	sshll.u32 s2, $0xE;
	s11 =	simm.s32 $0x0  }
0x99: {  	[tilespmem:s22], [sflag:$0x1] =	stream.indirect.gather [spmem:s1], $0x10, s21, s20, $0xb8;
	[tilespmem:$0x18800] =	vst v63  }
0x9a: {  	s2 =	sadd.s32 $0x1, s2;
	s0 =	sadd.s32 s0, s10;
	_ =	swait.ge [sflag:s23], $0x800  }
0x9b: {  	p0 =	sne.s32 s2, $0x18;
	s0 =	sshrl.u32 s0, $0x3;
	[sflag:s23] =	ssyncset.done $0x0  }
.Ltmp7:
0x9c: {  	s0 =	sadd.s32 s9, s0;
	[sflag:s23] =	ssyncadd.s32 $0xFFFFF800;
	(pc) =	sbr.rel @p0 .LBB2_14-.Ltmp7, $4  }
0x9d: {  	[hbm4b:s0+s11] =	stream.linear.scatter [tilespmem:s22], [sflag:$0x1], $0x4000, $0x38;
	[tilespmem:$0x18800] =	vst v63  }
0x9e: {  	_ =	swait.ge [sflag:s23], $0x4000  }
0x9f: {  	[sflag:s23] =	ssyncset.done $0x0  }
0xa0: {  	s3 =	sadd.s32 $0x80, s3;
	[sflag:s23] =	ssyncadd.s32 $0xFFFFC000  }
0xa1: {  	s2 =	rddreg [dreg:$0x8]  }
0xa2: {  	v3 =	vadd.s32 s2, v1  }
0xa3: {  	vm0 =	vlt.s32 v3, $0xC37F  }
0xa4: {  	s0 =	simm.s32 $0x40;
	s3 =	simm.s32 $0x0;
	v3 =	vnsel vm0, $0xC37F, v3  }
.LBB2_18:
0xa5: {  	p0 =	sne.s32 s0, $0x1C0  }
0xa6: {  	[tilespmem:s3+$0x10780] =	vst v3;
	s2 =	sadd.s32 $0x10, s2;
	s3 =	smov.u32 s0;
	s0 =	sadd.s32 $0x40, s0  }
.Ltmp8:
0xa7: {  	(pc) =	sbr.rel @p0 .LBB2_18-.Ltmp8, $4  }
0xa8: {  	_ = 	snop  }
0xa9: {  	v3 =	vadd.s32 s2, v1  }
0xaa: {  	vm0 =	vlt.s32 v3, $0xC37F  }
0xab: {  	s3 =	sshra.s32 s3, $0x2;
	v3 =	vnsel vm0, $0xC37F, v3  }
0xac: {  	[tilespmem:s3+$0x10780] =	vst v3  }
0xad: {  	[tilespmem:s22], [sflag:$0x1] =	stream.indirect.gather [spmem:s1], $0x10, s21, s20, $0xb8;
	[tilespmem:$0x18800] =	vst v63  }
0xae: {  	_ =	swait.ge [sflag:s23], $0x800  }
0xaf: {  	[sflag:s23] =	ssyncset.done $0x0  }
0xb0: {  	s0 =	simm.s32 $0x0;
	s2 =	rddreg [dreg:$0x6];
	[sflag:s23] =	ssyncadd.s32 $0xFFFFF800  }
0xb1: {  	[hbm4b:s2+s0] =	stream.linear.scatter [tilespmem:s22], [sflag:$0x1], $0x1C00, $0x38;
	[tilespmem:$0x18800] =	vst v63  }
0xb2: {  	_ =	swait.ge [sflag:s23], $0x1C00  }
0xb3: {  	s24 =	rddreg [dreg:$0x9]  }
0xb4: {  	s28 =	rddreg [dreg:$0x7];
	s2 =	sadd.s32 $0x1, s24  }
0xb5: {  	p0 =	sne.s32 s2, s28  }
.Ltmp9:
0xb6: {  	_ = 	snop;
	(pc) =	sbr.rel @p0 .LBB2_1-.Ltmp9, $3  }
0xb7: {  	_ =	sdelay $0x1  }
0xb8: {  	[sflag:s23] =	ssyncset.done $0x0  }
0xb9: {  	[sflag:s23] =	ssyncadd.s32 $0xFFFFE400  }
0xba: {  	_ =	sfence.sel $0x180000  }
0xbb: {  	[bflag:$0x0] =	sbarrier.arrive $0xFFFF  }
0xbc: {  	_ =	strace $0x9000004D  }
0xbd: {  	s0 =	stileid.u32;
	[bflag:$0x2] =	sbarrier.arrive $0xFFFF  }
0xbe: {  	p0 =	sne.s32 s0, $0x0;
	s0 =	rddreg [dreg:$0x3]  }
0xbf: {  	s0 =	sadd.s32 @!p0 $0x100000, s0  }
0xc0: {  	[sflag:s0] =	ssyncadd.tile.s32 @!p0 $0x1;
	_ =	shalt  }
.Lfunc_end2:
_tile_overlayer_lowered:
.L_overlay_start_2:
0xc1: {  	(tag) =	ssettag $0x2  }
0xc2: {  	s0 =	rddreg [dreg:$0x0];
	s2 =	stileid.u32  }
0xc3: {  	s1 =	rddreg [dreg:$0x1];
	p0 =	sne.s32 s2, $0x0  }
0xc4: {  	s3 =	rddreg [dreg:$0x2];
	[bflag:$0x3] =	sbarrier.arrive $0xFFFF;
	s2 =	simm.s32 @!p0 $0x1C01  }
0xc5: {  	[timem:s3], [sflag:s2] =	dma.local @!p0 [hbm:s0], s1  }
0xc6: {  	s0 =	simm.s32 @!p0 $0x1  }
0xc7: {  	_ =	swait.ge @!p0 [sflag:s0], s1  }
0xc8: {  	s1 =	ssub.s32 @!p0 $0x0, s1;
	[sflag:s0] =	ssyncset.done @!p0 $0x0  }
0xc9: {  	[sflag:s0] =	ssyncadd.s32 @!p0 s1  }
0xca: {  	[bflag:$0x3] =	sbarrier.arrive $0xFFFF  }
0xcb: {  	_ =	shalt  }

// kernel: kernel.7.cloned.1.call-start
scs
__scs_entry_jumppad:
0x0: {  	(pc) =	sbr.rel $0x88, $3  }
0x1: {  	(tag) =	ssettag $0x0;
	lr =	simm.s32 $0x1  }
0x2: {  	[smem:$0x3F8A] =	sst lr;
	_ =	strace $0xD0000000  }
0x3: {  	_ = 	snop  }
0x4: {  	_ = 	snop  }
0x5: {  	_ = 	snop  }
0x6: {  	_ = 	snop  }
0x7: {  	_ = 	snop  }
__scs_overlays_trampoline_lowered:
0x8: {  	[smem:$0x3F99] =	sst s0  }
0x9: {  	[smem:$0x3F9A] =	sst s1  }
0xa: {  	[smem:$0x3F9B] =	sst s2  }
0xb: {  	[smem:$0x3F9C] =	sst s3  }
0xc: {  	[smem:$0x3F9D] =	sst s4  }
0xd: {  	[smem:$0x3F9E] =	sst s5  }
0xe: {  	[smem:$0x3F9F] =	sst s6  }
0xf: {  	[smem:$0x3FA0] =	sst s7  }
0x10: {  	[smem:$0x3FA1] =	sst s8  }
0x11: {  	[smem:$0x3FA2] =	sst s9;
	s0 =	simm.s32 @!p0 $0x0  }
0x12: {  	s1 =	sld [smem:$0x3F88];
	s0 =	simm.s32 @p0 $0x1  }
0x13: {  	[smem:$0x3FA3] =	sst s0;
	s0 =	simm.s32 @!p1 $0x0  }
0x14: {  	s2 =	sld [smem:$0x3F87];
	s0 =	simm.s32 @p1 $0x1  }
0x15: {  	[smem:$0x3FA4] =	sst s0;
	s0 =	simm.s32 @!p2 $0x0  }
0x16: {  	s3 =	sld [smem:$0x3FDB];
	s0 =	simm.s32 @p2 $0x1  }
0x17: {  	s4 =	simm.s32 $0x1BF5;
	[smem:$0x3FA6] =	sst s0  }
0x18: {  	s0 =	sld [smem:$0x3F89];
	_ =	swait.ge [sflag:s4], $0x0  }
0x19: {  	s7 =	sld [smem:$0x3F8A]  }
0x1a: {  	s8 =	sadd.s32 $0xFFFFE003, lr  }
0x1b: {  	s9 =	sadd.s32 $0xFFFFFEF7, lr;
	s5 =	simm.s32 $0xFFFFFFFF;
	p2 =	slt.u32 s8, $0xFFFFF086  }
0x1c: {  	p1 =	slt.u32 s9, $0xF7A;
	s5 =	simm.s32 @!p2 $0x0  }
0x1d: {  	s5 =	simm.s32 @p1 $0x1;
	p0 =	seq.s32 s7, s2  }
0x1e: {  	s7 =	smul.u32 @!p0 $0xF7A, s2;
	p2 =	seq.s32 @!p0 s5, $0x0  }
0x1f: {  	s9 =	smul.u32 $0xF7A, s1;
	s8 =	simm.s32 @!p0 $0x1BF5;
	p2 =	por !p2, p0  }
0x20: {  	[sflag:s8] =	ssyncset.s32 @!p0 $0xFFFFF086;
	s6 =	sadd.s32 @!p0 s3, s7;
	s7 =	simm.s32 @!p0 $0x108  }
0x21: {  	s3 =	sadd.s32 s3, s9;
	s6 =	sadd.s32 @!p0 $0x88, s6;
	s7 =	simm.s32 @p2 $0x1082  }
0x22: {  	[simem:s7], [sflag:s8] =	dma.local @!p0 [hbm:s6], $0xF7A  }
0x23: {  	s9 =	sor.u32 $0xD0000000, s2;
	s6 =	simm.s32 $0x108;
	_ =	swait.ge @!p0 [sflag:s8], $0x0  }
0x24: {  	s3 =	sadd.s32 $0x88, s3;
	s6 =	simm.s32 @!p1 $0x1082;
	[sflag:s4] =	ssyncset.s32 $0xFFFFF086  }
0x25: {  	[simem:s6], [sflag:s4] =	dma.local [hbm:s3], $0xF7A  }
0x26: {  	[smem:$0x3F8A] =	sst s1;
	(tag) =	ssettag s2;
	_ =	strace s9  }
0x27: {  	s1 =	sld [smem:$0x3F9A]  }
0x28: {  	s2 =	sld [smem:$0x3F9B]  }
0x29: {  	s4 =	sld [smem:$0x3F9D]  }
0x2a: {  	p0 =	seq.s32 s5, $0x0;
	s5 =	sld [smem:$0x3F9E]  }
0x2b: {  	s6 =	sld [smem:$0x3F9F]  }
0x2c: {  	s7 =	sld [smem:$0x3FA0]  }
0x2d: {  	s3 =	simm.s32 $0x108;
	s8 =	sld [smem:$0x3FA1]  }
0x2e: {  	s3 =	simm.s32 @!p0 $0x1082;
	s9 =	sld [smem:$0x3FA2]  }
0x2f: {  	lr =	sadd.s32 s0, s3;
	s0 =	sld [smem:$0x3F99]  }
0x30: {  	s3 =	sld [smem:$0x3F9C]  }
0x31: {  	[smem:$0x3FA5] =	sst s10  }
0x32: {  	s10 =	sld [smem:$0x3FA3];
	_ =	sdelay $0x3  }
0x33: {  	p0 =	seq.s32 s10, $0x1;
	s10 =	sld [smem:$0x3FA5];
	_ =	sdelay $0x3  }
0x34: {  	[smem:$0x3FA5] =	sst s10  }
0x35: {  	s10 =	sld [smem:$0x3FA4];
	_ =	sdelay $0x3  }
0x36: {  	p1 =	seq.s32 s10, $0x1;
	s10 =	sld [smem:$0x3FA5];
	_ =	sdelay $0x3  }
0x37: {  	[smem:$0x3FA5] =	sst s10  }
0x38: {  	s10 =	sld [smem:$0x3FA6]  }
0x39: {  	_ = 	snop;
	(pc) =	sbr.ind lr, $3  }
0x3a: {  	_ = 	snop  }
0x3b: {  	_ = 	snop  }
0x3c: {  	p2 =	seq.s32 s10, $0x1;
	s10 =	sld [smem:$0x3FA5]  }
0x3d: {  	_ =	shalt  }
0x3e: {  	_ =	shalt  }
0x3f: {  	_ =	shalt  }
0x40: {  	_ =	shalt  }
0x41: {  	_ =	shalt  }
0x42: {  	_ =	shalt  }
0x43: {  	_ =	shalt  }
0x44: {  	_ =	shalt  }
0x45: {  	_ =	shalt  }
0x46: {  	_ =	shalt  }
0x47: {  	_ =	shalt  }
0x48: {  	_ =	shalt  }
0x49: {  	_ =	shalt  }
0x4a: {  	_ =	shalt  }
0x4b: {  	_ =	shalt  }
0x4c: {  	_ =	shalt  }
0x4d: {  	_ =	shalt  }
0x4e: {  	_ =	shalt  }
0x4f: {  	_ =	shalt  }
0x50: {  	_ =	shalt  }
0x51: {  	_ =	shalt  }
0x52: {  	_ =	shalt  }
0x53: {  	_ =	shalt  }
0x54: {  	_ =	shalt  }
0x55: {  	_ =	shalt  }
0x56: {  	_ =	shalt  }
0x57: {  	_ =	shalt  }
0x58: {  	_ =	shalt  }
0x59: {  	_ =	shalt  }
0x5a: {  	_ =	shalt  }
0x5b: {  	_ =	shalt  }
0x5c: {  	_ =	shalt  }
0x5d: {  	_ =	shalt  }
0x5e: {  	_ =	shalt  }
0x5f: {  	_ =	shalt  }
0x60: {  	_ =	shalt  }
0x61: {  	_ =	shalt  }
0x62: {  	_ =	shalt  }
0x63: {  	_ =	shalt  }
0x64: {  	_ =	shalt  }
0x65: {  	_ =	shalt  }
0x66: {  	_ =	shalt  }
0x67: {  	_ =	shalt  }
0x68: {  	_ =	shalt  }
0x69: {  	_ =	shalt  }
0x6a: {  	_ =	shalt  }
0x6b: {  	_ =	shalt  }
0x6c: {  	_ =	shalt  }
0x6d: {  	_ =	shalt  }
0x6e: {  	_ =	shalt  }
0x6f: {  	_ =	shalt  }
0x70: {  	_ =	shalt  }
0x71: {  	_ =	shalt  }
0x72: {  	_ =	shalt  }
0x73: {  	_ =	shalt  }
0x74: {  	_ =	shalt  }
0x75: {  	_ =	shalt  }
0x76: {  	_ =	shalt  }
0x77: {  	_ =	shalt  }
0x78: {  	_ =	shalt  }
0x79: {  	_ =	shalt  }
0x7a: {  	_ =	shalt  }
0x7b: {  	_ =	shalt  }
0x7c: {  	_ =	shalt  }
0x7d: {  	_ =	shalt  }
0x7e: {  	_ =	shalt  }
0x7f: {  	_ =	shalt  }
0x80: {  	_ =	shalt  }
0x81: {  	_ =	shalt  }
0x82: {  	_ =	shalt  }
0x83: {  	_ =	shalt  }
0x84: {  	_ =	shalt  }
0x85: {  	_ =	shalt  }
0x86: {  	_ =	shalt  }
0x87: {  	_ =	shalt  }
.Lfunc_end0:
.L_simem_size_0:
called_computation_lowered:
.L_overlay_start_0:
0x88: {  	s2 =	sld [smem:$0x3FD9]  }
0x89: {  	s3 =	sld [smem:$0x3FFE];
	_ =	sdelay $0x1  }
0x8a: {  	s1 =	srdreg.scid  }
0x8b: {  	s0 =	sand.u32 $0x1, s1  }
0x8c: {  	s15 =	sshll.u32 s0, $0xA;
	s2 =	sadd.s32 s3, s2  }
0x8d: {  	s2 =	sadd.s32 s2, s15  }
0x8e: {  	[smem:$0x3FB1] =	sst s2  }
0x8f: {  	_ = 	snop  }
0x90: {  	s2 =	sld [smem:$0x3FD0];
	_ =	sdelay $0x2  }
0x91: {  	s16 =	simm.s32 $0xB;
	s4 =	simm.s32 $0x10  }
0x92: {  	[smem:s4], [sflag:s16] =	dma.local [hbm:s2], $0x1  }
0x93: {  	_ =	swait.eq [sflag:s16], $0x1  }
0x94: {  	[sflag:s16] =	ssyncset.done $0x0  }
0x95: {  	[sflag:s16] =	ssyncadd.s32 $0xFFFFFFFF  }
0x96: {  	s17 =	sld [smem:$0x10];
	(tm) =	ssettm $0x1  }
0x97: {  	s18 =	sld [smem:$0x3FFB];
	_ =	sdelay $0x3  }
0x98: {  	_ =	strace s18  }
0x99: {  	s2 =	sld [smem:$0x3FFC];
	_ =	sdelay $0x3  }
0x9a: {  	_ =	strace s2  }
0x9b: {  	s2 =	sld [smem:$0x3FFD];
	_ =	sdelay $0x3  }
0x9c: {  	_ =	strace s2  }
0x9d: {  	_ =	strace $0x8FFFFFFF  }
0x9e: {  	s19 =	sld [smem:$0x3FDB];
	_ =	sdelay $0x1  }
0x9f: {  	s20 =	simm.s32 $_scs_section_size  }
0xa0: {  	s5 =	simm.s32 $_size__tile_overlayer_lowered;
	s6 =	simm.s32 $_tile_overlayer_lowered  }
0xa1: {  	s7 =	simm.s32 $0x1BFF;
	s21 =	sshll.u32 s6, $0x1;
	s4 =	sadd.s32 s20, s19  }
0xa2: {  	s22 =	simm.s32 $0x0;
	s5 =	sshll.u32 s5, $0x1;
	s6 =	sadd.s32 s21, s4  }
0xa3: {  	[timem:s22], [sflag:s7] =	dma.local [hbm:s6], s5  }
0xa4: {  	_ =	swait.ge [sflag:s7], s5  }
0xa5: {  	s5 =	ssub.s32 $0x0, s5;
	[sflag:s7] =	ssyncset.done $0x0  }
0xa6: {  	[sflag:s7] =	ssyncadd.s32 s5;
	_ =	sdelay $0x1  }
0xa7: {  	s23 =	simm.s32 $0x1B8B  }
0xa8: {  	_ =	swait.ge [sflag:s23], $0x1  }
0xa9: {  	[sflag:s23] =	ssyncset.done $0x0  }
0xaa: {  	[sflag:s23] =	ssyncadd.s32 $0xFFFFFFFF  }
0xab: {  	s5 =	sld [smem:$0x0]  }
0xac: {  	s6 =	sand.u32 $0xFFFFFFFE, s1  }
0xad: {  	p0 =	sne.s32 s1, s6  }
0xae: {  	s6 =	sshll.u32 @p0 s6, $0xE  }
0xaf: {  	s6 =	sadd.s32 @p0 $0x11B8D, s6;
	s7 =	sshll.u32 @p0 s5, $0x11  }
0xb0: {  	s6 =	sor.u32 @p0 s7, s6  }
0xb1: {  	[sflag:s6] =	ssyncadd.remote.s32 @p0 $0x1;
	_ =	sdelay $0x1  }
0xb2: {  	s6 =	simm.s32 @p0 $0x1B8D  }
0xb3: {  	_ =	swait.eq @p0 [sflag:s6], $0x1  }
0xb4: {  	[sflag:s6] =	ssyncadd.s32 @p0 $0xFFFFFFFF  }
0xb5: {  	s7 =	sshll.u32 @!p0 s1, $0xE  }
0xb6: {  	s7 =	sor.u32 @!p0 $0x4000, s7;
	s6 =	simm.s32 @!p0 $0x1B8D  }
0xb7: {  	s5 =	sshll.u32 @!p0 s5, $0x11;
	s7 =	sadd.s32 @!p0 $0x11B8D, s7;
	_ =	swait.eq @!p0 [sflag:s6], $0x1  }
0xb8: {  	s5 =	sor.u32 @!p0 s5, s7;
	[sflag:s6] =	ssyncadd.s32 @!p0 $0xFFFFFFFF  }
0xb9: {  	s25 =	simm.s32 $0x1B8E;
	s24 =	sld [smem:$0x3FFE];
	[sflag:s5] =	ssyncadd.remote.s32 @!p0 $0x1  }
0xba: {  	s26 =	simm.s32 $execute0_lowered;
	[smem:$0x3FD2] =	sst s25  }
0xbb: {  	s6 =	sshll.u32 s26, $0x1;
	_ =	strace $0x80000049;
	[dreg:$0x1] =	wrdreg $0xFFFFFFFF  }
0xbc: {  	s28 =	simm.s32 $_size_execute0_lowered;
	s4 =	sadd.s32 s4, s6;
	[dreg:$0x0] =	wrdreg $0x0  }
0xbd: {  	s6 =	sshll.u32 s28, $0x1;
	[dreg:$0x2] =	wrdreg s4  }
0xbe: {  	[dreg:$0x3] =	wrdreg s6  }
0xbf: {  	[dreg:$0x4] =	wrdreg $0xC0  }
0xc0: {  	_ =	task [dreg:s22], $0x5FFFF  }
0xc1: {  	[dreg:$0x1] =	wrdreg $0xFFFFFFFF  }
0xc2: {  	[dreg:$0x0] =	wrdreg $0x60  }
0xc3: {  	[dreg:$0x2] =	wrdreg s24  }
0xc4: {  	[dreg:$0x3] =	wrdreg s17  }
0xc5: {  	[dreg:$0x4] =	wrdreg $0x0  }
0xc6: {  	[dreg:$0x5] =	wrdreg $0x9  }
0xc7: {  	_ =	task.clear_ibuf [dreg:s22], $0x6FFFF;
	_ =	strace $0x90000049  }
0xc8: {  	s29 =	simm.s32 $0x9;
	_ =	strace $0x8000004B  }
0xc9: {  	_ =	swait.ge [sflag:s29], $0x1  }
0xca: {  	[sflag:s29] =	ssyncadd.s32 $0xFFFFFFFF  }
0xcb: {  	_ =	strace $0x9000004B  }
0xcc: {  	_ =	sfence  }
0xcd: {  	s30 =	sld [smem:$0x0];
	_ =	sdelay $0x2  }
0xce: {  	s31 =	sshll.u32 s1, $0xD;
	s1 =	sshrl.u32 s1, $0x2  }
0xcf: {  	s4 =	sand.u32 $0x4000, s31;
	s1 =	sadd.s32 s1, s30  }
0xd0: {  	s0 =	sor.u32 s4, s0;
	s1 =	sshll.u32 s1, $0x11  }
0xd1: {  	s0 =	sor.u32 s1, s0  }
0xd2: {  	s0 =	sadd.s32 $0x8F2B, s0  }
0xd3: {  	[sflag:s0] =	ssyncadd.remote.s32 $0x1  }
0xd4: {  	_ =	sfence.sel $0xFFFF  }
0xd5: {  	[dreg:$0x0] =	wrdreg $0xFFFFFFFF;
	(pc) =	sbr.abs _section_cstart, $3  }
0xd6: {  	[dreg:$0x1] =	wrdreg $0xFFFFFFFF  }
0xd7: {  	_ =	task.clear_ibuf [dreg:s22], $0x2FFFF;
	_ =	strace $0x9FFFFFFF  }
0xd8: {  	(tm) =	ssettm $0x7FFFFFFF  }
0xd9: {  	_ =	shalt  }
tec
execute0_lowered:
.L_overlay_start_1:
0x0: {  	(tag) =	ssettag $0x1  }
0x1: {  	s0 =	rddreg [dreg:$0x0]  }
0x2: {  	s3 =	rddreg [dreg:$0x1]  }
0x3: {  	s1 =	rddreg [dreg:$0x2];
	s2 =	simm.s32 $0x0  }
0x4: {  	s6 =	srdreg.scid;
	s14 =	stileid.u32;
	s17 =	simm.s32 $0x80  }
0x5: {  	s18 =	simm.s32 $0x10780;
	s19 =	simm.s32 $0xC580;
	s20 =	simm.s32 $0x1  }
0x6: {  	s21 =	simm.s32 $0x10580;
	s22 =	simm.s32 $0xC380;
	s23 =	simm.s32 $0xC400  }
0x7: {  	s24 =	simm.s32 $0xC480;
	s25 =	simm.s32 $0xC500;
	s26 =	simm.s32 $0x0  }
0x8: {  	[smem:$0x7FF] =	sst s2;
	s4 =	sadd.s32 $0x64600, s0;
	s5 =	sadd.s32 $0x33800, s0  }
0x9: {  	s13 =	sand.u32 $0x1, s6;
	s6 =	sadd.s32 $0x2800, s0;
	s12 =	smul.u32 $0x61C00, s14  }
0xa: {  	s7 =	sadd.s32 $0x1B000, s0;
	s8 =	sadd.s32 $0x21C400, s0;
	s10 =	smul.u32 $0x61C000, s13  }
0xb: {  	_ =	strace $0x8000004A;
	s9 =	ssub.s32 $0x2, s13;
	s30 =	sshll.u32 s13, $0x6  }
0xc: {  	s13 =	sshll.u32 s13, $0x4;
	s11 =	sshrl.u32 s9, $0x1;
	s10 =	sadd.s32 s12, s10  }
0xd: {  	s29 =	ssub.s32 s9, s11;
	s9 =	smul.u32 $0xC38, s14;
	s31 =	sshrl.u32 s10, $0x3  }
0xe: {  	s11 =	sadd.s32 s3, s30;
	s12 =	smul.u32 $0x187, s14;
	s3 =	sadd.s32 s8, s31  }
0xf: {  	v0 =	vimm.f32 $0.0e+00;
	v1 =	vlaneseq.u32;
	v2 =	vimm.f32 $1.000000000e+00;
	s16 =	smax.u32 s29, $0x1;
	s14 =	sadd.s32 $0xC00, s9;
	s15 =	sadd.s32 $0xC000, s3  }
.LBB2_1:
0x10: {  	s0 =	simm.s32 $0x200;
	s3 =	simm.s32 $0x0  }
.LBB2_2:
0x11: {  	p0 =	sne.s32 s0, $0xFE00;
	[tilespmem:s3+$0xC580] =	vst v0;
	s3 =	smov.u32 s0;
	s0 =	sadd.s32 $0x200, s0  }
.Ltmp0:
0x12: {  	(pc) =	sbr.rel @p0 .LBB2_2-.Ltmp0, $2  }
0x13: {  	_ =	sdelay $0x2  }
0x14: {  	s3 =	sshra.s32 s3, $0x2  }
0x15: {  	[tilespmem:s3+$0xC580] =	vst v0;
	s28 =	simm.s32 $0x0;
	s29 =	smov.u32 s9  }
.LBB2_4:
0x16: {  	v3 =	vadd.s32 s29, v1  }
0x17: {  	vm0 =	vlt.s32 v3, $0xC37F  }
0x18: {  	s0 =	simm.s32 $0x40;
	s30 =	simm.s32 $0x0;
	s3 =	smov.u32 s29;
	v3 =	vnsel vm0, $0xC37F, v3  }
.LBB2_5:
0x19: {  	p0 =	sne.s32 s0, $0x1C0  }
0x1a: {  	[tilespmem:s30+$0x10780] =	vst v3;
	s3 =	sadd.s32 $0x10, s3;
	s30 =	smov.u32 s0;
	s0 =	sadd.s32 $0x40, s0  }
.Ltmp1:
0x1b: {  	(pc) =	sbr.rel @p0 .LBB2_5-.Ltmp1, $4  }
0x1c: {  	_ = 	snop  }
0x1d: {  	v3 =	vadd.s32 s3, v1  }
0x1e: {  	vm0 =	vlt.s32 v3, $0xC37F  }
0x1f: {  	s30 =	sshra.s32 s30, $0x2;
	v3 =	vnsel vm0, $0xC37F, v3  }
0x20: {  	s28 =	sadd.s32 $0x1, s28  }
0x21: {  	p0 =	sne.s32 s28, $0x19  }
.Ltmp2:
0x22: {  	[tilespmem:s30+$0x10780] =	vst v3;
	(pc) =	sbr.rel @p0 .LBB2_4-.Ltmp2, $4  }
0x23: {  	[spmem:s1] =	stream.indirect.scatter [tilespmem:s19], [sflag:$0x1], $0x10, s18, s17, $0xb8;
	[tilespmem:$0x10800] =	vst v63  }
0x24: {  	_ =	swait.ge [sflag:s20], $0x800  }
0x25: {  	[sflag:s20] =	ssyncset.done $0x0  }
0x26: {  	s29 =	sadd.s32 $0x80, s29;
	[sflag:s20] =	ssyncadd.s32 $0xFFFFF800  }
0x27: {  	s28 =	simm.s32 $0x0  }
0x28: {  	[tilespmem:s21], [sflag:$0x1] =	stream.linear.gather [hbm4b:s11+s28], $0x180, $0x38;
	[tilespmem:$0x10800] =	vst v63  }
0x29: {  	_ =	swait.ge [sflag:s20], $0x180  }
0x2a: {  	[sflag:s20] =	ssyncset.done $0x0  }
0x2b: {  	[sflag:s20] =	ssyncadd.s32 $0xFFFFFE80  }
0x2c: {  	[bflag:$0x0] =	sbarrier.arrive $0xFFFF  }
0x2d: {  	v5 =	vld [tilespmem:$0x10680]  }
0x2e: {  	v3 =	vld [tilespmem:$0x10580]  }
0x2f: {  	v4 =	vld [tilespmem:$0x10600]  }
0x30: {  	s29 =	simm.s32 $0x0  }
.LBB2_8:
0x31: {  	s0 =	sadd.s32 s12, s29  }
0x32: {  	s3 =	sshll.u32 s0, $0x5  }
0x33: {  	s3 =	sor.u32 s13, s3  }
0x34: {  	s30 =	sadd.s32 s4, s3  }
0x35: {  	[tilespmem:s22], [sflag:$0x1] =	stream.linear.gather [hbm4b:s30+s28], $0x80, $0x38;
	[tilespmem:$0x10800] =	vst v63  }
0x36: {  	_ =	swait.ge [sflag:s20], $0x80  }
0x37: {  	[sflag:s20] =	ssyncset.done $0x0  }
0x38: {  	s3 =	sadd.s32 s5, s3;
	[sflag:s20] =	ssyncadd.s32 $0xFFFFFF80  }
0x39: {  	[tilespmem:s23], [sflag:$0x1] =	stream.linear.gather [hbm4b:s3+s28], $0x80, $0x38;
	[tilespmem:$0x10800] =	vst v63  }
0x3a: {  	_ =	swait.ge [sflag:s20], $0x80  }
0x3b: {  	s0 =	sshll.u32 s0, $0x4;
	[sflag:s20] =	ssyncset.done $0x0  }
0x3c: {  	s30 =	sadd.s32 s6, s0;
	[sflag:s20] =	ssyncadd.s32 $0xFFFFFF80  }
0x3d: {  	[tilespmem:s24], [sflag:$0x1] =	stream.linear.gather [hbm4b:s30+s28], $0x80, $0x38;
	[tilespmem:$0x10800] =	vst v63  }
0x3e: {  	_ =	swait.ge [sflag:s20], $0x80  }
0x3f: {  	[sflag:s20] =	ssyncset.done $0x0  }
0x40: {  	s0 =	sadd.s32 s7, s0;
	[sflag:s20] =	ssyncadd.s32 $0xFFFFFF80  }
0x41: {  	[tilespmem:s25], [sflag:$0x1] =	stream.linear.gather [hbm4b:s0+s28], $0x80, $0x38;
	[tilespmem:$0x10800] =	vst v63  }
0x42: {  	_ =	swait.ge [sflag:s20], $0x80  }
0x43: {  	[sflag:s20] =	ssyncset.done $0x0  }
0x44: {  	s31 =	simm.s32 $0x0;
	s0 =	simm.s32 $0xC580;
	[sflag:s20] =	ssyncadd.s32 $0xFFFFFF80  }
.LBB2_9:
0x45: {  	s3 =	sshll.u32 s31, $0x4  }
0x46: {  	v6 =	vld [tilespmem:s3+$0xC480]  }
0x47: {  	v7 =	vld [tilespmem:s3+$0xC500];
	_ =	sdelay $0x2  }
0x48: {  	s30 =	simm.s32 $0x0;
	v8 =	vld [tilespmem:s3+$0xC380]  }
0x49: {  	v9 =	vld [tilespmem:s3+$0xC400];
	v10 =	vmov s30  }
0x4a: {  	v11 =	vperm.xlane v6, v10;
	v12 =	vperm.xlane v7, v10;
	_ =	sdelay $0x1  }
0x4b: {  	v11 =	vmul.f32 v11, v3;
	v12 =	vmul.f32 v12, v4;
	_ =	sdelay $0x1  }
0x4c: {  	s3 =	simm.s32 $0x1;
	vm0 =	veq.s32 v8, v9;
	v11 =	vadd.f32 v12, v11  }
0x4d: {  	v8 =	vmov s3;
	v9 =	vsel vm0, $0x0, v2  }
0x4e: {  	v63 =	vperm.xlane v6, v8;
	v13 =	vperm.xlane v7, v8;
	v11 =	vadd.f32 v11, v5  }
0x4f: {  	v10 =	vperm.xlane v9, v10  }
0x50: {  	v13 =	vmul.f32 v13, v4;
	v12 =	vmul.f32 v63, v3;
	v11 =	vmax.f32 v11, $0.0e+00  }
0x51: {  	v10 =	vmul.f32 v11, v10  }
0x52: {  	s30 =	smov.u32 s0;
	s3 =	simm.s32 $0x2;
	v11 =	vadd.f32 v13, v12  }
.LBB2_10:
0x53: {  	v12 =	vmov s3;
	p0 =	sne.s32 s3, $0xF;
	s3 =	sadd.s32 $0x1, s3;
	[tilespmem:s30+$0x0] =	vst v10  }
.Ltmp3:
0x54: {  	v10 =	vperm.xlane v6, v12;
	v13 =	vperm.xlane v7, v12;
	v11 =	vadd.f32 v11, v5;
	(pc) =	sbr.rel @p0 .LBB2_10-.Ltmp3, $4  }
0x55: {  	v14 =	vperm.xlane v9, v8;
	v8 =	vmov v12  }
0x56: {  	v12 =	vmul.f32 v10, v3;
	v13 =	vmul.f32 v13, v4;
	v10 =	vmax.f32 v11, $0.0e+00  }
0x57: {  	v10 =	vmul.f32 v10, v14  }
0x58: {  	s30 =	sadd.s32 $0x80, s30;
	v11 =	vadd.f32 v13, v12  }
0x59: {  	s31 =	sadd.s32 $0x1, s31  }
0x5a: {  	v6 =	vadd.f32 v11, v5;
	p0 =	sne.s32 s31, $0x8  }
.Ltmp4:
0x5b: {  	v7 =	vperm.xlane v9, v8;
	(pc) =	sbr.rel @p0 .LBB2_9-.Ltmp4, $4  }
0x5c: {  	v6 =	vmax.f32 v6, $0.0e+00  }
0x5d: {  	v6 =	vmul.f32 v6, v7  }
0x5e: {  	[tilespmem:s30+$0x0] =	vst v10;
	s3 =	sadd.s32 $0x80, s30  }
0x5f: {  	s0 =	sadd.s32 $0x800, s0;
	[tilespmem:s3+$0x0] =	vst v6  }
0x60: {  	s29 =	sadd.s32 $0x1, s29  }
0x61: {  	p0 =	sne.s32 s29, $0x187  }
.Ltmp5:
0x62: {  	_ = 	snop;
	(pc) =	sbr.rel @p0 .LBB2_8-.Ltmp5, $4  }
0x63: {  	[spmem:s1] =	stream.indirect.scatter.add.f32 [tilespmem:s19], [sflag:$0x1], $0x10, s22, s17, $0xb8;
	[tilespmem:$0x10800] =	vst v63  }
0x64: {  	_ =	swait.ge [sflag:s20], $0x800  }
0x65: {  	[sflag:s20] =	ssyncset.done $0x0  }
0x66: {  	[sflag:s20] =	ssyncadd.s32 $0xFFFFF800  }
0x67: {  	[bflag:$0x0] =	sbarrier.arrive $0xFFFF;
	s28 =	simm.s32 $0x0;
	s29 =	smov.u32 s9  }
.LBB2_14:
0x68: {  	v3 =	vadd.s32 s29, v1  }
0x69: {  	vm0 =	vlt.s32 v3, $0xC37F  }
0x6a: {  	s0 =	simm.s32 $0x40;
	s30 =	simm.s32 $0x0;
	s3 =	smov.u32 s29;
	v3 =	vnsel vm0, $0xC37F, v3  }
.LBB2_15:
0x6b: {  	p0 =	sne.s32 s0, $0x1C0  }
0x6c: {  	[tilespmem:s30+$0x10780] =	vst v3;
	s3 =	sadd.s32 $0x10, s3;
	s30 =	smov.u32 s0;
	s0 =	sadd.s32 $0x40, s0  }
.Ltmp6:
0x6d: {  	(pc) =	sbr.rel @p0 .LBB2_15-.Ltmp6, $4  }
0x6e: {  	_ = 	snop  }
0x6f: {  	v3 =	vadd.s32 s3, v1  }
0x70: {  	vm0 =	vlt.s32 v3, $0xC37F  }
0x71: {  	s30 =	sshra.s32 s30, $0x2;
	v3 =	vnsel vm0, $0xC37F, v3  }
0x72: {  	[tilespmem:s30+$0x10780] =	vst v3;
	s0 =	sshll.u32 s28, $0xE;
	s3 =	simm.s32 $0x0  }
0x73: {  	[tilespmem:s19], [sflag:$0x1] =	stream.indirect.gather [spmem:s1], $0x10, s18, s17, $0xb8;
	[tilespmem:$0x10800] =	vst v63  }
0x74: {  	s28 =	sadd.s32 $0x1, s28;
	s0 =	sadd.s32 s0, s10;
	_ =	swait.ge [sflag:s20], $0x800  }
0x75: {  	p0 =	sne.s32 s28, $0x18;
	s0 =	sshrl.u32 s0, $0x3;
	[sflag:s20] =	ssyncset.done $0x0  }
.Ltmp7:
0x76: {  	s0 =	sadd.s32 s8, s0;
	[sflag:s20] =	ssyncadd.s32 $0xFFFFF800;
	(pc) =	sbr.rel @p0 .LBB2_14-.Ltmp7, $4  }
0x77: {  	[hbm4b:s0+s3] =	stream.linear.scatter [tilespmem:s19], [sflag:$0x1], $0x4000, $0x38;
	[tilespmem:$0x10800] =	vst v63  }
0x78: {  	_ =	swait.ge [sflag:s20], $0x4000  }
0x79: {  	[sflag:s20] =	ssyncset.done $0x0  }
0x7a: {  	s29 =	sadd.s32 $0x80, s29;
	[sflag:s20] =	ssyncadd.s32 $0xFFFFC000  }
0x7b: {  	v3 =	vadd.s32 s14, v1  }
0x7c: {  	vm0 =	vlt.s32 v3, $0xC37F  }
0x7d: {  	s0 =	simm.s32 $0x40;
	s28 =	simm.s32 $0x0;
	s3 =	smov.u32 s14;
	v3 =	vnsel vm0, $0xC37F, v3  }
.LBB2_18:
0x7e: {  	p0 =	sne.s32 s0, $0x1C0  }
0x7f: {  	[tilespmem:s28+$0x10780] =	vst v3;
	s3 =	sadd.s32 $0x10, s3;
	s28 =	smov.u32 s0;
	s0 =	sadd.s32 $0x40, s0  }
.Ltmp8:
0x80: {  	(pc) =	sbr.rel @p0 .LBB2_18-.Ltmp8, $4  }
0x81: {  	_ = 	snop  }
0x82: {  	v3 =	vadd.s32 s3, v1  }
0x83: {  	vm0 =	vlt.s32 v3, $0xC37F  }
0x84: {  	s28 =	sshra.s32 s28, $0x2;
	v3 =	vnsel vm0, $0xC37F, v3  }
0x85: {  	[tilespmem:s28+$0x10780] =	vst v3  }
0x86: {  	[tilespmem:s19], [sflag:$0x1] =	stream.indirect.gather [spmem:s1], $0x10, s18, s17, $0xb8;
	[tilespmem:$0x10800] =	vst v63  }
0x87: {  	s26 =	sadd.s32 $0x1, s26;
	_ =	swait.ge [sflag:s20], $0x800  }
0x88: {  	p0 =	sne.s32 s26, s16;
	[sflag:s20] =	ssyncset.done $0x0  }
.Ltmp9:
0x89: {  	[sflag:s20] =	ssyncadd.s32 $0xFFFFF800;
	(pc) =	sbr.rel @p0 .LBB2_1-.Ltmp9, $4  }
0x8a: {  	[hbm4b:s15+s2] =	stream.linear.scatter [tilespmem:s19], [sflag:$0x1], $0x1C00, $0x38;
	[tilespmem:$0x10800] =	vst v63  }
0x8b: {  	_ =	swait.ge [sflag:s20], $0x1C00  }
0x8c: {  	[sflag:s20] =	ssyncset.done $0x0  }
0x8d: {  	[sflag:s20] =	ssyncadd.s32 $0xFFFFE400  }
0x8e: {  	_ =	sfence.sel $0x180000  }
0x8f: {  	[bflag:$0x0] =	sbarrier.arrive $0xFFFF  }
0x90: {  	_ =	strace $0x9000004A  }
0x91: {  	s0 =	stileid.u32;
	[bflag:$0x2] =	sbarrier.arrive $0xFFFF  }
0x92: {  	p0 =	sne.s32 s0, $0x0;
	s0 =	rddreg [dreg:$0x3]  }
0x93: {  	s0 =	sadd.s32 @!p0 $0x100000, s0  }
0x94: {  	[sflag:s0] =	ssyncadd.tile.s32 @!p0 $0x1;
	_ =	shalt  }
.Lfunc_end2:
_tile_overlayer_lowered:
.L_overlay_start_2:
0x95: {  	(tag) =	ssettag $0x2  }
0x96: {  	s0 =	rddreg [dreg:$0x0];
	s2 =	stileid.u32  }
0x97: {  	s1 =	rddreg [dreg:$0x1];
	p0 =	sne.s32 s2, $0x0  }
0x98: {  	s3 =	rddreg [dreg:$0x2];
	[bflag:$0x3] =	sbarrier.arrive $0xFFFF;
	s2 =	simm.s32 @!p0 $0x1C01  }
0x99: {  	[timem:s3], [sflag:s2] =	dma.local @!p0 [hbm:s0], s1  }
0x9a: {  	s0 =	simm.s32 @!p0 $0x1  }
0x9b: {  	_ =	swait.ge @!p0 [sflag:s0], s1  }
0x9c: {  	s1 =	ssub.s32 @!p0 $0x0, s1;
	[sflag:s0] =	ssyncset.done @!p0 $0x0  }
0x9d: {  	[sflag:s0] =	ssyncadd.s32 @!p0 s1  }
0x9e: {  	[bflag:$0x3] =	sbarrier.arrive $0xFFFF  }
0x9f: {  	_ =	shalt  }

</sc_bundles>
